<compile_context>
chip_gen: v7x
topology: tpu7x:2x2x1
jax: 0.10.2.dev20260603
libtpu: 0.0.44.dev20260713+nightly
codegen_flags: <defaults>
</compile_context>

<pallas_src>
import jax
import jax.numpy as jnp
from jax import lax
from jax.experimental import pallas as pl
from jax.experimental.pallas import tpu as pltpu
from jax.experimental.pallas import tpu_sc as plsc

_K = 100
_KP = 128
_C = 91
_N = 27300
_NW = 8
_NP = 27392
_SH = _NP // _NW
_SNV = _SH // 16
_QP = 304
_CAP = _SH + 16
_BIG = 1 << 28


def _sc_body(prob_hbm, cent_hbm, s_hbm, l_hbm, m_hbm,
             pv, cv, keys, gidx, hist, stk, sgi, lv, mv, mkf, mgf,
             skeys_sh, sgidx_sh):
    cid = lax.axis_index("c")
    sid = lax.axis_index("s")
    img = sid // _NW
    b = img * 2 + cid
    shard = sid % _NW
    is_lead = shard == 0

    pltpu.sync_copy(prob_hbm.at[pl.ds(b * _NP + shard * _SH, _SH)], pv)

    @pl.when(is_lead)
    def _():
        pltpu.sync_copy(cent_hbm.at[pl.ds(b * _QP * 4, _QP * 4)], cv)

    lane = lax.broadcasted_iota(jnp.int32, (16,), 0)
    ones = jnp.ones((16,), jnp.int32)
    zeros16 = jnp.zeros((16,), jnp.int32)
    big16 = jnp.full((16,), _BIG, jnp.int32)

    def clrloop(n):
        @plsc.parallel_loop(0, n, unroll=4)
        def _(j):
            hist[pl.ds(j * 16, 16)] = zeros16

    def suffix_scan(acc0, nbins):
        def scan(t, carry):
            acc, bsel, nab = carry
            bin_ = nbins - 1 - t
            tsum = jnp.sum(hist[pl.ds(bin_ * 16, 16)])
            acc2 = acc + tsum
            found = (acc < _K) & (acc2 >= _K)
            bsel = jnp.where(found, bin_, bsel)
            nab = jnp.where(found, acc, nab)
            return acc2, bsel, nab
        return lax.fori_loop(
            0, nbins, scan, (acc0, jnp.int32(0), jnp.int32(0)))

    clrloop(64)

    @plsc.parallel_loop(0, _SNV, unroll=4)
    def _ha(i):
        k1 = pv[pl.ds(i * 16, 16)]
        plsc.addupdate_scatter(hist, [(k1 >> 24) * 16 + lane], ones)
    _, b1, nab1 = suffix_scan(jnp.int32(0), 64)

    clrloop(256)

    @plsc.parallel_loop(0, _SNV, unroll=4)
    def _hb(i):
        k1 = pv[pl.ds(i * 16, 16)]
        plsc.addupdate_scatter(
            hist, [((k1 >> 16) & 0xFF) * 16 + lane], ones,
            mask=(k1 >> 24) == b1)
    _, b2, _ = suffix_scan(nab1, 256)
    t16 = b1 * 256 + b2

    gbase = shard * _SH

    @plsc.parallel_loop(0, _SNV, unroll=2, carry=jnp.int32(0))
    def s_cnt(i, off):
        k1 = pv[pl.ds(i * 16, 16)]
        m = (k1 >> 16) >= t16
        plsc.store_compressed(keys.at[pl.ds(off, 16)], k1, mask=m)
        plsc.store_compressed(gidx.at[pl.ds(off, 16)],
                              gbase + i * 16 + lane, mask=m)
        return off + plsc.all_reduce_population_count(m)[0]

    plsc.store_scatter(keys, [s_cnt + lane], zeros16)
    plsc.store_scatter(gidx, [s_cnt + lane], big16)
    nv = (s_cnt + 15) // 16

    for j in range(_KP // 16):
        sl = pl.ds(j * 16, 16)
        stk[sl] = zeros16
        sgi[sl] = big16

    lane0 = lane == 0
    neg16 = jnp.full((16,), -1, jnp.int32)

    def emit(k, mkey, midx):
        k16 = jnp.broadcast_to(k, (16,))
        plsc.store_scatter(stk, [k16], jnp.broadcast_to(mkey, (16,)),
                           mask=lane0)
        plsc.store_scatter(sgi, [k16], jnp.broadcast_to(midx, (16,)),
                           mask=lane0)

    def mn_sweep(mkey):
        def mn(j, vi):
            kv = keys[pl.ds(j * 16, 16)]
            return jnp.minimum(
                vi, jnp.where(kv == mkey, gidx[pl.ds(j * 16, 16)],
                              jnp.int32(_BIG)))
        vi = lax.fori_loop(0, nv, mn, big16)
        return jnp.min(vi)

    def mark_sweep(mkey, midx):
        def mark(j, _):
            kv = keys[pl.ds(j * 16, 16)]
            hit = (kv == mkey) & (gidx[pl.ds(j * 16, 16)] == midx)
            keys[pl.ds(j * 16, 16)] = jnp.where(hit, jnp.int32(-1), kv)
            return 0
        lax.fori_loop(0, nv, mark, 0)

    def build_summary(j, sm):
        mj = jnp.max(keys[pl.ds(j * 16, 16)])
        return jnp.where(lane == j, mj, sm)

    @pl.when(nv <= 16)
    def _():
        summary0 = lax.fori_loop(0, nv, build_summary, neg16)

        def sel(k, summary):
            mkey = jnp.max(summary)
            hits = summary == mkey
            nhit = plsc.all_reduce_population_count(hits)[0]
            jstar = plsc.all_reduce_ffs(hits)[0]

            def fast(_):
                sl = pl.ds(jstar * 16, 16)
                kv = keys[sl]
                gv = gidx[sl]
                midx = jnp.min(jnp.where(kv == mkey, gv, jnp.int32(_BIG)))
                kv2 = jnp.where((kv == mkey) & (gv == midx),
                                jnp.int32(-1), kv)
                keys[sl] = kv2
                sm2 = jnp.where(lane == jstar, jnp.max(kv2), summary)
                return midx, sm2

            def slow(_):
                midx = mn_sweep(mkey)
                mark_sweep(mkey, midx)
                sm2 = lax.fori_loop(0, nv, build_summary, neg16)
                return midx, sm2

            midx, sm2 = lax.cond(nhit == 1, fast, slow, 0)
            emit(k, mkey, midx)
            return sm2
        lax.fori_loop(0, _K, sel, summary0)

    @pl.when(nv > 16)
    def _():
        def sel(k, _):
            def mx(j, vm):
                return jnp.maximum(vm, keys[pl.ds(j * 16, 16)])
            vm = lax.fori_loop(0, nv, mx, neg16)
            mkey = jnp.max(vm)
            midx = mn_sweep(mkey)
            mark_sweep(mkey, midx)
            emit(k, mkey, midx)
            return 0
        lax.fori_loop(0, _K, sel, 0)

    slot = img * _NW + shard
    pltpu.sync_copy(stk, skeys_sh.at[pl.ds(slot * _KP, _KP)])
    pltpu.sync_copy(sgi, sgidx_sh.at[pl.ds(slot * _KP, _KP)])
    plsc.subcore_barrier()

    @pl.when(is_lead)
    def _():
        nwk = _NW * _KP
        pltpu.sync_copy(skeys_sh.at[pl.ds(img * nwk, nwk)],
                        mkf.at[pl.ds(0, nwk)])
        pltpu.sync_copy(sgidx_sh.at[pl.ds(img * nwk, nwk)],
                        mgf.at[pl.ds(0, nwk)])
        def padr(j, _):
            mkf[pl.ds(nwk + j * 16, 16)] = zeros16
            mgf[pl.ds(nwk + j * 16, 16)] = big16
            return 0
        lax.fori_loop(0, nwk // 16, padr, 0)

        lane0 = lane == 0

        def mrg(k, cvec):
            hk = plsc.load_gather(mkf, [lane * _KP + cvec])
            hg = plsc.load_gather(mgf, [lane * _KP + cvec])
            bk = jnp.max(hk)
            bg = jnp.min(jnp.where(hk == bk, hg, jnp.int32(_BIG)))
            win = (hk == bk) & (hg == bg)
            k16 = jnp.broadcast_to(k, (16,))
            plsc.store_scatter(stk, [k16], jnp.broadcast_to(bk, (16,)),
                               mask=lane0)
            plsc.store_scatter(sgi, [k16], jnp.broadcast_to(bg, (16,)),
                               mask=lane0)
            return cvec + win.astype(jnp.int32)
        lax.fori_loop(0, _K, mrg, jnp.zeros((16,), jnp.int32))

        for j in range(_KP // 16):
            sl = pl.ds(j * 16, 16)
            g = sgi[sl]
            box = jnp.minimum(g // _C, _QP - 1)
            lv[sl] = g - box * _C
            bx = box * 4
            t63 = (plsc.load_gather(cv, [bx])
                   + plsc.load_gather(cv, [bx + 2])) * 0.5
            t64 = (plsc.load_gather(cv, [bx + 1])
                   + plsc.load_gather(cv, [bx + 3])) * 0.5
            a = (t63 + t64) * 0.5
            mv[sl] = (a > 0.5).astype(jnp.int32)

        pltpu.sync_copy(stk, s_hbm.at[pl.ds(b * _KP, _KP)])
        pltpu.sync_copy(lv, l_hbm.at[pl.ds(b * _KP, _KP)])
        pltpu.sync_copy(mv, m_hbm.at[pl.ds(b * _KP, _KP)])


def kernel(pred_logits, pred_masks, target_sizes):
    B, Q, C = pred_logits.shape
    prob = jax.nn.sigmoid(pred_logits).reshape(B, Q * C)
    probp = jnp.pad(prob, ((0, 0), (0, _NP - _N)))
    probp = jax.lax.bitcast_convert_type(probp, jnp.int32).reshape(B * _NP)
    centers = pred_masks[:, :, 63:65, 63:65]
    centers = centers.astype(jnp.float16).astype(jnp.float32).reshape(B, Q, 4)
    cent = jnp.pad(centers, ((0, 0), (0, _QP - Q), (0, 0))).reshape(B * _QP * 4)

    mesh = plsc.VectorSubcoreMesh(core_axis_name="c", subcore_axis_name="s")
    s, l, mb = pl.kernel(
        _sc_body,
        mesh=mesh,
        compiler_params=pltpu.CompilerParams(needs_layout_passes=False),
        out_type=[
            jax.ShapeDtypeStruct((B * _KP,), jnp.int32),
            jax.ShapeDtypeStruct((B * _KP,), jnp.int32),
            jax.ShapeDtypeStruct((B * _KP,), jnp.int32),
        ],
        scratch_types=[
            pltpu.VMEM((_SH,), jnp.int32),
            pltpu.VMEM((_QP * 4,), jnp.float32),
            pltpu.VMEM((_CAP,), jnp.int32),
            pltpu.VMEM((_CAP,), jnp.int32),
            pltpu.VMEM((4096,), jnp.int32),
            pltpu.VMEM((_KP,), jnp.int32),
            pltpu.VMEM((_KP,), jnp.int32),
            pltpu.VMEM((_KP,), jnp.int32),
            pltpu.VMEM((_KP,), jnp.int32),
            pltpu.VMEM((2 * _NW * _KP,), jnp.int32),
            pltpu.VMEM((2 * _NW * _KP,), jnp.int32),
            pltpu.VMEM_SHARED((2 * _NW * _KP,), jnp.int32),
            pltpu.VMEM_SHARED((2 * _NW * _KP,), jnp.int32),
        ],
    )(probp, cent)
    s = s.reshape(B, _KP)
    l = l.reshape(B, _KP)
    mb = mb.reshape(B, _KP)
    scores = jax.lax.bitcast_convert_type(s[:, :_K], jnp.float32)
    labels = l[:, :_K]
    masks = mb[:, :_K].astype(bool).reshape(B, _K, 1, 1)
    return masks, scores, labels

# --- scband reference (transcript-rebuilt; emitter-appended) ---
"""Pipeline reference for scband-post-process-segm-6399501271293 (READ-ONLY COPY).

The authoritative reference and input builder live on the scoring server;
editing this copy changes nothing except your own understanding.
"""

import jax, jax.numpy as jnp
import numpy as np


def setup_inputs(seed: int = 0) -> dict:
    key = jax.random.key(seed)
    k1, k2 = jax.random.split(key)
    pred_logits = jax.random.normal(k1, (4, 300, 91), dtype=jnp.float32)
    pred_masks = jax.random.normal(k2, (4, 300, 128, 128), dtype=jnp.float32)
    target_sizes = jnp.ones((4, 2), dtype=jnp.int64)
    return {"pred_logits": pred_logits, "pred_masks": pred_masks, "target_sizes": target_sizes}


def reference(pred_logits, pred_masks, target_sizes):
    threshold = 0.5
    B, Q, C = pred_logits.shape
    # prob = logits.sigmoid(); topk over flattened [B, Q*C]
    prob = jax.nn.sigmoid(pred_logits)
    flat = prob.reshape(B, -1)
    topk_values, topk_indexes = jax.lax.top_k(flat, 100)
    scores = topk_values
    topk_boxes = topk_indexes // C
    labels = topk_indexes % C
    masks_out = []
    for i in range(B):
        # gather the masks corresponding to the top-100 boxes
        m = jnp.take(pred_masks[i], topk_boxes[i], axis=0)  # [100, H, W]
        img_h = 1
        img_w = 1
        # torch casts to half, bilinear resize (align_corners=False, no antialias), then threshold
        m_half = m.astype(jnp.float16)
        resized = jax.image.resize(m_half, (m.shape[0], img_h, img_w), method="bilinear", antialias=False)
        thr = threshold + (target_sizes[i, 0] * 0 + target_sizes[i, 1] * 0).astype(resized.dtype)
        masks_out.append(resized > thr)
    masks = jnp.stack(masks_out, axis=0)  # [B, 100, img_h, img_w] bool (uniform sizes here)
    return (masks, scores, labels)

if __name__ == "__main__":
    import jax
    _d = setup_inputs()
    print(jax.jit(kernel)(*tuple(_d.values())))

</pallas_src>

<mosaic_0001>
#map = affine_map<(d0, d1) -> (0)>
module attributes {stable_mosaic.version = 14 : i64} {
  func.func @_sc_body(%arg0: i32, %arg1: i32, %arg2: memref<109568xi32, #tpu.memory_space<hbm>>, %arg3: memref<4864xf32, #tpu.memory_space<hbm>>, %arg4: memref<512xi32, #tpu.memory_space<hbm>>, %arg5: memref<512xi32, #tpu.memory_space<hbm>>, %arg6: memref<512xi32, #tpu.memory_space<hbm>>, %arg7: memref<3424xi32, #tpu.memory_space<vmem>>, %arg8: memref<1216xf32, #tpu.memory_space<vmem>>, %arg9: memref<3440xi32, #tpu.memory_space<vmem>>, %arg10: memref<3440xi32, #tpu.memory_space<vmem>>, %arg11: memref<4096xi32, #tpu.memory_space<vmem>>, %arg12: memref<128xi32, #tpu.memory_space<vmem>>, %arg13: memref<128xi32, #tpu.memory_space<vmem>>, %arg14: memref<128xi32, #tpu.memory_space<vmem>>, %arg15: memref<128xi32, #tpu.memory_space<vmem>>, %arg16: memref<2048xi32, #tpu.memory_space<vmem>>, %arg17: memref<2048xi32, #tpu.memory_space<vmem>>, %arg18: memref<2048xi32, #tpu.memory_space<vmem_shared>>, %arg19: memref<2048xi32, #tpu.memory_space<vmem_shared>>) attributes {dimension_semantics = [#tpu.dimension_semantics<core_parallel>, #tpu.dimension_semantics<subcore_parallel>], iteration_bounds = array<i64: 2, 16>, scalar_prefetch = 0 : i64, scratch_operands = 13 : i64, tpu.core_type = #tpu.core_type<sc_vector_subcore>, window_params = [{transform_indices = #map}, {transform_indices = #map}, {transform_indices = #map}, {transform_indices = #map}, {transform_indices = #map}]} {
    %jit3A = arith.constant 8 : i32
    %div3A = arith.divsi %arg1, %jit3A : i32
    %sign3A = arith.constant 0 : i32
    %sign3A_0 = arith.cmpi sgt, %arg1, %sign3A : i32
    %sign3A_1 = arith.extui %sign3A_0 : i1 to i32
    %sign3A_2 = arith.constant 0 : i32
    %sign3A_3 = arith.cmpi slt, %arg1, %sign3A_2 : i32
    %sign3A_4 = arith.extui %sign3A_3 : i1 to i32
    %sign3A_5 = arith.subi %sign3A_1, %sign3A_4 : i32
    %sign3A_6 = arith.constant 0 : i32
    %sign3A_7 = arith.cmpi sgt, %jit3A, %sign3A_6 : i32
    %sign3A_8 = arith.extui %sign3A_7 : i1 to i32
    %sign3A_9 = arith.constant 0 : i32
    %sign3A_10 = arith.cmpi slt, %jit3A, %sign3A_9 : i32
    %sign3A_11 = arith.extui %sign3A_10 : i1 to i32
    %sign3A_12 = arith.subi %sign3A_8, %sign3A_11 : i32
    %ne3A = arith.cmpi ne, %sign3A_5, %sign3A_12 : i32
    %rem3A = arith.remsi %arg1, %jit3A : i32
    %ne3A_13 = arith.constant 0 : i32
    %ne3A_14 = arith.cmpi ne, %rem3A, %ne3A_13 : i32
    %and3A = arith.andi %ne3A, %ne3A_14 : i1
    %sub3A = arith.constant 1 : i32
    %sub3A_15 = arith.subi %div3A, %sub3A : i32
    %select_n3A = arith.select %and3A, %sub3A_15, %div3A : i32
    %mul3A = arith.constant 2 : i32
    %mul3A_16 = arith.muli %select_n3A, %mul3A : i32
    %add3A = arith.addi %mul3A_16, %arg0 : i32
    %jit3A_17 = arith.constant 8 : i32
    %eq3A = arith.constant 0 : i32
    %eq3A_18 = arith.cmpi eq, %jit3A_17, %eq3A : i32
    %jit3A_19 = arith.constant 1 : i32
    %select_n3A_20 = arith.select %eq3A_18, %jit3A_19, %jit3A_17 : i32
    %rem3A_21 = arith.remsi %arg1, %select_n3A_20 : i32
    %ne3A_22 = arith.constant 0 : i32
    %ne3A_23 = arith.cmpi ne, %rem3A_21, %ne3A_22 : i32
    %lt3A = arith.constant 0 : i32
    %lt3A_24 = arith.cmpi slt, %rem3A_21, %lt3A : i32
    %lt3A_25 = arith.constant 0 : i32
    %lt3A_26 = arith.cmpi slt, %select_n3A_20, %lt3A_25 : i32
    %ne3A_27 = arith.xori %lt3A_24, %lt3A_26 : i1
    %and3A_28 = arith.andi %ne3A_27, %ne3A_23 : i1
    %add3A_29 = arith.addi %rem3A_21, %select_n3A_20 : i32
    %select_n3A_30 = arith.select %and3A_28, %add3A_29, %rem3A_21 : i32
    %eq3A_31 = arith.constant 0 : i32
    %eq3A_32 = arith.cmpi eq, %select_n3A_30, %eq3A_31 : i32
    %mul3A_33 = arith.constant 27392 : i32
    %mul3A_34 = arith.muli %add3A, %mul3A_33 : i32
    %mul3A_35 = arith.constant 3424 : i32
    %mul3A_36 = arith.muli %select_n3A_30, %mul3A_35 : i32
    %add3A_37 = arith.addi %mul3A_34, %mul3A_36 : i32
    "tpu.region"() ({
      %run_scoped3A = tpu.sem_alloc : memref<!tpu.dma_semaphore, #tpu.memory_space<semaphore_mem>>
      %dma_start3A = tpu.memref_slice %arg2[%add3A_37] : memref<109568xi32, #tpu.memory_space<hbm>> -> memref<3424xi32, #tpu.memory_space<hbm>>
      %dma_start3A_165 = tpu.memref_slice %arg2[%add3A_37] : memref<109568xi32, #tpu.memory_space<hbm>> -> memref<3424xi32, #tpu.memory_space<hbm>>
      tpu.enqueue_dma source(%dma_start3A_165 : memref<3424xi32, #tpu.memory_space<hbm>>) target(%arg7 : memref<3424xi32, #tpu.memory_space<vmem>>) target_semaphore(%run_scoped3A : memref<!tpu.dma_semaphore, #tpu.memory_space<semaphore_mem>>)
      %dma_wait3A = tpu.memref_slice %arg2[%add3A_37] : memref<109568xi32, #tpu.memory_space<hbm>> -> memref<3424xi32, #tpu.memory_space<hbm>>
      %dma_wait3A_166 = tpu.memref_slice %arg2[%add3A_37] : memref<109568xi32, #tpu.memory_space<hbm>> -> memref<3424xi32, #tpu.memory_space<hbm>>
      tpu.wait_dma2 semaphore(%run_scoped3A : memref<!tpu.dma_semaphore, #tpu.memory_space<semaphore_mem>>) src(%dma_wait3A_166 : memref<3424xi32, #tpu.memory_space<hbm>>) dst(%arg7 : memref<3424xi32, #tpu.memory_space<vmem>>)
      tpu.yield
    }) : () -> ()
    %convert_element_type3A = arith.extui %eq3A_32 : i1 to i32
    %cond3A = arith.constant 0 : i32
    %cond3A_38 = arith.cmpi ne, %convert_element_type3A, %cond3A : i32
    scf.if %cond3A_38 {
      %mul3A_165 = arith.constant 304 : i32
      %mul3A_166 = arith.muli %add3A, %mul3A_165 : i32
      %mul3A_167 = arith.constant 4 : i32
      %mul3A_168 = arith.muli %mul3A_166, %mul3A_167 : i32
      "tpu.region"() ({
        %run_scoped3A = tpu.sem_alloc : memref<!tpu.dma_semaphore, #tpu.memory_space<semaphore_mem>>
        %dma_start3A = tpu.memref_slice %arg3[%mul3A_168] : memref<4864xf32, #tpu.memory_space<hbm>> -> memref<1216xf32, #tpu.memory_space<hbm>>
        %dma_start3A_169 = tpu.memref_slice %arg3[%mul3A_168] : memref<4864xf32, #tpu.memory_space<hbm>> -> memref<1216xf32, #tpu.memory_space<hbm>>
        tpu.enqueue_dma source(%dma_start3A_169 : memref<1216xf32, #tpu.memory_space<hbm>>) target(%arg8 : memref<1216xf32, #tpu.memory_space<vmem>>) target_semaphore(%run_scoped3A : memref<!tpu.dma_semaphore, #tpu.memory_space<semaphore_mem>>)
        %dma_wait3A = tpu.memref_slice %arg3[%mul3A_168] : memref<4864xf32, #tpu.memory_space<hbm>> -> memref<1216xf32, #tpu.memory_space<hbm>>
        %dma_wait3A_170 = tpu.memref_slice %arg3[%mul3A_168] : memref<4864xf32, #tpu.memory_space<hbm>> -> memref<1216xf32, #tpu.memory_space<hbm>>
        tpu.wait_dma2 semaphore(%run_scoped3A : memref<!tpu.dma_semaphore, #tpu.memory_space<semaphore_mem>>) src(%dma_wait3A_170 : memref<1216xf32, #tpu.memory_space<hbm>>) dst(%arg8 : memref<1216xf32, #tpu.memory_space<vmem>>)
        tpu.yield
      }) : () -> ()
    } else {
    }
    %iota3A = tpu.iota {dimensions = array<i32: 0>} : vector<16xi32>
    %broadcast_in_dim3A = arith.constant 1 : i32
    %broadcast_in_dim3A_39 = vector.broadcast %broadcast_in_dim3A : i32 to vector<16xi32>
    %broadcast_in_dim3A_40 = arith.constant 0 : i32
    %broadcast_in_dim3A_41 = vector.broadcast %broadcast_in_dim3A_40 : i32 to vector<16xi32>
    %broadcast_in_dim3A_42 = arith.constant 268435456 : i32
    %broadcast_in_dim3A_43 = vector.broadcast %broadcast_in_dim3A_42 : i32 to vector<16xi32>
    %parallel_loop3A = arith.constant 0 : i32
    %parallel_loop3A_44 = arith.constant 64 : i32
    %parallel_loop3A_45 = arith.constant 1 : i32
    scf.for %parallel_loop3A_165 = %parallel_loop3A to %parallel_loop3A_44 step %parallel_loop3A_45  : i32 {
      %parallel_loop3A_166 = arith.constant 16 : i32
      %parallel_loop3A_167 = arith.muli %parallel_loop3A_165, %parallel_loop3A_166 : i32
      %parallel_loop3A_168 = arith.index_cast %parallel_loop3A_167 : i32 to index
      %parallel_loop3A_169 = tpu.vector_load %arg11[%parallel_loop3A_168] {strides = array<i32>} : memref<4096xi32, #tpu.memory_space<vmem>>, vector<16xi32>,
      tpu.vector_store %arg11[%parallel_loop3A_168], %broadcast_in_dim3A_41 {strides = array<i32>} : memref<4096xi32, #tpu.memory_space<vmem>>, vector<16xi32>,
    } {sc.loop_unroll_factor = 4 : i64, sc.parallel_access}
    %parallel_loop3A_46 = arith.constant 0 : i32
    %parallel_loop3A_47 = arith.constant 214 : i32
    %parallel_loop3A_48 = arith.constant 1 : i32
    scf.for %parallel_loop3A_165 = %parallel_loop3A_46 to %parallel_loop3A_47 step %parallel_loop3A_48  : i32 {
      %parallel_loop3A_166 = arith.constant 16 : i32
      %parallel_loop3A_167 = arith.muli %parallel_loop3A_165, %parallel_loop3A_166 : i32
      %parallel_loop3A_168 = arith.index_cast %parallel_loop3A_167 : i32 to index
      %parallel_loop3A_169 = tpu.vector_load %arg7[%parallel_loop3A_168] {strides = array<i32>} : memref<3424xi32, #tpu.memory_space<vmem>>, vector<16xi32>,
      %parallel_loop3A_170 = arith.constant 24 : i32
      %parallel_loop3A_171 = vector.broadcast %parallel_loop3A_170 : i32 to vector<16xi32>
      %parallel_loop3A_172 = arith.shrsi %parallel_loop3A_169, %parallel_loop3A_171 : vector<16xi32>
      %parallel_loop3A_173 = arith.constant 16 : i32
      %parallel_loop3A_174 = vector.broadcast %parallel_loop3A_173 : i32 to vector<16xi32>
      %parallel_loop3A_175 = arith.muli %parallel_loop3A_172, %parallel_loop3A_174 : vector<16xi32>
      %parallel_loop3A_176 = arith.addi %parallel_loop3A_175, %iota3A : vector<16xi32>
      tpu.vector_store_idx %arg11[%parallel_loop3A_176], %broadcast_in_dim3A_39 {add = true} : memref<4096xi32, #tpu.memory_space<vmem>>[vector<16xi32>], vector<16xi32>,
    } {sc.loop_unroll_factor = 4 : i64, sc.parallel_access}
    %scan3A = arith.constant 0 : i32
    %scan3A_49 = arith.constant 0 : i32
    %scan3A_50 = arith.constant 0 : i32
    %scan3A_51 = arith.constant 0 : i32
    %scan3A_52 = arith.constant 64 : i32
    %scan3A_53 = arith.addi %scan3A_51, %scan3A_52 : i32
    %scan3A_54 = arith.constant 1 : i32
    %scan3A_55:3 = scf.for %scan3A_165 = %scan3A_51 to %scan3A_53 step %scan3A_54 iter_args(%scan3A_166 = %scan3A, %scan3A_167 = %scan3A_49, %scan3A_168 = %scan3A_50) -> (i32, i32, i32)  : i32 {
      %sub3A_169 = arith.constant 63 : i32
      %sub3A_170 = arith.subi %sub3A_169, %scan3A_165 : i32
      %mul3A_171 = arith.constant 16 : i32
      %mul3A_172 = arith.muli %sub3A_170, %mul3A_171 : i32
      %get3A = arith.index_cast %mul3A_172 : i32 to index
      %get3A_173 = tpu.vector_load %arg11[%get3A] {strides = array<i32>} : memref<4096xi32, #tpu.memory_space<vmem>>, vector<16xi32>,
      %reduce_sum3A = arith.constant true
      %reduce_sum3A_174 = vector.broadcast %reduce_sum3A : i1 to vector<16xi1>
      %reduce_sum3A_175 = tpu.scan <sum>, %get3A_173 masked %reduce_sum3A_174 : vector<16xi32>, vector<16xi1> -> vector<16xi32>
      %reduce_sum3A_176 = vector.extract %reduce_sum3A_175[15] : i32 from vector<16xi32>
      %add3A_177 = arith.addi %scan3A_166, %reduce_sum3A_176 : i32
      %lt3A_178 = arith.constant 100 : i32
      %lt3A_179 = arith.cmpi slt, %scan3A_166, %lt3A_178 : i32
      %ge3A = arith.constant 100 : i32
      %ge3A_180 = arith.cmpi sge, %add3A_177, %ge3A : i32
      %and3A_181 = arith.andi %lt3A_179, %ge3A_180 : i1
      %select_n3A_182 = arith.select %and3A_181, %sub3A_170, %scan3A_167 : i32
      %select_n3A_183 = arith.select %and3A_181, %scan3A_166, %scan3A_168 : i32
      scf.yield %add3A_177, %select_n3A_182, %select_n3A_183 : i32, i32, i32
    }
    %scan3A_56 = arith.constant 64 : i32
    %parallel_loop3A_57 = arith.constant 0 : i32
    %parallel_loop3A_58 = arith.constant 256 : i32
    %parallel_loop3A_59 = arith.constant 1 : i32
    scf.for %parallel_loop3A_165 = %parallel_loop3A_57 to %parallel_loop3A_58 step %parallel_loop3A_59  : i32 {
      %parallel_loop3A_166 = arith.constant 16 : i32
      %parallel_loop3A_167 = arith.muli %parallel_loop3A_165, %parallel_loop3A_166 : i32
      %parallel_loop3A_168 = arith.index_cast %parallel_loop3A_167 : i32 to index
      %parallel_loop3A_169 = tpu.vector_load %arg11[%parallel_loop3A_168] {strides = array<i32>} : memref<4096xi32, #tpu.memory_space<vmem>>, vector<16xi32>,
      tpu.vector_store %arg11[%parallel_loop3A_168], %broadcast_in_dim3A_41 {strides = array<i32>} : memref<4096xi32, #tpu.memory_space<vmem>>, vector<16xi32>,
    } {sc.loop_unroll_factor = 4 : i64, sc.parallel_access}
    %parallel_loop3A_60 = arith.constant 0 : i32
    %parallel_loop3A_61 = arith.constant 214 : i32
    %parallel_loop3A_62 = arith.constant 1 : i32
    scf.for %parallel_loop3A_165 = %parallel_loop3A_60 to %parallel_loop3A_61 step %parallel_loop3A_62  : i32 {
      %parallel_loop3A_166 = arith.constant 16 : i32
      %parallel_loop3A_167 = arith.muli %parallel_loop3A_165, %parallel_loop3A_166 : i32
      %parallel_loop3A_168 = arith.index_cast %parallel_loop3A_167 : i32 to index
      %parallel_loop3A_169 = tpu.vector_load %arg7[%parallel_loop3A_168] {strides = array<i32>} : memref<3424xi32, #tpu.memory_space<vmem>>, vector<16xi32>,
      %parallel_loop3A_170 = arith.constant 16 : i32
      %parallel_loop3A_171 = vector.broadcast %parallel_loop3A_170 : i32 to vector<16xi32>
      %parallel_loop3A_172 = arith.shrsi %parallel_loop3A_169, %parallel_loop3A_171 : vector<16xi32>
      %parallel_loop3A_173 = arith.constant 255 : i32
      %parallel_loop3A_174 = vector.broadcast %parallel_loop3A_173 : i32 to vector<16xi32>
      %parallel_loop3A_175 = arith.andi %parallel_loop3A_172, %parallel_loop3A_174 : vector<16xi32>
      %parallel_loop3A_176 = arith.constant 16 : i32
      %parallel_loop3A_177 = vector.broadcast %parallel_loop3A_176 : i32 to vector<16xi32>
      %parallel_loop3A_178 = arith.muli %parallel_loop3A_175, %parallel_loop3A_177 : vector<16xi32>
      %parallel_loop3A_179 = arith.addi %parallel_loop3A_178, %iota3A : vector<16xi32>
      %parallel_loop3A_180 = arith.constant 24 : i32
      %parallel_loop3A_181 = vector.broadcast %parallel_loop3A_180 : i32 to vector<16xi32>
      %parallel_loop3A_182 = arith.shrsi %parallel_loop3A_169, %parallel_loop3A_181 : vector<16xi32>
      %parallel_loop3A_183 = vector.broadcast %scan3A_55#1 : i32 to vector<16xi32>
      %parallel_loop3A_184 = arith.cmpi eq, %parallel_loop3A_182, %parallel_loop3A_183 : vector<16xi32>
      tpu.vector_store_idx %arg11[%parallel_loop3A_179], %broadcast_in_dim3A_39 masked %parallel_loop3A_184 {add = true} : memref<4096xi32, #tpu.memory_space<vmem>>[vector<16xi32>], vector<16xi32>, vector<16xi1>
    } {sc.loop_unroll_factor = 4 : i64, sc.parallel_access}
    %scan3A_63 = arith.constant 0 : i32
    %scan3A_64 = arith.constant 0 : i32
    %scan3A_65 = arith.constant 0 : i32
    %scan3A_66 = arith.constant 256 : i32
    %scan3A_67 = arith.addi %scan3A_65, %scan3A_66 : i32
    %scan3A_68 = arith.constant 1 : i32
    %scan3A_69:3 = scf.for %scan3A_165 = %scan3A_65 to %scan3A_67 step %scan3A_68 iter_args(%scan3A_166 = %scan3A_55#2, %scan3A_167 = %scan3A_63, %scan3A_168 = %scan3A_64) -> (i32, i32, i32)  : i32 {
      %sub3A_169 = arith.constant 255 : i32
      %sub3A_170 = arith.subi %sub3A_169, %scan3A_165 : i32
      %mul3A_171 = arith.constant 16 : i32
      %mul3A_172 = arith.muli %sub3A_170, %mul3A_171 : i32
      %get3A = arith.index_cast %mul3A_172 : i32 to index
      %get3A_173 = tpu.vector_load %arg11[%get3A] {strides = array<i32>} : memref<4096xi32, #tpu.memory_space<vmem>>, vector<16xi32>,
      %reduce_sum3A = arith.constant true
      %reduce_sum3A_174 = vector.broadcast %reduce_sum3A : i1 to vector<16xi1>
      %reduce_sum3A_175 = tpu.scan <sum>, %get3A_173 masked %reduce_sum3A_174 : vector<16xi32>, vector<16xi1> -> vector<16xi32>
      %reduce_sum3A_176 = vector.extract %reduce_sum3A_175[15] : i32 from vector<16xi32>
      %add3A_177 = arith.addi %scan3A_166, %reduce_sum3A_176 : i32
      %lt3A_178 = arith.constant 100 : i32
      %lt3A_179 = arith.cmpi slt, %scan3A_166, %lt3A_178 : i32
      %ge3A = arith.constant 100 : i32
      %ge3A_180 = arith.cmpi sge, %add3A_177, %ge3A : i32
      %and3A_181 = arith.andi %lt3A_179, %ge3A_180 : i1
      %select_n3A_182 = arith.select %and3A_181, %sub3A_170, %scan3A_167 : i32
      %select_n3A_183 = arith.select %and3A_181, %scan3A_166, %scan3A_168 : i32
      scf.yield %add3A_177, %select_n3A_182, %select_n3A_183 : i32, i32, i32
    }
    %scan3A_70 = arith.constant 256 : i32
    %mul3A_71 = arith.constant 256 : i32
    %mul3A_72 = arith.muli %scan3A_55#1, %mul3A_71 : i32
    %add3A_73 = arith.addi %mul3A_72, %scan3A_69#1 : i32
    %mul3A_74 = arith.constant 3424 : i32
    %mul3A_75 = arith.muli %select_n3A_30, %mul3A_74 : i32
    %parallel_loop3A_76 = arith.constant 0 : i32
    %parallel_loop3A_77 = arith.constant 214 : i32
    %parallel_loop3A_78 = arith.constant 1 : i32
    %parallel_loop3A_79 = arith.constant 0 : i32
    %parallel_loop3A_80 = scf.for %parallel_loop3A_165 = %parallel_loop3A_76 to %parallel_loop3A_77 step %parallel_loop3A_78 iter_args(%parallel_loop3A_166 = %parallel_loop3A_79) -> (i32)  : i32 {
      %parallel_loop3A_167 = arith.constant 16 : i32
      %parallel_loop3A_168 = arith.muli %parallel_loop3A_165, %parallel_loop3A_167 : i32
      %parallel_loop3A_169 = arith.index_cast %parallel_loop3A_168 : i32 to index
      %parallel_loop3A_170 = tpu.vector_load %arg7[%parallel_loop3A_169] {strides = array<i32>} : memref<3424xi32, #tpu.memory_space<vmem>>, vector<16xi32>,
      %parallel_loop3A_171 = arith.constant 16 : i32
      %parallel_loop3A_172 = vector.broadcast %parallel_loop3A_171 : i32 to vector<16xi32>
      %parallel_loop3A_173 = arith.shrsi %parallel_loop3A_170, %parallel_loop3A_172 : vector<16xi32>
      %parallel_loop3A_174 = vector.broadcast %add3A_73 : i32 to vector<16xi32>
      %parallel_loop3A_175 = arith.cmpi sge, %parallel_loop3A_173, %parallel_loop3A_174 : vector<16xi32>
      %parallel_loop3A_176 = arith.index_cast %parallel_loop3A_166 : i32 to index
      %parallel_loop3A_177 = tpu.vector_load %arg9[%parallel_loop3A_176] masked %parallel_loop3A_175 {strides = array<i32>} : memref<3440xi32, #tpu.memory_space<vmem>>, vector<16xi32>, vector<16xi1>
      tpu.vector_store %arg9[%parallel_loop3A_176], %parallel_loop3A_170 masked %parallel_loop3A_175 {strides = array<i32>} : memref<3440xi32, #tpu.memory_space<vmem>>, vector<16xi32>, vector<16xi1>
      %parallel_loop3A_178 = arith.constant 16 : i32
      %parallel_loop3A_179 = arith.muli %parallel_loop3A_165, %parallel_loop3A_178 : i32
      %parallel_loop3A_180 = arith.addi %mul3A_75, %parallel_loop3A_179 : i32
      %parallel_loop3A_181 = vector.broadcast %parallel_loop3A_180 : i32 to vector<16xi32>
      %parallel_loop3A_182 = arith.addi %parallel_loop3A_181, %iota3A : vector<16xi32>
      %parallel_loop3A_183 = arith.index_cast %parallel_loop3A_166 : i32 to index
      %parallel_loop3A_184 = tpu.vector_load %arg10[%parallel_loop3A_183] masked %parallel_loop3A_175 {strides = array<i32>} : memref<3440xi32, #tpu.memory_space<vmem>>, vector<16xi32>, vector<16xi1>
      tpu.vector_store %arg10[%parallel_loop3A_183], %parallel_loop3A_182 masked %parallel_loop3A_175 {strides = array<i32>} : memref<3440xi32, #tpu.memory_space<vmem>>, vector<16xi32>, vector<16xi1>
      %parallel_loop3A_185 = tpu.all_reduce %parallel_loop3A_175 {dim = 0 : i64, kind = #tpu.reduction_kind<sum>} : vector<16xi1> -> vector<16xi32>
      %parallel_loop3A_186 = vector.extract_strided_slice %parallel_loop3A_185 {offsets = [0], sizes = [1], strides = [1]} : vector<16xi32> to vector<1xi32>
      %parallel_loop3A_187 = vector.extract %parallel_loop3A_186[0] : i32 from vector<1xi32>
      %parallel_loop3A_188 = arith.addi %parallel_loop3A_166, %parallel_loop3A_187 : i32
      scf.yield %parallel_loop3A_188 : i32
    } {sc.loop_unroll_factor = 2 : i64, sc.parallel_access}
    %add3A_81 = vector.broadcast %parallel_loop3A_80 : i32 to vector<16xi32>
    %add3A_82 = arith.addi %add3A_81, %iota3A : vector<16xi32>
    tpu.vector_store_idx %arg9[%add3A_82], %broadcast_in_dim3A_41 : memref<3440xi32, #tpu.memory_space<vmem>>[vector<16xi32>], vector<16xi32>,
    %add3A_83 = vector.broadcast %parallel_loop3A_80 : i32 to vector<16xi32>
    %add3A_84 = arith.addi %add3A_83, %iota3A : vector<16xi32>
    tpu.vector_store_idx %arg10[%add3A_84], %broadcast_in_dim3A_43 : memref<3440xi32, #tpu.memory_space<vmem>>[vector<16xi32>], vector<16xi32>,
    %add3A_85 = arith.constant 15 : i32
    %add3A_86 = arith.addi %parallel_loop3A_80, %add3A_85 : i32
    %jit3A_87 = arith.constant 16 : i32
    %div3A_88 = arith.divsi %add3A_86, %jit3A_87 : i32
    %sign3A_89 = arith.constant 0 : i32
    %sign3A_90 = arith.cmpi sgt, %add3A_86, %sign3A_89 : i32
    %sign3A_91 = arith.extui %sign3A_90 : i1 to i32
    %sign3A_92 = arith.constant 0 : i32
    %sign3A_93 = arith.cmpi slt, %add3A_86, %sign3A_92 : i32
    %sign3A_94 = arith.extui %sign3A_93 : i1 to i32
    %sign3A_95 = arith.subi %sign3A_91, %sign3A_94 : i32
    %sign3A_96 = arith.constant 0 : i32
    %sign3A_97 = arith.cmpi sgt, %jit3A_87, %sign3A_96 : i32
    %sign3A_98 = arith.extui %sign3A_97 : i1 to i32
    %sign3A_99 = arith.constant 0 : i32
    %sign3A_100 = arith.cmpi slt, %jit3A_87, %sign3A_99 : i32
    %sign3A_101 = arith.extui %sign3A_100 : i1 to i32
    %sign3A_102 = arith.subi %sign3A_98, %sign3A_101 : i32
    %ne3A_103 = arith.cmpi ne, %sign3A_95, %sign3A_102 : i32
    %rem3A_104 = arith.remsi %add3A_86, %jit3A_87 : i32
    %ne3A_105 = arith.constant 0 : i32
    %ne3A_106 = arith.cmpi ne, %rem3A_104, %ne3A_105 : i32
    %and3A_107 = arith.andi %ne3A_103, %ne3A_106 : i1
    %sub3A_108 = arith.constant 1 : i32
    %sub3A_109 = arith.subi %div3A_88, %sub3A_108 : i32
    %select_n3A_110 = arith.select %and3A_107, %sub3A_109, %div3A_88 : i32
    %swap3A = arith.constant 0 : index
    %swap3A_111 = tpu.vector_load %arg12[%swap3A] {strides = array<i32>} : memref<128xi32, #tpu.memory_space<vmem>>, vector<16xi32>,
    tpu.vector_store %arg12[%swap3A], %broadcast_in_dim3A_41 {strides = array<i32>} : memref<128xi32, #tpu.memory_space<vmem>>, vector<16xi32>,
    %swap3A_112 = arith.constant 0 : index
    %swap3A_113 = tpu.vector_load %arg13[%swap3A_112] {strides = array<i32>} : memref<128xi32, #tpu.memory_space<vmem>>, vector<16xi32>,
    tpu.vector_store %arg13[%swap3A_112], %broadcast_in_dim3A_43 {strides = array<i32>} : memref<128xi32, #tpu.memory_space<vmem>>, vector<16xi32>,
    %swap3A_114 = arith.constant 16 : index
    %swap3A_115 = tpu.vector_load %arg12[%swap3A_114] {strides = array<i32>} : memref<128xi32, #tpu.memory_space<vmem>>, vector<16xi32>,
    tpu.vector_store %arg12[%swap3A_114], %broadcast_in_dim3A_41 {strides = array<i32>} : memref<128xi32, #tpu.memory_space<vmem>>, vector<16xi32>,
    %swap3A_116 = arith.constant 16 : index
    %swap3A_117 = tpu.vector_load %arg13[%swap3A_116] {strides = array<i32>} : memref<128xi32, #tpu.memory_space<vmem>>, vector<16xi32>,
    tpu.vector_store %arg13[%swap3A_116], %broadcast_in_dim3A_43 {strides = array<i32>} : memref<128xi32, #tpu.memory_space<vmem>>, vector<16xi32>,
    %swap3A_118 = arith.constant 32 : index
    %swap3A_119 = tpu.vector_load %arg12[%swap3A_118] {strides = array<i32>} : memref<128xi32, #tpu.memory_space<vmem>>, vector<16xi32>,
    tpu.vector_store %arg12[%swap3A_118], %broadcast_in_dim3A_41 {strides = array<i32>} : memref<128xi32, #tpu.memory_space<vmem>>, vector<16xi32>,
    %swap3A_120 = arith.constant 32 : index
    %swap3A_121 = tpu.vector_load %arg13[%swap3A_120] {strides = array<i32>} : memref<128xi32, #tpu.memory_space<vmem>>, vector<16xi32>,
    tpu.vector_store %arg13[%swap3A_120], %broadcast_in_dim3A_43 {strides = array<i32>} : memref<128xi32, #tpu.memory_space<vmem>>, vector<16xi32>,
    %swap3A_122 = arith.constant 48 : index
    %swap3A_123 = tpu.vector_load %arg12[%swap3A_122] {strides = array<i32>} : memref<128xi32, #tpu.memory_space<vmem>>, vector<16xi32>,
    tpu.vector_store %arg12[%swap3A_122], %broadcast_in_dim3A_41 {strides = array<i32>} : memref<128xi32, #tpu.memory_space<vmem>>, vector<16xi32>,
    %swap3A_124 = arith.constant 48 : index
    %swap3A_125 = tpu.vector_load %arg13[%swap3A_124] {strides = array<i32>} : memref<128xi32, #tpu.memory_space<vmem>>, vector<16xi32>,
    tpu.vector_store %arg13[%swap3A_124], %broadcast_in_dim3A_43 {strides = array<i32>} : memref<128xi32, #tpu.memory_space<vmem>>, vector<16xi32>,
    %swap3A_126 = arith.constant 64 : index
    %swap3A_127 = tpu.vector_load %arg12[%swap3A_126] {strides = array<i32>} : memref<128xi32, #tpu.memory_space<vmem>>, vector<16xi32>,
    tpu.vector_store %arg12[%swap3A_126], %broadcast_in_dim3A_41 {strides = array<i32>} : memref<128xi32, #tpu.memory_space<vmem>>, vector<16xi32>,
    %swap3A_128 = arith.constant 64 : index
    %swap3A_129 = tpu.vector_load %arg13[%swap3A_128] {strides = array<i32>} : memref<128xi32, #tpu.memory_space<vmem>>, vector<16xi32>,
    tpu.vector_store %arg13[%swap3A_128], %broadcast_in_dim3A_43 {strides = array<i32>} : memref<128xi32, #tpu.memory_space<vmem>>, vector<16xi32>,
    %swap3A_130 = arith.constant 80 : index
    %swap3A_131 = tpu.vector_load %arg12[%swap3A_130] {strides = array<i32>} : memref<128xi32, #tpu.memory_space<vmem>>, vector<16xi32>,
    tpu.vector_store %arg12[%swap3A_130], %broadcast_in_dim3A_41 {strides = array<i32>} : memref<128xi32, #tpu.memory_space<vmem>>, vector<16xi32>,
    %swap3A_132 = arith.constant 80 : index
    %swap3A_133 = tpu.vector_load %arg13[%swap3A_132] {strides = array<i32>} : memref<128xi32, #tpu.memory_space<vmem>>, vector<16xi32>,
    tpu.vector_store %arg13[%swap3A_132], %broadcast_in_dim3A_43 {strides = array<i32>} : memref<128xi32, #tpu.memory_space<vmem>>, vector<16xi32>,
    %swap3A_134 = arith.constant 96 : index
    %swap3A_135 = tpu.vector_load %arg12[%swap3A_134] {strides = array<i32>} : memref<128xi32, #tpu.memory_space<vmem>>, vector<16xi32>,
    tpu.vector_store %arg12[%swap3A_134], %broadcast_in_dim3A_41 {strides = array<i32>} : memref<128xi32, #tpu.memory_space<vmem>>, vector<16xi32>,
    %swap3A_136 = arith.constant 96 : index
    %swap3A_137 = tpu.vector_load %arg13[%swap3A_136] {strides = array<i32>} : memref<128xi32, #tpu.memory_space<vmem>>, vector<16xi32>,
    tpu.vector_store %arg13[%swap3A_136], %broadcast_in_dim3A_43 {strides = array<i32>} : memref<128xi32, #tpu.memory_space<vmem>>, vector<16xi32>,
    %swap3A_138 = arith.constant 112 : index
    %swap3A_139 = tpu.vector_load %arg12[%swap3A_138] {strides = array<i32>} : memref<128xi32, #tpu.memory_space<vmem>>, vector<16xi32>,
    tpu.vector_store %arg12[%swap3A_138], %broadcast_in_dim3A_41 {strides = array<i32>} : memref<128xi32, #tpu.memory_space<vmem>>, vector<16xi32>,
    %swap3A_140 = arith.constant 112 : index
    %swap3A_141 = tpu.vector_load %arg13[%swap3A_140] {strides = array<i32>} : memref<128xi32, #tpu.memory_space<vmem>>, vector<16xi32>,
    tpu.vector_store %arg13[%swap3A_140], %broadcast_in_dim3A_43 {strides = array<i32>} : memref<128xi32, #tpu.memory_space<vmem>>, vector<16xi32>,
    %eq3A_142 = arith.constant 0 : i32
    %eq3A_143 = vector.broadcast %eq3A_142 : i32 to vector<16xi32>
    %eq3A_144 = arith.cmpi eq, %iota3A, %eq3A_143 : vector<16xi32>
    %broadcast_in_dim3A_145 = arith.constant -1 : i32
    %broadcast_in_dim3A_146 = vector.broadcast %broadcast_in_dim3A_145 : i32 to vector<16xi32>
    %le3A = arith.constant 16 : i32
    %le3A_147 = arith.cmpi sle, %select_n3A_110, %le3A : i32
    %convert_element_type3A_148 = arith.extui %le3A_147 : i1 to i32
    %cond3A_149 = arith.constant 0 : i32
    %cond3A_150 = arith.cmpi ne, %convert_element_type3A_148, %cond3A_149 : i32
    scf.if %cond3A_150 {
      %while3A = arith.constant 0 : i32
      %while3A_165 = arith.subi %select_n3A_110, %while3A : i32
      %while3A_166 = arith.addi %while3A, %while3A_165 : i32
      %while3A_167 = arith.constant 1 : i32
      %while3A_168 = arith.divsi %while3A_165, %while3A_167 : i32
      %while3A_169 = arith.muli %while3A_168, %while3A_167 : i32
      %while3A_170 = arith.addi %while3A, %while3A_169 : i32
      %while3A_171 = arith.constant 1 : i32
      %while3A_172 = scf.for %while3A_181 = %while3A to %while3A_170 step %while3A_171 iter_args(%while3A_182 = %broadcast_in_dim3A_146) -> (vector<16xi32>)  : i32 {
        %mul3A_183 = arith.constant 16 : i32
        %mul3A_184 = arith.muli %while3A_181, %mul3A_183 : i32
        %get3A = arith.index_cast %mul3A_184 : i32 to index
        %get3A_185 = tpu.vector_load %arg9[%get3A] {strides = array<i32>} : memref<3440xi32, #tpu.memory_space<vmem>>, vector<16xi32>,
        %reduce_max3A = arith.constant true
        %reduce_max3A_186 = vector.broadcast %reduce_max3A : i1 to vector<16xi1>
        %reduce_max3A_187 = arith.constant -2147483648 : i32
        %reduce_max3A_188 = vector.broadcast %reduce_max3A_187 : i32 to vector<16xi32>
        %reduce_max3A_189 = arith.xori %get3A_185, %reduce_max3A_188 : vector<16xi32>
        %reduce_max3A_190 = tpu.scan <max>, %reduce_max3A_189 masked %reduce_max3A_186 : vector<16xi32>, vector<16xi1> -> vector<16xi32>
        %reduce_max3A_191 = arith.xori %reduce_max3A_190, %reduce_max3A_188 : vector<16xi32>
        %reduce_max3A_192 = vector.extract %reduce_max3A_191[15] : i32 from vector<16xi32>
        %eq3A_193 = vector.broadcast %while3A_181 : i32 to vector<16xi32>
        %eq3A_194 = arith.cmpi eq, %iota3A, %eq3A_193 : vector<16xi32>
        %broadcast_in_dim3A_195 = vector.broadcast %reduce_max3A_192 : i32 to vector<16xi32>
        %select_n3A_196 = arith.select %eq3A_194, %broadcast_in_dim3A_195, %while3A_182 : vector<16xi1>, vector<16xi32>
        scf.yield %select_n3A_196 : vector<16xi32>
      }
      %while3A_173 = arith.constant 1 : i32
      %while3A_174 = scf.for %while3A_181 = %while3A_170 to %while3A_166 step %while3A_173 iter_args(%while3A_182 = %while3A_172) -> (vector<16xi32>)  : i32 {
        %mul3A_183 = arith.constant 16 : i32
        %mul3A_184 = arith.muli %while3A_181, %mul3A_183 : i32
        %get3A = arith.index_cast %mul3A_184 : i32 to index
        %get3A_185 = tpu.vector_load %arg9[%get3A] {strides = array<i32>} : memref<3440xi32, #tpu.memory_space<vmem>>, vector<16xi32>,
        %reduce_max3A = arith.constant true
        %reduce_max3A_186 = vector.broadcast %reduce_max3A : i1 to vector<16xi1>
        %reduce_max3A_187 = arith.constant -2147483648 : i32
        %reduce_max3A_188 = vector.broadcast %reduce_max3A_187 : i32 to vector<16xi32>
        %reduce_max3A_189 = arith.xori %get3A_185, %reduce_max3A_188 : vector<16xi32>
        %reduce_max3A_190 = tpu.scan <max>, %reduce_max3A_189 masked %reduce_max3A_186 : vector<16xi32>, vector<16xi1> -> vector<16xi32>
        %reduce_max3A_191 = arith.xori %reduce_max3A_190, %reduce_max3A_188 : vector<16xi32>
        %reduce_max3A_192 = vector.extract %reduce_max3A_191[15] : i32 from vector<16xi32>
        %eq3A_193 = vector.broadcast %while3A_181 : i32 to vector<16xi32>
        %eq3A_194 = arith.cmpi eq, %iota3A, %eq3A_193 : vector<16xi32>
        %broadcast_in_dim3A_195 = vector.broadcast %reduce_max3A_192 : i32 to vector<16xi32>
        %select_n3A_196 = arith.select %eq3A_194, %broadcast_in_dim3A_195, %while3A_182 : vector<16xi1>, vector<16xi32>
        scf.yield %select_n3A_196 : vector<16xi32>
      }
      %scan3A_175 = arith.constant 0 : i32
      %scan3A_176 = arith.constant 100 : i32
      %scan3A_177 = arith.addi %scan3A_175, %scan3A_176 : i32
      %scan3A_178 = arith.constant 1 : i32
      %scan3A_179 = scf.for %scan3A_181 = %scan3A_175 to %scan3A_177 step %scan3A_178 iter_args(%scan3A_182 = %while3A_174) -> (vector<16xi32>)  : i32 {
        %reduce_max3A = arith.constant true
        %reduce_max3A_183 = vector.broadcast %reduce_max3A : i1 to vector<16xi1>
        %reduce_max3A_184 = arith.constant -2147483648 : i32
        %reduce_max3A_185 = vector.broadcast %reduce_max3A_184 : i32 to vector<16xi32>
        %reduce_max3A_186 = arith.xori %scan3A_182, %reduce_max3A_185 : vector<16xi32>
        %reduce_max3A_187 = tpu.scan <max>, %reduce_max3A_186 masked %reduce_max3A_183 : vector<16xi32>, vector<16xi1> -> vector<16xi32>
        %reduce_max3A_188 = arith.xori %reduce_max3A_187, %reduce_max3A_185 : vector<16xi32>
        %reduce_max3A_189 = vector.extract %reduce_max3A_188[15] : i32 from vector<16xi32>
        %eq3A_190 = vector.broadcast %reduce_max3A_189 : i32 to vector<16xi32>
        %eq3A_191 = arith.cmpi eq, %scan3A_182, %eq3A_190 : vector<16xi32>
        %all_reduce_population_count3A = tpu.all_reduce %eq3A_191 {dim = 0 : i64, kind = #tpu.reduction_kind<sum>} : vector<16xi1> -> vector<16xi32>
        %slice3A = vector.extract_strided_slice %all_reduce_population_count3A {offsets = [0], sizes = [1], strides = [1]} : vector<16xi32> to vector<1xi32>
        %squeeze3A = vector.extract %slice3A[0] : i32 from vector<1xi32>
        %all_reduce_ffs3A = tpu.all_reduce %eq3A_191 {dim = 0 : i64, kind = #tpu.reduction_kind<find_first_set>} : vector<16xi1> -> vector<16xi32>
        %slice3A_192 = vector.extract_strided_slice %all_reduce_ffs3A {offsets = [0], sizes = [1], strides = [1]} : vector<16xi32> to vector<1xi32>
        %squeeze3A_193 = vector.extract %slice3A_192[0] : i32 from vector<1xi32>
        %eq3A_194 = arith.constant 1 : i32
        %eq3A_195 = arith.cmpi eq, %squeeze3A, %eq3A_194 : i32
        %convert_element_type3A_196 = arith.extui %eq3A_195 : i1 to i32
        %cond3A_197 = arith.constant 0 : i32
        %cond3A_198 = arith.constant 0 : i32
        %cond3A_199 = arith.cmpi ne, %convert_element_type3A_196, %cond3A_198 : i32
        %cond3A_200:2 = scf.if %cond3A_199 -> (i32, vector<16xi32>) {
          %mul3A_204 = arith.constant 16 : i32
          %mul3A_205 = arith.muli %squeeze3A_193, %mul3A_204 : i32
          %get3A = arith.index_cast %mul3A_205 : i32 to index
          %get3A_206 = tpu.vector_load %arg9[%get3A] {strides = array<i32>} : memref<3440xi32, #tpu.memory_space<vmem>>, vector<16xi32>,
          %get3A_207 = arith.index_cast %mul3A_205 : i32 to index
          %get3A_208 = tpu.vector_load %arg10[%get3A_207] {strides = array<i32>} : memref<3440xi32, #tpu.memory_space<vmem>>, vector<16xi32>,
          %eq3A_209 = vector.broadcast %reduce_max3A_189 : i32 to vector<16xi32>
          %eq3A_210 = arith.cmpi eq, %get3A_206, %eq3A_209 : vector<16xi32>
          %jit3A_211 = arith.constant 268435456 : i32
          %broadcast_in_dim3A_212 = vector.broadcast %jit3A_211 : i32 to vector<16xi32>
          %select_n3A_213 = arith.select %eq3A_210, %get3A_208, %broadcast_in_dim3A_212 : vector<16xi1>, vector<16xi32>
          %reduce_min3A = arith.constant true
          %reduce_min3A_214 = vector.broadcast %reduce_min3A : i1 to vector<16xi1>
          %reduce_min3A_215 = arith.constant -2147483648 : i32
          %reduce_min3A_216 = vector.broadcast %reduce_min3A_215 : i32 to vector<16xi32>
          %reduce_min3A_217 = arith.xori %select_n3A_213, %reduce_min3A_216 : vector<16xi32>
          %reduce_min3A_218 = tpu.scan <min>, %reduce_min3A_217 masked %reduce_min3A_214 : vector<16xi32>, vector<16xi1> -> vector<16xi32>
          %reduce_min3A_219 = arith.xori %reduce_min3A_218, %reduce_min3A_216 : vector<16xi32>
          %reduce_min3A_220 = vector.extract %reduce_min3A_219[15] : i32 from vector<16xi32>
          %eq3A_221 = vector.broadcast %reduce_max3A_189 : i32 to vector<16xi32>
          %eq3A_222 = arith.cmpi eq, %get3A_206, %eq3A_221 : vector<16xi32>
          %eq3A_223 = vector.broadcast %reduce_min3A_220 : i32 to vector<16xi32>
          %eq3A_224 = arith.cmpi eq, %get3A_208, %eq3A_223 : vector<16xi32>
          %and3A_225 = arith.andi %eq3A_222, %eq3A_224 : vector<16xi1>
          %jit3A_226 = arith.constant -1 : i32
          %broadcast_in_dim3A_227 = vector.broadcast %jit3A_226 : i32 to vector<16xi32>
          %select_n3A_228 = arith.select %and3A_225, %broadcast_in_dim3A_227, %get3A_206 : vector<16xi1>, vector<16xi32>
          %swap3A_229 = arith.index_cast %mul3A_205 : i32 to index
          %swap3A_230 = tpu.vector_load %arg9[%swap3A_229] {strides = array<i32>} : memref<3440xi32, #tpu.memory_space<vmem>>, vector<16xi32>,
          tpu.vector_store %arg9[%swap3A_229], %select_n3A_228 {strides = array<i32>} : memref<3440xi32, #tpu.memory_space<vmem>>, vector<16xi32>,
          %eq3A_231 = vector.broadcast %squeeze3A_193 : i32 to vector<16xi32>
          %eq3A_232 = arith.cmpi eq, %iota3A, %eq3A_231 : vector<16xi32>
          %reduce_max3A_233 = arith.constant true
          %reduce_max3A_234 = vector.broadcast %reduce_max3A_233 : i1 to vector<16xi1>
          %reduce_max3A_235 = arith.constant -2147483648 : i32
          %reduce_max3A_236 = vector.broadcast %reduce_max3A_235 : i32 to vector<16xi32>
          %reduce_max3A_237 = arith.xori %select_n3A_228, %reduce_max3A_236 : vector<16xi32>
          %reduce_max3A_238 = tpu.scan <max>, %reduce_max3A_237 masked %reduce_max3A_234 : vector<16xi32>, vector<16xi1> -> vector<16xi32>
          %reduce_max3A_239 = arith.xori %reduce_max3A_238, %reduce_max3A_236 : vector<16xi32>
          %reduce_max3A_240 = vector.extract %reduce_max3A_239[15] : i32 from vector<16xi32>
          %broadcast_in_dim3A_241 = vector.broadcast %reduce_max3A_240 : i32 to vector<16xi32>
          %select_n3A_242 = arith.select %eq3A_232, %broadcast_in_dim3A_241, %scan3A_182 : vector<16xi1>, vector<16xi32>
          scf.yield %reduce_min3A_220, %select_n3A_242 : i32, vector<16xi32>
        } else {
          %while3A_204 = arith.constant 0 : i32
          %while3A_205 = arith.subi %select_n3A_110, %while3A_204 : i32
          %while3A_206 = arith.addi %while3A_204, %while3A_205 : i32
          %while3A_207 = arith.constant 1 : i32
          %while3A_208 = arith.divsi %while3A_205, %while3A_207 : i32
          %while3A_209 = arith.muli %while3A_208, %while3A_207 : i32
          %while3A_210 = arith.addi %while3A_204, %while3A_209 : i32
          %while3A_211 = arith.constant 1 : i32
          %while3A_212 = scf.for %while3A_245 = %while3A_204 to %while3A_210 step %while3A_211 iter_args(%while3A_246 = %broadcast_in_dim3A_43) -> (vector<16xi32>)  : i32 {
            %mul3A_247 = arith.constant 16 : i32
            %mul3A_248 = arith.muli %while3A_245, %mul3A_247 : i32
            %get3A = arith.index_cast %mul3A_248 : i32 to index
            %get3A_249 = tpu.vector_load %arg9[%get3A] {strides = array<i32>} : memref<3440xi32, #tpu.memory_space<vmem>>, vector<16xi32>,
            %eq3A_250 = vector.broadcast %reduce_max3A_189 : i32 to vector<16xi32>
            %eq3A_251 = arith.cmpi eq, %get3A_249, %eq3A_250 : vector<16xi32>
            %mul3A_252 = arith.constant 16 : i32
            %mul3A_253 = arith.muli %while3A_245, %mul3A_252 : i32
            %get3A_254 = arith.index_cast %mul3A_253 : i32 to index
            %get3A_255 = tpu.vector_load %arg10[%get3A_254] {strides = array<i32>} : memref<3440xi32, #tpu.memory_space<vmem>>, vector<16xi32>,
            %jit3A_256 = arith.constant 268435456 : i32
            %broadcast_in_dim3A_257 = vector.broadcast %jit3A_256 : i32 to vector<16xi32>
            %select_n3A_258 = arith.select %eq3A_251, %get3A_255, %broadcast_in_dim3A_257 : vector<16xi1>, vector<16xi32>
            %min3A = arith.minsi %while3A_246, %select_n3A_258 : vector<16xi32>
            scf.yield %min3A : vector<16xi32>
          }
          %while3A_213 = arith.constant 1 : i32
          %while3A_214 = scf.for %while3A_245 = %while3A_210 to %while3A_206 step %while3A_213 iter_args(%while3A_246 = %while3A_212) -> (vector<16xi32>)  : i32 {
            %mul3A_247 = arith.constant 16 : i32
            %mul3A_248 = arith.muli %while3A_245, %mul3A_247 : i32
            %get3A = arith.index_cast %mul3A_248 : i32 to index
            %get3A_249 = tpu.vector_load %arg9[%get3A] {strides = array<i32>} : memref<3440xi32, #tpu.memory_space<vmem>>, vector<16xi32>,
            %eq3A_250 = vector.broadcast %reduce_max3A_189 : i32 to vector<16xi32>
            %eq3A_251 = arith.cmpi eq, %get3A_249, %eq3A_250 : vector<16xi32>
            %mul3A_252 = arith.constant 16 : i32
            %mul3A_253 = arith.muli %while3A_245, %mul3A_252 : i32
            %get3A_254 = arith.index_cast %mul3A_253 : i32 to index
            %get3A_255 = tpu.vector_load %arg10[%get3A_254] {strides = array<i32>} : memref<3440xi32, #tpu.memory_space<vmem>>, vector<16xi32>,
            %jit3A_256 = arith.constant 268435456 : i32
            %broadcast_in_dim3A_257 = vector.broadcast %jit3A_256 : i32 to vector<16xi32>
            %select_n3A_258 = arith.select %eq3A_251, %get3A_255, %broadcast_in_dim3A_257 : vector<16xi1>, vector<16xi32>
            %min3A = arith.minsi %while3A_246, %select_n3A_258 : vector<16xi32>
            scf.yield %min3A : vector<16xi32>
          }
          %reduce_min3A = arith.constant true
          %reduce_min3A_215 = vector.broadcast %reduce_min3A : i1 to vector<16xi1>
          %reduce_min3A_216 = arith.constant -2147483648 : i32
          %reduce_min3A_217 = vector.broadcast %reduce_min3A_216 : i32 to vector<16xi32>
          %reduce_min3A_218 = arith.xori %while3A_214, %reduce_min3A_217 : vector<16xi32>
          %reduce_min3A_219 = tpu.scan <min>, %reduce_min3A_218 masked %reduce_min3A_215 : vector<16xi32>, vector<16xi1> -> vector<16xi32>
          %reduce_min3A_220 = arith.xori %reduce_min3A_219, %reduce_min3A_217 : vector<16xi32>
          %reduce_min3A_221 = vector.extract %reduce_min3A_220[15] : i32 from vector<16xi32>
          %while3A_222 = arith.constant 0 : i32
          %while3A_223 = arith.constant 0 : i32
          %while3A_224 = arith.subi %select_n3A_110, %while3A_222 : i32
          %while3A_225 = arith.addi %while3A_222, %while3A_224 : i32
          %while3A_226 = arith.constant 1 : i32
          %while3A_227 = arith.divsi %while3A_224, %while3A_226 : i32
          %while3A_228 = arith.muli %while3A_227, %while3A_226 : i32
          %while3A_229 = arith.addi %while3A_222, %while3A_228 : i32
          %while3A_230 = arith.constant 1 : i32
          %while3A_231 = scf.for %while3A_245 = %while3A_222 to %while3A_229 step %while3A_230 iter_args(%while3A_246 = %while3A_223) -> (i32)  : i32 {
            %mul3A_247 = arith.constant 16 : i32
            %mul3A_248 = arith.muli %while3A_245, %mul3A_247 : i32
            %get3A = arith.index_cast %mul3A_248 : i32 to index
            %get3A_249 = tpu.vector_load %arg9[%get3A] {strides = array<i32>} : memref<3440xi32, #tpu.memory_space<vmem>>, vector<16xi32>,
            %eq3A_250 = vector.broadcast %reduce_max3A_189 : i32 to vector<16xi32>
            %eq3A_251 = arith.cmpi eq, %get3A_249, %eq3A_250 : vector<16xi32>
            %mul3A_252 = arith.constant 16 : i32
            %mul3A_253 = arith.muli %while3A_245, %mul3A_252 : i32
            %get3A_254 = arith.index_cast %mul3A_253 : i32 to index
            %get3A_255 = tpu.vector_load %arg10[%get3A_254] {strides = array<i32>} : memref<3440xi32, #tpu.memory_space<vmem>>, vector<16xi32>,
            %eq3A_256 = vector.broadcast %reduce_min3A_221 : i32 to vector<16xi32>
            %eq3A_257 = arith.cmpi eq, %get3A_255, %eq3A_256 : vector<16xi32>
            %and3A_258 = arith.andi %eq3A_251, %eq3A_257 : vector<16xi1>
            %jit3A_259 = arith.constant -1 : i32
            %broadcast_in_dim3A_260 = vector.broadcast %jit3A_259 : i32 to vector<16xi32>
            %select_n3A_261 = arith.select %and3A_258, %broadcast_in_dim3A_260, %get3A_249 : vector<16xi1>, vector<16xi32>
            %mul3A_262 = arith.constant 16 : i32
            %mul3A_263 = arith.muli %while3A_245, %mul3A_262 : i32
            %swap3A_264 = arith.index_cast %mul3A_263 : i32 to index
            %swap3A_265 = tpu.vector_load %arg9[%swap3A_264] {strides = array<i32>} : memref<3440xi32, #tpu.memory_space<vmem>>, vector<16xi32>,
            tpu.vector_store %arg9[%swap3A_264], %select_n3A_261 {strides = array<i32>} : memref<3440xi32, #tpu.memory_space<vmem>>, vector<16xi32>,
            %while3A_266 = arith.constant 0 : i32
            scf.yield %while3A_266 : i32
          }
          %while3A_232 = arith.constant 1 : i32
          %while3A_233 = scf.for %while3A_245 = %while3A_229 to %while3A_225 step %while3A_232 iter_args(%while3A_246 = %while3A_231) -> (i32)  : i32 {
            %mul3A_247 = arith.constant 16 : i32
            %mul3A_248 = arith.muli %while3A_245, %mul3A_247 : i32
            %get3A = arith.index_cast %mul3A_248 : i32 to index
            %get3A_249 = tpu.vector_load %arg9[%get3A] {strides = array<i32>} : memref<3440xi32, #tpu.memory_space<vmem>>, vector<16xi32>,
            %eq3A_250 = vector.broadcast %reduce_max3A_189 : i32 to vector<16xi32>
            %eq3A_251 = arith.cmpi eq, %get3A_249, %eq3A_250 : vector<16xi32>
            %mul3A_252 = arith.constant 16 : i32
            %mul3A_253 = arith.muli %while3A_245, %mul3A_252 : i32
            %get3A_254 = arith.index_cast %mul3A_253 : i32 to index
            %get3A_255 = tpu.vector_load %arg10[%get3A_254] {strides = array<i32>} : memref<3440xi32, #tpu.memory_space<vmem>>, vector<16xi32>,
            %eq3A_256 = vector.broadcast %reduce_min3A_221 : i32 to vector<16xi32>
            %eq3A_257 = arith.cmpi eq, %get3A_255, %eq3A_256 : vector<16xi32>
            %and3A_258 = arith.andi %eq3A_251, %eq3A_257 : vector<16xi1>
            %jit3A_259 = arith.constant -1 : i32
            %broadcast_in_dim3A_260 = vector.broadcast %jit3A_259 : i32 to vector<16xi32>
            %select_n3A_261 = arith.select %and3A_258, %broadcast_in_dim3A_260, %get3A_249 : vector<16xi1>, vector<16xi32>
            %mul3A_262 = arith.constant 16 : i32
            %mul3A_263 = arith.muli %while3A_245, %mul3A_262 : i32
            %swap3A_264 = arith.index_cast %mul3A_263 : i32 to index
            %swap3A_265 = tpu.vector_load %arg9[%swap3A_264] {strides = array<i32>} : memref<3440xi32, #tpu.memory_space<vmem>>, vector<16xi32>,
            tpu.vector_store %arg9[%swap3A_264], %select_n3A_261 {strides = array<i32>} : memref<3440xi32, #tpu.memory_space<vmem>>, vector<16xi32>,
            %while3A_266 = arith.constant 0 : i32
            scf.yield %while3A_266 : i32
          }
          %while3A_234 = arith.constant 0 : i32
          %while3A_235 = arith.subi %select_n3A_110, %while3A_234 : i32
          %while3A_236 = arith.addi %while3A_234, %while3A_235 : i32
          %while3A_237 = arith.constant 1 : i32
          %while3A_238 = arith.divsi %while3A_235, %while3A_237 : i32
          %while3A_239 = arith.muli %while3A_238, %while3A_237 : i32
          %while3A_240 = arith.addi %while3A_234, %while3A_239 : i32
          %while3A_241 = arith.constant 1 : i32
          %while3A_242 = scf.for %while3A_245 = %while3A_234 to %while3A_240 step %while3A_241 iter_args(%while3A_246 = %broadcast_in_dim3A_146) -> (vector<16xi32>)  : i32 {
            %mul3A_247 = arith.constant 16 : i32
            %mul3A_248 = arith.muli %while3A_245, %mul3A_247 : i32
            %get3A = arith.index_cast %mul3A_248 : i32 to index
            %get3A_249 = tpu.vector_load %arg9[%get3A] {strides = array<i32>} : memref<3440xi32, #tpu.memory_space<vmem>>, vector<16xi32>,
            %reduce_max3A_250 = arith.constant true
            %reduce_max3A_251 = vector.broadcast %reduce_max3A_250 : i1 to vector<16xi1>
            %reduce_max3A_252 = arith.constant -2147483648 : i32
            %reduce_max3A_253 = vector.broadcast %reduce_max3A_252 : i32 to vector<16xi32>
            %reduce_max3A_254 = arith.xori %get3A_249, %reduce_max3A_253 : vector<16xi32>
            %reduce_max3A_255 = tpu.scan <max>, %reduce_max3A_254 masked %reduce_max3A_251 : vector<16xi32>, vector<16xi1> -> vector<16xi32>
            %reduce_max3A_256 = arith.xori %reduce_max3A_255, %reduce_max3A_253 : vector<16xi32>
            %reduce_max3A_257 = vector.extract %reduce_max3A_256[15] : i32 from vector<16xi32>
            %eq3A_258 = vector.broadcast %while3A_245 : i32 to vector<16xi32>
            %eq3A_259 = arith.cmpi eq, %iota3A, %eq3A_258 : vector<16xi32>
            %broadcast_in_dim3A_260 = vector.broadcast %reduce_max3A_257 : i32 to vector<16xi32>
            %select_n3A_261 = arith.select %eq3A_259, %broadcast_in_dim3A_260, %while3A_246 : vector<16xi1>, vector<16xi32>
            scf.yield %select_n3A_261 : vector<16xi32>
          }
          %while3A_243 = arith.constant 1 : i32
          %while3A_244 = scf.for %while3A_245 = %while3A_240 to %while3A_236 step %while3A_243 iter_args(%while3A_246 = %while3A_242) -> (vector<16xi32>)  : i32 {
            %mul3A_247 = arith.constant 16 : i32
            %mul3A_248 = arith.muli %while3A_245, %mul3A_247 : i32
            %get3A = arith.index_cast %mul3A_248 : i32 to index
            %get3A_249 = tpu.vector_load %arg9[%get3A] {strides = array<i32>} : memref<3440xi32, #tpu.memory_space<vmem>>, vector<16xi32>,
            %reduce_max3A_250 = arith.constant true
            %reduce_max3A_251 = vector.broadcast %reduce_max3A_250 : i1 to vector<16xi1>
            %reduce_max3A_252 = arith.constant -2147483648 : i32
            %reduce_max3A_253 = vector.broadcast %reduce_max3A_252 : i32 to vector<16xi32>
            %reduce_max3A_254 = arith.xori %get3A_249, %reduce_max3A_253 : vector<16xi32>
            %reduce_max3A_255 = tpu.scan <max>, %reduce_max3A_254 masked %reduce_max3A_251 : vector<16xi32>, vector<16xi1> -> vector<16xi32>
            %reduce_max3A_256 = arith.xori %reduce_max3A_255, %reduce_max3A_253 : vector<16xi32>
            %reduce_max3A_257 = vector.extract %reduce_max3A_256[15] : i32 from vector<16xi32>
            %eq3A_258 = vector.broadcast %while3A_245 : i32 to vector<16xi32>
            %eq3A_259 = arith.cmpi eq, %iota3A, %eq3A_258 : vector<16xi32>
            %broadcast_in_dim3A_260 = vector.broadcast %reduce_max3A_257 : i32 to vector<16xi32>
            %select_n3A_261 = arith.select %eq3A_259, %broadcast_in_dim3A_260, %while3A_246 : vector<16xi1>, vector<16xi32>
            scf.yield %select_n3A_261 : vector<16xi32>
          }
          scf.yield %reduce_min3A_221, %while3A_244 : i32, vector<16xi32>
        }
        %broadcast_in_dim3A_201 = vector.broadcast %scan3A_181 : i32 to vector<16xi32>
        %broadcast_in_dim3A_202 = vector.broadcast %reduce_max3A_189 : i32 to vector<16xi32>
        tpu.vector_store_idx %arg12[%broadcast_in_dim3A_201], %broadcast_in_dim3A_202 masked %eq3A_144 : memref<128xi32, #tpu.memory_space<vmem>>[vector<16xi32>], vector<16xi32>, vector<16xi1>
        %broadcast_in_dim3A_203 = vector.broadcast %cond3A_200#0 : i32 to vector<16xi32>
        tpu.vector_store_idx %arg13[%broadcast_in_dim3A_201], %broadcast_in_dim3A_203 masked %eq3A_144 : memref<128xi32, #tpu.memory_space<vmem>>[vector<16xi32>], vector<16xi32>, vector<16xi1>
        scf.yield %cond3A_200#1 : vector<16xi32>
      }
      %scan3A_180 = arith.constant 100 : i32
    } else {
    }
    %gt3A = arith.constant 16 : i32
    %gt3A_151 = arith.cmpi sgt, %select_n3A_110, %gt3A : i32
    %convert_element_type3A_152 = arith.extui %gt3A_151 : i1 to i32
    %cond3A_153 = arith.constant 0 : i32
    %cond3A_154 = arith.cmpi ne, %convert_element_type3A_152, %cond3A_153 : i32
    scf.if %cond3A_154 {
      %scan3A_165 = arith.constant 0 : i32
      %scan3A_166 = arith.constant 0 : i32
      %scan3A_167 = arith.constant 100 : i32
      %scan3A_168 = arith.addi %scan3A_166, %scan3A_167 : i32
      %scan3A_169 = arith.constant 1 : i32
      %scan3A_170 = scf.for %scan3A_172 = %scan3A_166 to %scan3A_168 step %scan3A_169 iter_args(%scan3A_173 = %scan3A_165) -> (i32)  : i32 {
        %while3A = arith.constant 0 : i32
        %while3A_174 = arith.subi %select_n3A_110, %while3A : i32
        %while3A_175 = arith.addi %while3A, %while3A_174 : i32
        %while3A_176 = arith.constant 1 : i32
        %while3A_177 = arith.divsi %while3A_174, %while3A_176 : i32
        %while3A_178 = arith.muli %while3A_177, %while3A_176 : i32
        %while3A_179 = arith.addi %while3A, %while3A_178 : i32
        %while3A_180 = arith.constant 1 : i32
        %while3A_181 = scf.for %while3A_225 = %while3A to %while3A_179 step %while3A_180 iter_args(%while3A_226 = %broadcast_in_dim3A_146) -> (vector<16xi32>)  : i32 {
          %mul3A_227 = arith.constant 16 : i32
          %mul3A_228 = arith.muli %while3A_225, %mul3A_227 : i32
          %get3A = arith.index_cast %mul3A_228 : i32 to index
          %get3A_229 = tpu.vector_load %arg9[%get3A] {strides = array<i32>} : memref<3440xi32, #tpu.memory_space<vmem>>, vector<16xi32>,
          %max3A = arith.maxsi %while3A_226, %get3A_229 : vector<16xi32>
          scf.yield %max3A : vector<16xi32>
        }
        %while3A_182 = arith.constant 1 : i32
        %while3A_183 = scf.for %while3A_225 = %while3A_179 to %while3A_175 step %while3A_182 iter_args(%while3A_226 = %while3A_181) -> (vector<16xi32>)  : i32 {
          %mul3A_227 = arith.constant 16 : i32
          %mul3A_228 = arith.muli %while3A_225, %mul3A_227 : i32
          %get3A = arith.index_cast %mul3A_228 : i32 to index
          %get3A_229 = tpu.vector_load %arg9[%get3A] {strides = array<i32>} : memref<3440xi32, #tpu.memory_space<vmem>>, vector<16xi32>,
          %max3A = arith.maxsi %while3A_226, %get3A_229 : vector<16xi32>
          scf.yield %max3A : vector<16xi32>
        }
        %reduce_max3A = arith.constant true
        %reduce_max3A_184 = vector.broadcast %reduce_max3A : i1 to vector<16xi1>
        %reduce_max3A_185 = arith.constant -2147483648 : i32
        %reduce_max3A_186 = vector.broadcast %reduce_max3A_185 : i32 to vector<16xi32>
        %reduce_max3A_187 = arith.xori %while3A_183, %reduce_max3A_186 : vector<16xi32>
        %reduce_max3A_188 = tpu.scan <max>, %reduce_max3A_187 masked %reduce_max3A_184 : vector<16xi32>, vector<16xi1> -> vector<16xi32>
        %reduce_max3A_189 = arith.xori %reduce_max3A_188, %reduce_max3A_186 : vector<16xi32>
        %reduce_max3A_190 = vector.extract %reduce_max3A_189[15] : i32 from vector<16xi32>
        %while3A_191 = arith.constant 0 : i32
        %while3A_192 = arith.subi %select_n3A_110, %while3A_191 : i32
        %while3A_193 = arith.addi %while3A_191, %while3A_192 : i32
        %while3A_194 = arith.constant 1 : i32
        %while3A_195 = arith.divsi %while3A_192, %while3A_194 : i32
        %while3A_196 = arith.muli %while3A_195, %while3A_194 : i32
        %while3A_197 = arith.addi %while3A_191, %while3A_196 : i32
        %while3A_198 = arith.constant 1 : i32
        %while3A_199 = scf.for %while3A_225 = %while3A_191 to %while3A_197 step %while3A_198 iter_args(%while3A_226 = %broadcast_in_dim3A_43) -> (vector<16xi32>)  : i32 {
          %mul3A_227 = arith.constant 16 : i32
          %mul3A_228 = arith.muli %while3A_225, %mul3A_227 : i32
          %get3A = arith.index_cast %mul3A_228 : i32 to index
          %get3A_229 = tpu.vector_load %arg9[%get3A] {strides = array<i32>} : memref<3440xi32, #tpu.memory_space<vmem>>, vector<16xi32>,
          %eq3A_230 = vector.broadcast %reduce_max3A_190 : i32 to vector<16xi32>
          %eq3A_231 = arith.cmpi eq, %get3A_229, %eq3A_230 : vector<16xi32>
          %mul3A_232 = arith.constant 16 : i32
          %mul3A_233 = arith.muli %while3A_225, %mul3A_232 : i32
          %get3A_234 = arith.index_cast %mul3A_233 : i32 to index
          %get3A_235 = tpu.vector_load %arg10[%get3A_234] {strides = array<i32>} : memref<3440xi32, #tpu.memory_space<vmem>>, vector<16xi32>,
          %jit3A_236 = arith.constant 268435456 : i32
          %broadcast_in_dim3A_237 = vector.broadcast %jit3A_236 : i32 to vector<16xi32>
          %select_n3A_238 = arith.select %eq3A_231, %get3A_235, %broadcast_in_dim3A_237 : vector<16xi1>, vector<16xi32>
          %min3A = arith.minsi %while3A_226, %select_n3A_238 : vector<16xi32>
          scf.yield %min3A : vector<16xi32>
        }
        %while3A_200 = arith.constant 1 : i32
        %while3A_201 = scf.for %while3A_225 = %while3A_197 to %while3A_193 step %while3A_200 iter_args(%while3A_226 = %while3A_199) -> (vector<16xi32>)  : i32 {
          %mul3A_227 = arith.constant 16 : i32
          %mul3A_228 = arith.muli %while3A_225, %mul3A_227 : i32
          %get3A = arith.index_cast %mul3A_228 : i32 to index
          %get3A_229 = tpu.vector_load %arg9[%get3A] {strides = array<i32>} : memref<3440xi32, #tpu.memory_space<vmem>>, vector<16xi32>,
          %eq3A_230 = vector.broadcast %reduce_max3A_190 : i32 to vector<16xi32>
          %eq3A_231 = arith.cmpi eq, %get3A_229, %eq3A_230 : vector<16xi32>
          %mul3A_232 = arith.constant 16 : i32
          %mul3A_233 = arith.muli %while3A_225, %mul3A_232 : i32
          %get3A_234 = arith.index_cast %mul3A_233 : i32 to index
          %get3A_235 = tpu.vector_load %arg10[%get3A_234] {strides = array<i32>} : memref<3440xi32, #tpu.memory_space<vmem>>, vector<16xi32>,
          %jit3A_236 = arith.constant 268435456 : i32
          %broadcast_in_dim3A_237 = vector.broadcast %jit3A_236 : i32 to vector<16xi32>
          %select_n3A_238 = arith.select %eq3A_231, %get3A_235, %broadcast_in_dim3A_237 : vector<16xi1>, vector<16xi32>
          %min3A = arith.minsi %while3A_226, %select_n3A_238 : vector<16xi32>
          scf.yield %min3A : vector<16xi32>
        }
        %reduce_min3A = arith.constant true
        %reduce_min3A_202 = vector.broadcast %reduce_min3A : i1 to vector<16xi1>
        %reduce_min3A_203 = arith.constant -2147483648 : i32
        %reduce_min3A_204 = vector.broadcast %reduce_min3A_203 : i32 to vector<16xi32>
        %reduce_min3A_205 = arith.xori %while3A_201, %reduce_min3A_204 : vector<16xi32>
        %reduce_min3A_206 = tpu.scan <min>, %reduce_min3A_205 masked %reduce_min3A_202 : vector<16xi32>, vector<16xi1> -> vector<16xi32>
        %reduce_min3A_207 = arith.xori %reduce_min3A_206, %reduce_min3A_204 : vector<16xi32>
        %reduce_min3A_208 = vector.extract %reduce_min3A_207[15] : i32 from vector<16xi32>
        %while3A_209 = arith.constant 0 : i32
        %while3A_210 = arith.constant 0 : i32
        %while3A_211 = arith.subi %select_n3A_110, %while3A_209 : i32
        %while3A_212 = arith.addi %while3A_209, %while3A_211 : i32
        %while3A_213 = arith.constant 1 : i32
        %while3A_214 = arith.divsi %while3A_211, %while3A_213 : i32
        %while3A_215 = arith.muli %while3A_214, %while3A_213 : i32
        %while3A_216 = arith.addi %while3A_209, %while3A_215 : i32
        %while3A_217 = arith.constant 1 : i32
        %while3A_218 = scf.for %while3A_225 = %while3A_209 to %while3A_216 step %while3A_217 iter_args(%while3A_226 = %while3A_210) -> (i32)  : i32 {
          %mul3A_227 = arith.constant 16 : i32
          %mul3A_228 = arith.muli %while3A_225, %mul3A_227 : i32
          %get3A = arith.index_cast %mul3A_228 : i32 to index
          %get3A_229 = tpu.vector_load %arg9[%get3A] {strides = array<i32>} : memref<3440xi32, #tpu.memory_space<vmem>>, vector<16xi32>,
          %eq3A_230 = vector.broadcast %reduce_max3A_190 : i32 to vector<16xi32>
          %eq3A_231 = arith.cmpi eq, %get3A_229, %eq3A_230 : vector<16xi32>
          %mul3A_232 = arith.constant 16 : i32
          %mul3A_233 = arith.muli %while3A_225, %mul3A_232 : i32
          %get3A_234 = arith.index_cast %mul3A_233 : i32 to index
          %get3A_235 = tpu.vector_load %arg10[%get3A_234] {strides = array<i32>} : memref<3440xi32, #tpu.memory_space<vmem>>, vector<16xi32>,
          %eq3A_236 = vector.broadcast %reduce_min3A_208 : i32 to vector<16xi32>
          %eq3A_237 = arith.cmpi eq, %get3A_235, %eq3A_236 : vector<16xi32>
          %and3A_238 = arith.andi %eq3A_231, %eq3A_237 : vector<16xi1>
          %jit3A_239 = arith.constant -1 : i32
          %broadcast_in_dim3A_240 = vector.broadcast %jit3A_239 : i32 to vector<16xi32>
          %select_n3A_241 = arith.select %and3A_238, %broadcast_in_dim3A_240, %get3A_229 : vector<16xi1>, vector<16xi32>
          %mul3A_242 = arith.constant 16 : i32
          %mul3A_243 = arith.muli %while3A_225, %mul3A_242 : i32
          %swap3A_244 = arith.index_cast %mul3A_243 : i32 to index
          %swap3A_245 = tpu.vector_load %arg9[%swap3A_244] {strides = array<i32>} : memref<3440xi32, #tpu.memory_space<vmem>>, vector<16xi32>,
          tpu.vector_store %arg9[%swap3A_244], %select_n3A_241 {strides = array<i32>} : memref<3440xi32, #tpu.memory_space<vmem>>, vector<16xi32>,
          %while3A_246 = arith.constant 0 : i32
          scf.yield %while3A_246 : i32
        }
        %while3A_219 = arith.constant 1 : i32
        %while3A_220 = scf.for %while3A_225 = %while3A_216 to %while3A_212 step %while3A_219 iter_args(%while3A_226 = %while3A_218) -> (i32)  : i32 {
          %mul3A_227 = arith.constant 16 : i32
          %mul3A_228 = arith.muli %while3A_225, %mul3A_227 : i32
          %get3A = arith.index_cast %mul3A_228 : i32 to index
          %get3A_229 = tpu.vector_load %arg9[%get3A] {strides = array<i32>} : memref<3440xi32, #tpu.memory_space<vmem>>, vector<16xi32>,
          %eq3A_230 = vector.broadcast %reduce_max3A_190 : i32 to vector<16xi32>
          %eq3A_231 = arith.cmpi eq, %get3A_229, %eq3A_230 : vector<16xi32>
          %mul3A_232 = arith.constant 16 : i32
          %mul3A_233 = arith.muli %while3A_225, %mul3A_232 : i32
          %get3A_234 = arith.index_cast %mul3A_233 : i32 to index
          %get3A_235 = tpu.vector_load %arg10[%get3A_234] {strides = array<i32>} : memref<3440xi32, #tpu.memory_space<vmem>>, vector<16xi32>,
          %eq3A_236 = vector.broadcast %reduce_min3A_208 : i32 to vector<16xi32>
          %eq3A_237 = arith.cmpi eq, %get3A_235, %eq3A_236 : vector<16xi32>
          %and3A_238 = arith.andi %eq3A_231, %eq3A_237 : vector<16xi1>
          %jit3A_239 = arith.constant -1 : i32
          %broadcast_in_dim3A_240 = vector.broadcast %jit3A_239 : i32 to vector<16xi32>
          %select_n3A_241 = arith.select %and3A_238, %broadcast_in_dim3A_240, %get3A_229 : vector<16xi1>, vector<16xi32>
          %mul3A_242 = arith.constant 16 : i32
          %mul3A_243 = arith.muli %while3A_225, %mul3A_242 : i32
          %swap3A_244 = arith.index_cast %mul3A_243 : i32 to index
          %swap3A_245 = tpu.vector_load %arg9[%swap3A_244] {strides = array<i32>} : memref<3440xi32, #tpu.memory_space<vmem>>, vector<16xi32>,
          tpu.vector_store %arg9[%swap3A_244], %select_n3A_241 {strides = array<i32>} : memref<3440xi32, #tpu.memory_space<vmem>>, vector<16xi32>,
          %while3A_246 = arith.constant 0 : i32
          scf.yield %while3A_246 : i32
        }
        %broadcast_in_dim3A_221 = vector.broadcast %scan3A_172 : i32 to vector<16xi32>
        %broadcast_in_dim3A_222 = vector.broadcast %reduce_max3A_190 : i32 to vector<16xi32>
        tpu.vector_store_idx %arg12[%broadcast_in_dim3A_221], %broadcast_in_dim3A_222 masked %eq3A_144 : memref<128xi32, #tpu.memory_space<vmem>>[vector<16xi32>], vector<16xi32>, vector<16xi1>
        %broadcast_in_dim3A_223 = vector.broadcast %reduce_min3A_208 : i32 to vector<16xi32>
        tpu.vector_store_idx %arg13[%broadcast_in_dim3A_221], %broadcast_in_dim3A_223 masked %eq3A_144 : memref<128xi32, #tpu.memory_space<vmem>>[vector<16xi32>], vector<16xi32>, vector<16xi1>
        %scan3A_224 = arith.constant 0 : i32
        scf.yield %scan3A_224 : i32
      }
      %scan3A_171 = arith.constant 100 : i32
    } else {
    }
    %mul3A_155 = arith.constant 8 : i32
    %mul3A_156 = arith.muli %select_n3A, %mul3A_155 : i32
    %add3A_157 = arith.addi %mul3A_156, %select_n3A_30 : i32
    %mul3A_158 = arith.constant 128 : i32
    %mul3A_159 = arith.muli %add3A_157, %mul3A_158 : i32
    "tpu.region"() ({
      %run_scoped3A = tpu.sem_alloc : memref<!tpu.dma_semaphore, #tpu.memory_space<semaphore_mem>>
      %dma_start3A = tpu.memref_slice %arg18[%mul3A_159] : memref<2048xi32, #tpu.memory_space<vmem_shared>> -> memref<128xi32, #tpu.memory_space<vmem_shared>>
      %dma_start3A_165 = tpu.memref_slice %arg18[%mul3A_159] : memref<2048xi32, #tpu.memory_space<vmem_shared>> -> memref<128xi32, #tpu.memory_space<vmem_shared>>
      tpu.enqueue_dma source(%arg12 : memref<128xi32, #tpu.memory_space<vmem>>) target(%dma_start3A_165 : memref<128xi32, #tpu.memory_space<vmem_shared>>) target_semaphore(%run_scoped3A : memref<!tpu.dma_semaphore, #tpu.memory_space<semaphore_mem>>)
      %dma_wait3A = tpu.memref_slice %arg18[%mul3A_159] : memref<2048xi32, #tpu.memory_space<vmem_shared>> -> memref<128xi32, #tpu.memory_space<vmem_shared>>
      %dma_wait3A_166 = tpu.memref_slice %arg18[%mul3A_159] : memref<2048xi32, #tpu.memory_space<vmem_shared>> -> memref<128xi32, #tpu.memory_space<vmem_shared>>
      tpu.wait_dma2 semaphore(%run_scoped3A : memref<!tpu.dma_semaphore, #tpu.memory_space<semaphore_mem>>) src(%arg12 : memref<128xi32, #tpu.memory_space<vmem>>) dst(%dma_wait3A_166 : memref<128xi32, #tpu.memory_space<vmem_shared>>)
      tpu.yield
    }) : () -> ()
    %mul3A_160 = arith.constant 128 : i32
    %mul3A_161 = arith.muli %add3A_157, %mul3A_160 : i32
    "tpu.region"() ({
      %run_scoped3A = tpu.sem_alloc : memref<!tpu.dma_semaphore, #tpu.memory_space<semaphore_mem>>
      %dma_start3A = tpu.memref_slice %arg19[%mul3A_161] : memref<2048xi32, #tpu.memory_space<vmem_shared>> -> memref<128xi32, #tpu.memory_space<vmem_shared>>
      %dma_start3A_165 = tpu.memref_slice %arg19[%mul3A_161] : memref<2048xi32, #tpu.memory_space<vmem_shared>> -> memref<128xi32, #tpu.memory_space<vmem_shared>>
      tpu.enqueue_dma source(%arg13 : memref<128xi32, #tpu.memory_space<vmem>>) target(%dma_start3A_165 : memref<128xi32, #tpu.memory_space<vmem_shared>>) target_semaphore(%run_scoped3A : memref<!tpu.dma_semaphore, #tpu.memory_space<semaphore_mem>>)
      %dma_wait3A = tpu.memref_slice %arg19[%mul3A_161] : memref<2048xi32, #tpu.memory_space<vmem_shared>> -> memref<128xi32, #tpu.memory_space<vmem_shared>>
      %dma_wait3A_166 = tpu.memref_slice %arg19[%mul3A_161] : memref<2048xi32, #tpu.memory_space<vmem_shared>> -> memref<128xi32, #tpu.memory_space<vmem_shared>>
      tpu.wait_dma2 semaphore(%run_scoped3A : memref<!tpu.dma_semaphore, #tpu.memory_space<semaphore_mem>>) src(%arg13 : memref<128xi32, #tpu.memory_space<vmem>>) dst(%dma_wait3A_166 : memref<128xi32, #tpu.memory_space<vmem_shared>>)
      tpu.yield
    }) : () -> ()
    %barrier3A = arith.constant 0 : index
    tpu.barrier barrier_id(%barrier3A)
    %convert_element_type3A_162 = arith.extui %eq3A_32 : i1 to i32
    %cond3A_163 = arith.constant 0 : i32
    %cond3A_164 = arith.cmpi ne, %convert_element_type3A_162, %cond3A_163 : i32
    scf.if %cond3A_164 {
      %mul3A_165 = arith.constant 1024 : i32
      %mul3A_166 = arith.muli %select_n3A, %mul3A_165 : i32
      "tpu.region"() ({
        %run_scoped3A = tpu.sem_alloc : memref<!tpu.dma_semaphore, #tpu.memory_space<semaphore_mem>>
        %dma_start3A = arith.constant 0 : i32
        %dma_start3A_798 = tpu.memref_slice %arg16[%dma_start3A] : memref<2048xi32, #tpu.memory_space<vmem>> -> memref<1024xi32, #tpu.memory_space<vmem>>
        %dma_start3A_799 = tpu.memref_slice %arg18[%mul3A_166] : memref<2048xi32, #tpu.memory_space<vmem_shared>> -> memref<1024xi32, #tpu.memory_space<vmem_shared>>
        %dma_start3A_800 = arith.constant 0 : i32
        %dma_start3A_801 = tpu.memref_slice %arg16[%dma_start3A_800] : memref<2048xi32, #tpu.memory_space<vmem>> -> memref<1024xi32, #tpu.memory_space<vmem>>
        %dma_start3A_802 = tpu.memref_slice %arg18[%mul3A_166] : memref<2048xi32, #tpu.memory_space<vmem_shared>> -> memref<1024xi32, #tpu.memory_space<vmem_shared>>
        tpu.enqueue_dma source(%dma_start3A_802 : memref<1024xi32, #tpu.memory_space<vmem_shared>>) target(%dma_start3A_801 : memref<1024xi32, #tpu.memory_space<vmem>>) target_semaphore(%run_scoped3A : memref<!tpu.dma_semaphore, #tpu.memory_space<semaphore_mem>>)
        %dma_wait3A = arith.constant 0 : i32
        %dma_wait3A_803 = tpu.memref_slice %arg16[%dma_wait3A] : memref<2048xi32, #tpu.memory_space<vmem>> -> memref<1024xi32, #tpu.memory_space<vmem>>
        %dma_wait3A_804 = tpu.memref_slice %arg18[%mul3A_166] : memref<2048xi32, #tpu.memory_space<vmem_shared>> -> memref<1024xi32, #tpu.memory_space<vmem_shared>>
        %dma_wait3A_805 = arith.constant 0 : i32
        %dma_wait3A_806 = tpu.memref_slice %arg16[%dma_wait3A_805] : memref<2048xi32, #tpu.memory_space<vmem>> -> memref<1024xi32, #tpu.memory_space<vmem>>
        %dma_wait3A_807 = tpu.memref_slice %arg18[%mul3A_166] : memref<2048xi32, #tpu.memory_space<vmem_shared>> -> memref<1024xi32, #tpu.memory_space<vmem_shared>>
        tpu.wait_dma2 semaphore(%run_scoped3A : memref<!tpu.dma_semaphore, #tpu.memory_space<semaphore_mem>>) src(%dma_wait3A_807 : memref<1024xi32, #tpu.memory_space<vmem_shared>>) dst(%dma_wait3A_806 : memref<1024xi32, #tpu.memory_space<vmem>>)
        tpu.yield
      }) : () -> ()
      %mul3A_167 = arith.constant 1024 : i32
      %mul3A_168 = arith.muli %select_n3A, %mul3A_167 : i32
      "tpu.region"() ({
        %run_scoped3A = tpu.sem_alloc : memref<!tpu.dma_semaphore, #tpu.memory_space<semaphore_mem>>
        %dma_start3A = arith.constant 0 : i32
        %dma_start3A_798 = tpu.memref_slice %arg17[%dma_start3A] : memref<2048xi32, #tpu.memory_space<vmem>> -> memref<1024xi32, #tpu.memory_space<vmem>>
        %dma_start3A_799 = tpu.memref_slice %arg19[%mul3A_168] : memref<2048xi32, #tpu.memory_space<vmem_shared>> -> memref<1024xi32, #tpu.memory_space<vmem_shared>>
        %dma_start3A_800 = arith.constant 0 : i32
        %dma_start3A_801 = tpu.memref_slice %arg17[%dma_start3A_800] : memref<2048xi32, #tpu.memory_space<vmem>> -> memref<1024xi32, #tpu.memory_space<vmem>>
        %dma_start3A_802 = tpu.memref_slice %arg19[%mul3A_168] : memref<2048xi32, #tpu.memory_space<vmem_shared>> -> memref<1024xi32, #tpu.memory_space<vmem_shared>>
        tpu.enqueue_dma source(%dma_start3A_802 : memref<1024xi32, #tpu.memory_space<vmem_shared>>) target(%dma_start3A_801 : memref<1024xi32, #tpu.memory_space<vmem>>) target_semaphore(%run_scoped3A : memref<!tpu.dma_semaphore, #tpu.memory_space<semaphore_mem>>)
        %dma_wait3A = arith.constant 0 : i32
        %dma_wait3A_803 = tpu.memref_slice %arg17[%dma_wait3A] : memref<2048xi32, #tpu.memory_space<vmem>> -> memref<1024xi32, #tpu.memory_space<vmem>>
        %dma_wait3A_804 = tpu.memref_slice %arg19[%mul3A_168] : memref<2048xi32, #tpu.memory_space<vmem_shared>> -> memref<1024xi32, #tpu.memory_space<vmem_shared>>
        %dma_wait3A_805 = arith.constant 0 : i32
        %dma_wait3A_806 = tpu.memref_slice %arg17[%dma_wait3A_805] : memref<2048xi32, #tpu.memory_space<vmem>> -> memref<1024xi32, #tpu.memory_space<vmem>>
        %dma_wait3A_807 = tpu.memref_slice %arg19[%mul3A_168] : memref<2048xi32, #tpu.memory_space<vmem_shared>> -> memref<1024xi32, #tpu.memory_space<vmem_shared>>
        tpu.wait_dma2 semaphore(%run_scoped3A : memref<!tpu.dma_semaphore, #tpu.memory_space<semaphore_mem>>) src(%dma_wait3A_807 : memref<1024xi32, #tpu.memory_space<vmem_shared>>) dst(%dma_wait3A_806 : memref<1024xi32, #tpu.memory_space<vmem>>)
        tpu.yield
      }) : () -> ()
      %scan3A_169 = arith.constant 0 : i32
      %scan3A_170 = arith.constant 0 : i32
      %scan3A_171 = arith.constant 64 : i32
      %scan3A_172 = arith.addi %scan3A_170, %scan3A_171 : i32
      %scan3A_173 = arith.constant 1 : i32
      %scan3A_174 = scf.for %scan3A_798 = %scan3A_170 to %scan3A_172 step %scan3A_173 iter_args(%scan3A_799 = %scan3A_169) -> (i32)  : i32 {
        %mul3A_800 = arith.constant 16 : i32
        %mul3A_801 = arith.muli %scan3A_798, %mul3A_800 : i32
        %add3A_802 = arith.constant 1024 : i32
        %add3A_803 = arith.addi %add3A_802, %mul3A_801 : i32
        %swap3A_804 = arith.index_cast %add3A_803 : i32 to index
        %swap3A_805 = tpu.vector_load %arg16[%swap3A_804] {strides = array<i32>} : memref<2048xi32, #tpu.memory_space<vmem>>, vector<16xi32>,
        tpu.vector_store %arg16[%swap3A_804], %broadcast_in_dim3A_41 {strides = array<i32>} : memref<2048xi32, #tpu.memory_space<vmem>>, vector<16xi32>,
        %mul3A_806 = arith.constant 16 : i32
        %mul3A_807 = arith.muli %scan3A_798, %mul3A_806 : i32
        %add3A_808 = arith.constant 1024 : i32
        %add3A_809 = arith.addi %add3A_808, %mul3A_807 : i32
        %swap3A_810 = arith.index_cast %add3A_809 : i32 to index
        %swap3A_811 = tpu.vector_load %arg17[%swap3A_810] {strides = array<i32>} : memref<2048xi32, #tpu.memory_space<vmem>>, vector<16xi32>,
        tpu.vector_store %arg17[%swap3A_810], %broadcast_in_dim3A_43 {strides = array<i32>} : memref<2048xi32, #tpu.memory_space<vmem>>, vector<16xi32>,
        %scan3A_812 = arith.constant 0 : i32
        scf.yield %scan3A_812 : i32
      }
      %scan3A_175 = arith.constant 64 : i32
      %eq3A_176 = arith.constant 0 : i32
      %eq3A_177 = vector.broadcast %eq3A_176 : i32 to vector<16xi32>
      %eq3A_178 = arith.cmpi eq, %iota3A, %eq3A_177 : vector<16xi32>
      %broadcast_in_dim3A_179 = arith.constant 0 : i32
      %broadcast_in_dim3A_180 = vector.broadcast %broadcast_in_dim3A_179 : i32 to vector<16xi32>
      %scan3A_181 = arith.constant 0 : i32
      %scan3A_182 = arith.constant 100 : i32
      %scan3A_183 = arith.addi %scan3A_181, %scan3A_182 : i32
      %scan3A_184 = arith.constant 1 : i32
      %scan3A_185 = scf.for %scan3A_798 = %scan3A_181 to %scan3A_183 step %scan3A_184 iter_args(%scan3A_799 = %broadcast_in_dim3A_180) -> (vector<16xi32>)  : i32 {
        %mul3A_800 = arith.constant 128 : i32
        %mul3A_801 = vector.broadcast %mul3A_800 : i32 to vector<16xi32>
        %mul3A_802 = arith.muli %iota3A, %mul3A_801 : vector<16xi32>
        %add3A_803 = arith.addi %mul3A_802, %scan3A_799 : vector<16xi32>
        %gather3A_804 = tpu.vector_load_idx %arg16[%add3A_803] : memref<2048xi32, #tpu.memory_space<vmem>>[vector<16xi32>], vector<16xi32>,
        %mul3A_805 = arith.constant 128 : i32
        %mul3A_806 = vector.broadcast %mul3A_805 : i32 to vector<16xi32>
        %mul3A_807 = arith.muli %iota3A, %mul3A_806 : vector<16xi32>
        %add3A_808 = arith.addi %mul3A_807, %scan3A_799 : vector<16xi32>
        %gather3A_809 = tpu.vector_load_idx %arg17[%add3A_808] : memref<2048xi32, #tpu.memory_space<vmem>>[vector<16xi32>], vector<16xi32>,
        %reduce_max3A = arith.constant true
        %reduce_max3A_810 = vector.broadcast %reduce_max3A : i1 to vector<16xi1>
        %reduce_max3A_811 = arith.constant -2147483648 : i32
        %reduce_max3A_812 = vector.broadcast %reduce_max3A_811 : i32 to vector<16xi32>
        %reduce_max3A_813 = arith.xori %gather3A_804, %reduce_max3A_812 : vector<16xi32>
        %reduce_max3A_814 = tpu.scan <max>, %reduce_max3A_813 masked %reduce_max3A_810 : vector<16xi32>, vector<16xi1> -> vector<16xi32>
        %reduce_max3A_815 = arith.xori %reduce_max3A_814, %reduce_max3A_812 : vector<16xi32>
        %reduce_max3A_816 = vector.extract %reduce_max3A_815[15] : i32 from vector<16xi32>
        %eq3A_817 = vector.broadcast %reduce_max3A_816 : i32 to vector<16xi32>
        %eq3A_818 = arith.cmpi eq, %gather3A_804, %eq3A_817 : vector<16xi32>
        %jit3A_819 = arith.constant 268435456 : i32
        %broadcast_in_dim3A_820 = vector.broadcast %jit3A_819 : i32 to vector<16xi32>
        %select_n3A_821 = arith.select %eq3A_818, %gather3A_809, %broadcast_in_dim3A_820 : vector<16xi1>, vector<16xi32>
        %reduce_min3A = arith.constant true
        %reduce_min3A_822 = vector.broadcast %reduce_min3A : i1 to vector<16xi1>
        %reduce_min3A_823 = arith.constant -2147483648 : i32
        %reduce_min3A_824 = vector.broadcast %reduce_min3A_823 : i32 to vector<16xi32>
        %reduce_min3A_825 = arith.xori %select_n3A_821, %reduce_min3A_824 : vector<16xi32>
        %reduce_min3A_826 = tpu.scan <min>, %reduce_min3A_825 masked %reduce_min3A_822 : vector<16xi32>, vector<16xi1> -> vector<16xi32>
        %reduce_min3A_827 = arith.xori %reduce_min3A_826, %reduce_min3A_824 : vector<16xi32>
        %reduce_min3A_828 = vector.extract %reduce_min3A_827[15] : i32 from vector<16xi32>
        %eq3A_829 = vector.broadcast %reduce_max3A_816 : i32 to vector<16xi32>
        %eq3A_830 = arith.cmpi eq, %gather3A_804, %eq3A_829 : vector<16xi32>
        %eq3A_831 = vector.broadcast %reduce_min3A_828 : i32 to vector<16xi32>
        %eq3A_832 = arith.cmpi eq, %gather3A_809, %eq3A_831 : vector<16xi32>
        %and3A_833 = arith.andi %eq3A_830, %eq3A_832 : vector<16xi1>
        %broadcast_in_dim3A_834 = vector.broadcast %scan3A_798 : i32 to vector<16xi32>
        %broadcast_in_dim3A_835 = vector.broadcast %reduce_max3A_816 : i32 to vector<16xi32>
        tpu.vector_store_idx %arg12[%broadcast_in_dim3A_834], %broadcast_in_dim3A_835 masked %eq3A_178 : memref<128xi32, #tpu.memory_space<vmem>>[vector<16xi32>], vector<16xi32>, vector<16xi1>
        %broadcast_in_dim3A_836 = vector.broadcast %reduce_min3A_828 : i32 to vector<16xi32>
        tpu.vector_store_idx %arg13[%broadcast_in_dim3A_834], %broadcast_in_dim3A_836 masked %eq3A_178 : memref<128xi32, #tpu.memory_space<vmem>>[vector<16xi32>], vector<16xi32>, vector<16xi1>
        %convert_element_type3A_837 = arith.extui %and3A_833 : vector<16xi1> to vector<16xi32>
        %add3A_838 = arith.addi %scan3A_799, %convert_element_type3A_837 : vector<16xi32>
        scf.yield %add3A_838 : vector<16xi32>
      }
      %scan3A_186 = arith.constant 100 : i32
      %get3A = arith.constant 0 : index
      %get3A_187 = tpu.vector_load %arg13[%get3A] {strides = array<i32>} : memref<128xi32, #tpu.memory_space<vmem>>, vector<16xi32>,
      %jit3A_188 = arith.constant 91 : i32
      %div3A_189 = vector.broadcast %jit3A_188 : i32 to vector<16xi32>
      %div3A_190 = arith.divsi %get3A_187, %div3A_189 : vector<16xi32>
      %sign3A_191 = arith.constant 0 : i32
      %sign3A_192 = vector.broadcast %sign3A_191 : i32 to vector<16xi32>
      %sign3A_193 = arith.cmpi sgt, %get3A_187, %sign3A_192 : vector<16xi32>
      %sign3A_194 = arith.extui %sign3A_193 : vector<16xi1> to vector<16xi32>
      %sign3A_195 = arith.constant 0 : i32
      %sign3A_196 = vector.broadcast %sign3A_195 : i32 to vector<16xi32>
      %sign3A_197 = arith.cmpi slt, %get3A_187, %sign3A_196 : vector<16xi32>
      %sign3A_198 = arith.extui %sign3A_197 : vector<16xi1> to vector<16xi32>
      %sign3A_199 = arith.subi %sign3A_194, %sign3A_198 : vector<16xi32>
      %sign3A_200 = arith.constant 0 : i32
      %sign3A_201 = arith.cmpi sgt, %jit3A_188, %sign3A_200 : i32
      %sign3A_202 = arith.extui %sign3A_201 : i1 to i32
      %sign3A_203 = arith.constant 0 : i32
      %sign3A_204 = arith.cmpi slt, %jit3A_188, %sign3A_203 : i32
      %sign3A_205 = arith.extui %sign3A_204 : i1 to i32
      %sign3A_206 = arith.subi %sign3A_202, %sign3A_205 : i32
      %ne3A_207 = vector.broadcast %sign3A_206 : i32 to vector<16xi32>
      %ne3A_208 = arith.cmpi ne, %sign3A_199, %ne3A_207 : vector<16xi32>
      %rem3A_209 = vector.broadcast %jit3A_188 : i32 to vector<16xi32>
      %rem3A_210 = arith.remsi %get3A_187, %rem3A_209 : vector<16xi32>
      %ne3A_211 = arith.constant 0 : i32
      %ne3A_212 = vector.broadcast %ne3A_211 : i32 to vector<16xi32>
      %ne3A_213 = arith.cmpi ne, %rem3A_210, %ne3A_212 : vector<16xi32>
      %and3A_214 = arith.andi %ne3A_208, %ne3A_213 : vector<16xi1>
      %sub3A_215 = arith.constant 1 : i32
      %sub3A_216 = vector.broadcast %sub3A_215 : i32 to vector<16xi32>
      %sub3A_217 = arith.subi %div3A_190, %sub3A_216 : vector<16xi32>
      %select_n3A_218 = arith.select %and3A_214, %sub3A_217, %div3A_190 : vector<16xi1>, vector<16xi32>
      %min3A = arith.constant 303 : i32
      %min3A_219 = vector.broadcast %min3A : i32 to vector<16xi32>
      %min3A_220 = arith.minsi %select_n3A_218, %min3A_219 : vector<16xi32>
      %mul3A_221 = arith.constant 91 : i32
      %mul3A_222 = vector.broadcast %mul3A_221 : i32 to vector<16xi32>
      %mul3A_223 = arith.muli %min3A_220, %mul3A_222 : vector<16xi32>
      %sub3A_224 = arith.subi %get3A_187, %mul3A_223 : vector<16xi32>
      %swap3A_225 = arith.constant 0 : index
      %swap3A_226 = tpu.vector_load %arg14[%swap3A_225] {strides = array<i32>} : memref<128xi32, #tpu.memory_space<vmem>>, vector<16xi32>,
      tpu.vector_store %arg14[%swap3A_225], %sub3A_224 {strides = array<i32>} : memref<128xi32, #tpu.memory_space<vmem>>, vector<16xi32>,
      %mul3A_227 = arith.constant 4 : i32
      %mul3A_228 = vector.broadcast %mul3A_227 : i32 to vector<16xi32>
      %mul3A_229 = arith.muli %min3A_220, %mul3A_228 : vector<16xi32>
      %gather3A = tpu.vector_load_idx %arg8[%mul3A_229] : memref<1216xf32, #tpu.memory_space<vmem>>[vector<16xi32>], vector<16xf32>,
      %add3A_230 = arith.constant 2 : i32
      %add3A_231 = vector.broadcast %add3A_230 : i32 to vector<16xi32>
      %add3A_232 = arith.addi %mul3A_229, %add3A_231 : vector<16xi32>
      %gather3A_233 = tpu.vector_load_idx %arg8[%add3A_232] : memref<1216xf32, #tpu.memory_space<vmem>>[vector<16xi32>], vector<16xf32>,
      %add3A_234 = arith.addf %gather3A, %gather3A_233 : vector<16xf32>
      %mul3A_235 = arith.constant 5.000000e-01 : f32
      %mul3A_236 = vector.broadcast %mul3A_235 : f32 to vector<16xf32>
      %mul3A_237 = arith.mulf %add3A_234, %mul3A_236 : vector<16xf32>
      %add3A_238 = arith.constant 1 : i32
      %add3A_239 = vector.broadcast %add3A_238 : i32 to vector<16xi32>
      %add3A_240 = arith.addi %mul3A_229, %add3A_239 : vector<16xi32>
      %gather3A_241 = tpu.vector_load_idx %arg8[%add3A_240] : memref<1216xf32, #tpu.memory_space<vmem>>[vector<16xi32>], vector<16xf32>,
      %add3A_242 = arith.constant 3 : i32
      %add3A_243 = vector.broadcast %add3A_242 : i32 to vector<16xi32>
      %add3A_244 = arith.addi %mul3A_229, %add3A_243 : vector<16xi32>
      %gather3A_245 = tpu.vector_load_idx %arg8[%add3A_244] : memref<1216xf32, #tpu.memory_space<vmem>>[vector<16xi32>], vector<16xf32>,
      %add3A_246 = arith.addf %gather3A_241, %gather3A_245 : vector<16xf32>
      %mul3A_247 = arith.constant 5.000000e-01 : f32
      %mul3A_248 = vector.broadcast %mul3A_247 : f32 to vector<16xf32>
      %mul3A_249 = arith.mulf %add3A_246, %mul3A_248 : vector<16xf32>
      %add3A_250 = arith.addf %mul3A_237, %mul3A_249 : vector<16xf32>
      %mul3A_251 = arith.constant 5.000000e-01 : f32
      %mul3A_252 = vector.broadcast %mul3A_251 : f32 to vector<16xf32>
      %mul3A_253 = arith.mulf %add3A_250, %mul3A_252 : vector<16xf32>
      %gt3A_254 = arith.constant 5.000000e-01 : f32
      %gt3A_255 = vector.broadcast %gt3A_254 : f32 to vector<16xf32>
      %gt3A_256 = arith.cmpf ogt, %mul3A_253, %gt3A_255 : vector<16xf32>
      %convert_element_type3A_257 = arith.extui %gt3A_256 : vector<16xi1> to vector<16xi32>
      %swap3A_258 = arith.constant 0 : index
      %swap3A_259 = tpu.vector_load %arg15[%swap3A_258] {strides = array<i32>} : memref<128xi32, #tpu.memory_space<vmem>>, vector<16xi32>,
      tpu.vector_store %arg15[%swap3A_258], %convert_element_type3A_257 {strides = array<i32>} : memref<128xi32, #tpu.memory_space<vmem>>, vector<16xi32>,
      %get3A_260 = arith.constant 16 : index
      %get3A_261 = tpu.vector_load %arg13[%get3A_260] {strides = array<i32>} : memref<128xi32, #tpu.memory_space<vmem>>, vector<16xi32>,
      %jit3A_262 = arith.constant 91 : i32
      %div3A_263 = vector.broadcast %jit3A_262 : i32 to vector<16xi32>
      %div3A_264 = arith.divsi %get3A_261, %div3A_263 : vector<16xi32>
      %sign3A_265 = arith.constant 0 : i32
      %sign3A_266 = vector.broadcast %sign3A_265 : i32 to vector<16xi32>
      %sign3A_267 = arith.cmpi sgt, %get3A_261, %sign3A_266 : vector<16xi32>
      %sign3A_268 = arith.extui %sign3A_267 : vector<16xi1> to vector<16xi32>
      %sign3A_269 = arith.constant 0 : i32
      %sign3A_270 = vector.broadcast %sign3A_269 : i32 to vector<16xi32>
      %sign3A_271 = arith.cmpi slt, %get3A_261, %sign3A_270 : vector<16xi32>
      %sign3A_272 = arith.extui %sign3A_271 : vector<16xi1> to vector<16xi32>
      %sign3A_273 = arith.subi %sign3A_268, %sign3A_272 : vector<16xi32>
      %sign3A_274 = arith.constant 0 : i32
      %sign3A_275 = arith.cmpi sgt, %jit3A_262, %sign3A_274 : i32
      %sign3A_276 = arith.extui %sign3A_275 : i1 to i32
      %sign3A_277 = arith.constant 0 : i32
      %sign3A_278 = arith.cmpi slt, %jit3A_262, %sign3A_277 : i32
      %sign3A_279 = arith.extui %sign3A_278 : i1 to i32
      %sign3A_280 = arith.subi %sign3A_276, %sign3A_279 : i32
      %ne3A_281 = vector.broadcast %sign3A_280 : i32 to vector<16xi32>
      %ne3A_282 = arith.cmpi ne, %sign3A_273, %ne3A_281 : vector<16xi32>
      %rem3A_283 = vector.broadcast %jit3A_262 : i32 to vector<16xi32>
      %rem3A_284 = arith.remsi %get3A_261, %rem3A_283 : vector<16xi32>
      %ne3A_285 = arith.constant 0 : i32
      %ne3A_286 = vector.broadcast %ne3A_285 : i32 to vector<16xi32>
      %ne3A_287 = arith.cmpi ne, %rem3A_284, %ne3A_286 : vector<16xi32>
      %and3A_288 = arith.andi %ne3A_282, %ne3A_287 : vector<16xi1>
      %sub3A_289 = arith.constant 1 : i32
      %sub3A_290 = vector.broadcast %sub3A_289 : i32 to vector<16xi32>
      %sub3A_291 = arith.subi %div3A_264, %sub3A_290 : vector<16xi32>
      %select_n3A_292 = arith.select %and3A_288, %sub3A_291, %div3A_264 : vector<16xi1>, vector<16xi32>
      %min3A_293 = arith.constant 303 : i32
      %min3A_294 = vector.broadcast %min3A_293 : i32 to vector<16xi32>
      %min3A_295 = arith.minsi %select_n3A_292, %min3A_294 : vector<16xi32>
      %mul3A_296 = arith.constant 91 : i32
      %mul3A_297 = vector.broadcast %mul3A_296 : i32 to vector<16xi32>
      %mul3A_298 = arith.muli %min3A_295, %mul3A_297 : vector<16xi32>
      %sub3A_299 = arith.subi %get3A_261, %mul3A_298 : vector<16xi32>
      %swap3A_300 = arith.constant 16 : index
      %swap3A_301 = tpu.vector_load %arg14[%swap3A_300] {strides = array<i32>} : memref<128xi32, #tpu.memory_space<vmem>>, vector<16xi32>,
      tpu.vector_store %arg14[%swap3A_300], %sub3A_299 {strides = array<i32>} : memref<128xi32, #tpu.memory_space<vmem>>, vector<16xi32>,
      %mul3A_302 = arith.constant 4 : i32
      %mul3A_303 = vector.broadcast %mul3A_302 : i32 to vector<16xi32>
      %mul3A_304 = arith.muli %min3A_295, %mul3A_303 : vector<16xi32>
      %gather3A_305 = tpu.vector_load_idx %arg8[%mul3A_304] : memref<1216xf32, #tpu.memory_space<vmem>>[vector<16xi32>], vector<16xf32>,
      %add3A_306 = arith.constant 2 : i32
      %add3A_307 = vector.broadcast %add3A_306 : i32 to vector<16xi32>
      %add3A_308 = arith.addi %mul3A_304, %add3A_307 : vector<16xi32>
      %gather3A_309 = tpu.vector_load_idx %arg8[%add3A_308] : memref<1216xf32, #tpu.memory_space<vmem>>[vector<16xi32>], vector<16xf32>,
      %add3A_310 = arith.addf %gather3A_305, %gather3A_309 : vector<16xf32>
      %mul3A_311 = arith.constant 5.000000e-01 : f32
      %mul3A_312 = vector.broadcast %mul3A_311 : f32 to vector<16xf32>
      %mul3A_313 = arith.mulf %add3A_310, %mul3A_312 : vector<16xf32>
      %add3A_314 = arith.constant 1 : i32
      %add3A_315 = vector.broadcast %add3A_314 : i32 to vector<16xi32>
      %add3A_316 = arith.addi %mul3A_304, %add3A_315 : vector<16xi32>
      %gather3A_317 = tpu.vector_load_idx %arg8[%add3A_316] : memref<1216xf32, #tpu.memory_space<vmem>>[vector<16xi32>], vector<16xf32>,
      %add3A_318 = arith.constant 3 : i32
      %add3A_319 = vector.broadcast %add3A_318 : i32 to vector<16xi32>
      %add3A_320 = arith.addi %mul3A_304, %add3A_319 : vector<16xi32>
      %gather3A_321 = tpu.vector_load_idx %arg8[%add3A_320] : memref<1216xf32, #tpu.memory_space<vmem>>[vector<16xi32>], vector<16xf32>,
      %add3A_322 = arith.addf %gather3A_317, %gather3A_321 : vector<16xf32>
      %mul3A_323 = arith.constant 5.000000e-01 : f32
      %mul3A_324 = vector.broadcast %mul3A_323 : f32 to vector<16xf32>
      %mul3A_325 = arith.mulf %add3A_322, %mul3A_324 : vector<16xf32>
      %add3A_326 = arith.addf %mul3A_313, %mul3A_325 : vector<16xf32>
      %mul3A_327 = arith.constant 5.000000e-01 : f32
      %mul3A_328 = vector.broadcast %mul3A_327 : f32 to vector<16xf32>
      %mul3A_329 = arith.mulf %add3A_326, %mul3A_328 : vector<16xf32>
      %gt3A_330 = arith.constant 5.000000e-01 : f32
      %gt3A_331 = vector.broadcast %gt3A_330 : f32 to vector<16xf32>
      %gt3A_332 = arith.cmpf ogt, %mul3A_329, %gt3A_331 : vector<16xf32>
      %convert_element_type3A_333 = arith.extui %gt3A_332 : vector<16xi1> to vector<16xi32>
      %swap3A_334 = arith.constant 16 : index
      %swap3A_335 = tpu.vector_load %arg15[%swap3A_334] {strides = array<i32>} : memref<128xi32, #tpu.memory_space<vmem>>, vector<16xi32>,
      tpu.vector_store %arg15[%swap3A_334], %convert_element_type3A_333 {strides = array<i32>} : memref<128xi32, #tpu.memory_space<vmem>>, vector<16xi32>,
      %get3A_336 = arith.constant 32 : index
      %get3A_337 = tpu.vector_load %arg13[%get3A_336] {strides = array<i32>} : memref<128xi32, #tpu.memory_space<vmem>>, vector<16xi32>,
      %jit3A_338 = arith.constant 91 : i32
      %div3A_339 = vector.broadcast %jit3A_338 : i32 to vector<16xi32>
      %div3A_340 = arith.divsi %get3A_337, %div3A_339 : vector<16xi32>
      %sign3A_341 = arith.constant 0 : i32
      %sign3A_342 = vector.broadcast %sign3A_341 : i32 to vector<16xi32>
      %sign3A_343 = arith.cmpi sgt, %get3A_337, %sign3A_342 : vector<16xi32>
      %sign3A_344 = arith.extui %sign3A_343 : vector<16xi1> to vector<16xi32>
      %sign3A_345 = arith.constant 0 : i32
      %sign3A_346 = vector.broadcast %sign3A_345 : i32 to vector<16xi32>
      %sign3A_347 = arith.cmpi slt, %get3A_337, %sign3A_346 : vector<16xi32>
      %sign3A_348 = arith.extui %sign3A_347 : vector<16xi1> to vector<16xi32>
      %sign3A_349 = arith.subi %sign3A_344, %sign3A_348 : vector<16xi32>
      %sign3A_350 = arith.constant 0 : i32
      %sign3A_351 = arith.cmpi sgt, %jit3A_338, %sign3A_350 : i32
      %sign3A_352 = arith.extui %sign3A_351 : i1 to i32
      %sign3A_353 = arith.constant 0 : i32
      %sign3A_354 = arith.cmpi slt, %jit3A_338, %sign3A_353 : i32
      %sign3A_355 = arith.extui %sign3A_354 : i1 to i32
      %sign3A_356 = arith.subi %sign3A_352, %sign3A_355 : i32
      %ne3A_357 = vector.broadcast %sign3A_356 : i32 to vector<16xi32>
      %ne3A_358 = arith.cmpi ne, %sign3A_349, %ne3A_357 : vector<16xi32>
      %rem3A_359 = vector.broadcast %jit3A_338 : i32 to vector<16xi32>
      %rem3A_360 = arith.remsi %get3A_337, %rem3A_359 : vector<16xi32>
      %ne3A_361 = arith.constant 0 : i32
      %ne3A_362 = vector.broadcast %ne3A_361 : i32 to vector<16xi32>
      %ne3A_363 = arith.cmpi ne, %rem3A_360, %ne3A_362 : vector<16xi32>
      %and3A_364 = arith.andi %ne3A_358, %ne3A_363 : vector<16xi1>
      %sub3A_365 = arith.constant 1 : i32
      %sub3A_366 = vector.broadcast %sub3A_365 : i32 to vector<16xi32>
      %sub3A_367 = arith.subi %div3A_340, %sub3A_366 : vector<16xi32>
      %select_n3A_368 = arith.select %and3A_364, %sub3A_367, %div3A_340 : vector<16xi1>, vector<16xi32>
      %min3A_369 = arith.constant 303 : i32
      %min3A_370 = vector.broadcast %min3A_369 : i32 to vector<16xi32>
      %min3A_371 = arith.minsi %select_n3A_368, %min3A_370 : vector<16xi32>
      %mul3A_372 = arith.constant 91 : i32
      %mul3A_373 = vector.broadcast %mul3A_372 : i32 to vector<16xi32>
      %mul3A_374 = arith.muli %min3A_371, %mul3A_373 : vector<16xi32>
      %sub3A_375 = arith.subi %get3A_337, %mul3A_374 : vector<16xi32>
      %swap3A_376 = arith.constant 32 : index
      %swap3A_377 = tpu.vector_load %arg14[%swap3A_376] {strides = array<i32>} : memref<128xi32, #tpu.memory_space<vmem>>, vector<16xi32>,
      tpu.vector_store %arg14[%swap3A_376], %sub3A_375 {strides = array<i32>} : memref<128xi32, #tpu.memory_space<vmem>>, vector<16xi32>,
      %mul3A_378 = arith.constant 4 : i32
      %mul3A_379 = vector.broadcast %mul3A_378 : i32 to vector<16xi32>
      %mul3A_380 = arith.muli %min3A_371, %mul3A_379 : vector<16xi32>
      %gather3A_381 = tpu.vector_load_idx %arg8[%mul3A_380] : memref<1216xf32, #tpu.memory_space<vmem>>[vector<16xi32>], vector<16xf32>,
      %add3A_382 = arith.constant 2 : i32
      %add3A_383 = vector.broadcast %add3A_382 : i32 to vector<16xi32>
      %add3A_384 = arith.addi %mul3A_380, %add3A_383 : vector<16xi32>
      %gather3A_385 = tpu.vector_load_idx %arg8[%add3A_384] : memref<1216xf32, #tpu.memory_space<vmem>>[vector<16xi32>], vector<16xf32>,
      %add3A_386 = arith.addf %gather3A_381, %gather3A_385 : vector<16xf32>
      %mul3A_387 = arith.constant 5.000000e-01 : f32
      %mul3A_388 = vector.broadcast %mul3A_387 : f32 to vector<16xf32>
      %mul3A_389 = arith.mulf %add3A_386, %mul3A_388 : vector<16xf32>
      %add3A_390 = arith.constant 1 : i32
      %add3A_391 = vector.broadcast %add3A_390 : i32 to vector<16xi32>
      %add3A_392 = arith.addi %mul3A_380, %add3A_391 : vector<16xi32>
      %gather3A_393 = tpu.vector_load_idx %arg8[%add3A_392] : memref<1216xf32, #tpu.memory_space<vmem>>[vector<16xi32>], vector<16xf32>,
      %add3A_394 = arith.constant 3 : i32
      %add3A_395 = vector.broadcast %add3A_394 : i32 to vector<16xi32>
      %add3A_396 = arith.addi %mul3A_380, %add3A_395 : vector<16xi32>
      %gather3A_397 = tpu.vector_load_idx %arg8[%add3A_396] : memref<1216xf32, #tpu.memory_space<vmem>>[vector<16xi32>], vector<16xf32>,
      %add3A_398 = arith.addf %gather3A_393, %gather3A_397 : vector<16xf32>
      %mul3A_399 = arith.constant 5.000000e-01 : f32
      %mul3A_400 = vector.broadcast %mul3A_399 : f32 to vector<16xf32>
      %mul3A_401 = arith.mulf %add3A_398, %mul3A_400 : vector<16xf32>
      %add3A_402 = arith.addf %mul3A_389, %mul3A_401 : vector<16xf32>
      %mul3A_403 = arith.constant 5.000000e-01 : f32
      %mul3A_404 = vector.broadcast %mul3A_403 : f32 to vector<16xf32>
      %mul3A_405 = arith.mulf %add3A_402, %mul3A_404 : vector<16xf32>
      %gt3A_406 = arith.constant 5.000000e-01 : f32
      %gt3A_407 = vector.broadcast %gt3A_406 : f32 to vector<16xf32>
      %gt3A_408 = arith.cmpf ogt, %mul3A_405, %gt3A_407 : vector<16xf32>
      %convert_element_type3A_409 = arith.extui %gt3A_408 : vector<16xi1> to vector<16xi32>
      %swap3A_410 = arith.constant 32 : index
      %swap3A_411 = tpu.vector_load %arg15[%swap3A_410] {strides = array<i32>} : memref<128xi32, #tpu.memory_space<vmem>>, vector<16xi32>,
      tpu.vector_store %arg15[%swap3A_410], %convert_element_type3A_409 {strides = array<i32>} : memref<128xi32, #tpu.memory_space<vmem>>, vector<16xi32>,
      %get3A_412 = arith.constant 48 : index
      %get3A_413 = tpu.vector_load %arg13[%get3A_412] {strides = array<i32>} : memref<128xi32, #tpu.memory_space<vmem>>, vector<16xi32>,
      %jit3A_414 = arith.constant 91 : i32
      %div3A_415 = vector.broadcast %jit3A_414 : i32 to vector<16xi32>
      %div3A_416 = arith.divsi %get3A_413, %div3A_415 : vector<16xi32>
      %sign3A_417 = arith.constant 0 : i32
      %sign3A_418 = vector.broadcast %sign3A_417 : i32 to vector<16xi32>
      %sign3A_419 = arith.cmpi sgt, %get3A_413, %sign3A_418 : vector<16xi32>
      %sign3A_420 = arith.extui %sign3A_419 : vector<16xi1> to vector<16xi32>
      %sign3A_421 = arith.constant 0 : i32
      %sign3A_422 = vector.broadcast %sign3A_421 : i32 to vector<16xi32>
      %sign3A_423 = arith.cmpi slt, %get3A_413, %sign3A_422 : vector<16xi32>
      %sign3A_424 = arith.extui %sign3A_423 : vector<16xi1> to vector<16xi32>
      %sign3A_425 = arith.subi %sign3A_420, %sign3A_424 : vector<16xi32>
      %sign3A_426 = arith.constant 0 : i32
      %sign3A_427 = arith.cmpi sgt, %jit3A_414, %sign3A_426 : i32
      %sign3A_428 = arith.extui %sign3A_427 : i1 to i32
      %sign3A_429 = arith.constant 0 : i32
      %sign3A_430 = arith.cmpi slt, %jit3A_414, %sign3A_429 : i32
      %sign3A_431 = arith.extui %sign3A_430 : i1 to i32
      %sign3A_432 = arith.subi %sign3A_428, %sign3A_431 : i32
      %ne3A_433 = vector.broadcast %sign3A_432 : i32 to vector<16xi32>
      %ne3A_434 = arith.cmpi ne, %sign3A_425, %ne3A_433 : vector<16xi32>
      %rem3A_435 = vector.broadcast %jit3A_414 : i32 to vector<16xi32>
      %rem3A_436 = arith.remsi %get3A_413, %rem3A_435 : vector<16xi32>
      %ne3A_437 = arith.constant 0 : i32
      %ne3A_438 = vector.broadcast %ne3A_437 : i32 to vector<16xi32>
      %ne3A_439 = arith.cmpi ne, %rem3A_436, %ne3A_438 : vector<16xi32>
      %and3A_440 = arith.andi %ne3A_434, %ne3A_439 : vector<16xi1>
      %sub3A_441 = arith.constant 1 : i32
      %sub3A_442 = vector.broadcast %sub3A_441 : i32 to vector<16xi32>
      %sub3A_443 = arith.subi %div3A_416, %sub3A_442 : vector<16xi32>
      %select_n3A_444 = arith.select %and3A_440, %sub3A_443, %div3A_416 : vector<16xi1>, vector<16xi32>
      %min3A_445 = arith.constant 303 : i32
      %min3A_446 = vector.broadcast %min3A_445 : i32 to vector<16xi32>
      %min3A_447 = arith.minsi %select_n3A_444, %min3A_446 : vector<16xi32>
      %mul3A_448 = arith.constant 91 : i32
      %mul3A_449 = vector.broadcast %mul3A_448 : i32 to vector<16xi32>
      %mul3A_450 = arith.muli %min3A_447, %mul3A_449 : vector<16xi32>
      %sub3A_451 = arith.subi %get3A_413, %mul3A_450 : vector<16xi32>
      %swap3A_452 = arith.constant 48 : index
      %swap3A_453 = tpu.vector_load %arg14[%swap3A_452] {strides = array<i32>} : memref<128xi32, #tpu.memory_space<vmem>>, vector<16xi32>,
      tpu.vector_store %arg14[%swap3A_452], %sub3A_451 {strides = array<i32>} : memref<128xi32, #tpu.memory_space<vmem>>, vector<16xi32>,
      %mul3A_454 = arith.constant 4 : i32
      %mul3A_455 = vector.broadcast %mul3A_454 : i32 to vector<16xi32>
      %mul3A_456 = arith.muli %min3A_447, %mul3A_455 : vector<16xi32>
      %gather3A_457 = tpu.vector_load_idx %arg8[%mul3A_456] : memref<1216xf32, #tpu.memory_space<vmem>>[vector<16xi32>], vector<16xf32>,
      %add3A_458 = arith.constant 2 : i32
      %add3A_459 = vector.broadcast %add3A_458 : i32 to vector<16xi32>
      %add3A_460 = arith.addi %mul3A_456, %add3A_459 : vector<16xi32>
      %gather3A_461 = tpu.vector_load_idx %arg8[%add3A_460] : memref<1216xf32, #tpu.memory_space<vmem>>[vector<16xi32>], vector<16xf32>,
      %add3A_462 = arith.addf %gather3A_457, %gather3A_461 : vector<16xf32>
      %mul3A_463 = arith.constant 5.000000e-01 : f32
      %mul3A_464 = vector.broadcast %mul3A_463 : f32 to vector<16xf32>
      %mul3A_465 = arith.mulf %add3A_462, %mul3A_464 : vector<16xf32>
      %add3A_466 = arith.constant 1 : i32
      %add3A_467 = vector.broadcast %add3A_466 : i32 to vector<16xi32>
      %add3A_468 = arith.addi %mul3A_456, %add3A_467 : vector<16xi32>
      %gather3A_469 = tpu.vector_load_idx %arg8[%add3A_468] : memref<1216xf32, #tpu.memory_space<vmem>>[vector<16xi32>], vector<16xf32>,
      %add3A_470 = arith.constant 3 : i32
      %add3A_471 = vector.broadcast %add3A_470 : i32 to vector<16xi32>
      %add3A_472 = arith.addi %mul3A_456, %add3A_471 : vector<16xi32>
      %gather3A_473 = tpu.vector_load_idx %arg8[%add3A_472] : memref<1216xf32, #tpu.memory_space<vmem>>[vector<16xi32>], vector<16xf32>,
      %add3A_474 = arith.addf %gather3A_469, %gather3A_473 : vector<16xf32>
      %mul3A_475 = arith.constant 5.000000e-01 : f32
      %mul3A_476 = vector.broadcast %mul3A_475 : f32 to vector<16xf32>
      %mul3A_477 = arith.mulf %add3A_474, %mul3A_476 : vector<16xf32>
      %add3A_478 = arith.addf %mul3A_465, %mul3A_477 : vector<16xf32>
      %mul3A_479 = arith.constant 5.000000e-01 : f32
      %mul3A_480 = vector.broadcast %mul3A_479 : f32 to vector<16xf32>
      %mul3A_481 = arith.mulf %add3A_478, %mul3A_480 : vector<16xf32>
      %gt3A_482 = arith.constant 5.000000e-01 : f32
      %gt3A_483 = vector.broadcast %gt3A_482 : f32 to vector<16xf32>
      %gt3A_484 = arith.cmpf ogt, %mul3A_481, %gt3A_483 : vector<16xf32>
      %convert_element_type3A_485 = arith.extui %gt3A_484 : vector<16xi1> to vector<16xi32>
      %swap3A_486 = arith.constant 48 : index
      %swap3A_487 = tpu.vector_load %arg15[%swap3A_486] {strides = array<i32>} : memref<128xi32, #tpu.memory_space<vmem>>, vector<16xi32>,
      tpu.vector_store %arg15[%swap3A_486], %convert_element_type3A_485 {strides = array<i32>} : memref<128xi32, #tpu.memory_space<vmem>>, vector<16xi32>,
      %get3A_488 = arith.constant 64 : index
      %get3A_489 = tpu.vector_load %arg13[%get3A_488] {strides = array<i32>} : memref<128xi32, #tpu.memory_space<vmem>>, vector<16xi32>,
      %jit3A_490 = arith.constant 91 : i32
      %div3A_491 = vector.broadcast %jit3A_490 : i32 to vector<16xi32>
      %div3A_492 = arith.divsi %get3A_489, %div3A_491 : vector<16xi32>
      %sign3A_493 = arith.constant 0 : i32
      %sign3A_494 = vector.broadcast %sign3A_493 : i32 to vector<16xi32>
      %sign3A_495 = arith.cmpi sgt, %get3A_489, %sign3A_494 : vector<16xi32>
      %sign3A_496 = arith.extui %sign3A_495 : vector<16xi1> to vector<16xi32>
      %sign3A_497 = arith.constant 0 : i32
      %sign3A_498 = vector.broadcast %sign3A_497 : i32 to vector<16xi32>
      %sign3A_499 = arith.cmpi slt, %get3A_489, %sign3A_498 : vector<16xi32>
      %sign3A_500 = arith.extui %sign3A_499 : vector<16xi1> to vector<16xi32>
      %sign3A_501 = arith.subi %sign3A_496, %sign3A_500 : vector<16xi32>
      %sign3A_502 = arith.constant 0 : i32
      %sign3A_503 = arith.cmpi sgt, %jit3A_490, %sign3A_502 : i32
      %sign3A_504 = arith.extui %sign3A_503 : i1 to i32
      %sign3A_505 = arith.constant 0 : i32
      %sign3A_506 = arith.cmpi slt, %jit3A_490, %sign3A_505 : i32
      %sign3A_507 = arith.extui %sign3A_506 : i1 to i32
      %sign3A_508 = arith.subi %sign3A_504, %sign3A_507 : i32
      %ne3A_509 = vector.broadcast %sign3A_508 : i32 to vector<16xi32>
      %ne3A_510 = arith.cmpi ne, %sign3A_501, %ne3A_509 : vector<16xi32>
      %rem3A_511 = vector.broadcast %jit3A_490 : i32 to vector<16xi32>
      %rem3A_512 = arith.remsi %get3A_489, %rem3A_511 : vector<16xi32>
      %ne3A_513 = arith.constant 0 : i32
      %ne3A_514 = vector.broadcast %ne3A_513 : i32 to vector<16xi32>
      %ne3A_515 = arith.cmpi ne, %rem3A_512, %ne3A_514 : vector<16xi32>
      %and3A_516 = arith.andi %ne3A_510, %ne3A_515 : vector<16xi1>
      %sub3A_517 = arith.constant 1 : i32
      %sub3A_518 = vector.broadcast %sub3A_517 : i32 to vector<16xi32>
      %sub3A_519 = arith.subi %div3A_492, %sub3A_518 : vector<16xi32>
      %select_n3A_520 = arith.select %and3A_516, %sub3A_519, %div3A_492 : vector<16xi1>, vector<16xi32>
      %min3A_521 = arith.constant 303 : i32
      %min3A_522 = vector.broadcast %min3A_521 : i32 to vector<16xi32>
      %min3A_523 = arith.minsi %select_n3A_520, %min3A_522 : vector<16xi32>
      %mul3A_524 = arith.constant 91 : i32
      %mul3A_525 = vector.broadcast %mul3A_524 : i32 to vector<16xi32>
      %mul3A_526 = arith.muli %min3A_523, %mul3A_525 : vector<16xi32>
      %sub3A_527 = arith.subi %get3A_489, %mul3A_526 : vector<16xi32>
      %swap3A_528 = arith.constant 64 : index
      %swap3A_529 = tpu.vector_load %arg14[%swap3A_528] {strides = array<i32>} : memref<128xi32, #tpu.memory_space<vmem>>, vector<16xi32>,
      tpu.vector_store %arg14[%swap3A_528], %sub3A_527 {strides = array<i32>} : memref<128xi32, #tpu.memory_space<vmem>>, vector<16xi32>,
      %mul3A_530 = arith.constant 4 : i32
      %mul3A_531 = vector.broadcast %mul3A_530 : i32 to vector<16xi32>
      %mul3A_532 = arith.muli %min3A_523, %mul3A_531 : vector<16xi32>
      %gather3A_533 = tpu.vector_load_idx %arg8[%mul3A_532] : memref<1216xf32, #tpu.memory_space<vmem>>[vector<16xi32>], vector<16xf32>,
      %add3A_534 = arith.constant 2 : i32
      %add3A_535 = vector.broadcast %add3A_534 : i32 to vector<16xi32>
      %add3A_536 = arith.addi %mul3A_532, %add3A_535 : vector<16xi32>
      %gather3A_537 = tpu.vector_load_idx %arg8[%add3A_536] : memref<1216xf32, #tpu.memory_space<vmem>>[vector<16xi32>], vector<16xf32>,
      %add3A_538 = arith.addf %gather3A_533, %gather3A_537 : vector<16xf32>
      %mul3A_539 = arith.constant 5.000000e-01 : f32
      %mul3A_540 = vector.broadcast %mul3A_539 : f32 to vector<16xf32>
      %mul3A_541 = arith.mulf %add3A_538, %mul3A_540 : vector<16xf32>
      %add3A_542 = arith.constant 1 : i32
      %add3A_543 = vector.broadcast %add3A_542 : i32 to vector<16xi32>
      %add3A_544 = arith.addi %mul3A_532, %add3A_543 : vector<16xi32>
      %gather3A_545 = tpu.vector_load_idx %arg8[%add3A_544] : memref<1216xf32, #tpu.memory_space<vmem>>[vector<16xi32>], vector<16xf32>,
      %add3A_546 = arith.constant 3 : i32
      %add3A_547 = vector.broadcast %add3A_546 : i32 to vector<16xi32>
      %add3A_548 = arith.addi %mul3A_532, %add3A_547 : vector<16xi32>
      %gather3A_549 = tpu.vector_load_idx %arg8[%add3A_548] : memref<1216xf32, #tpu.memory_space<vmem>>[vector<16xi32>], vector<16xf32>,
      %add3A_550 = arith.addf %gather3A_545, %gather3A_549 : vector<16xf32>
      %mul3A_551 = arith.constant 5.000000e-01 : f32
      %mul3A_552 = vector.broadcast %mul3A_551 : f32 to vector<16xf32>
      %mul3A_553 = arith.mulf %add3A_550, %mul3A_552 : vector<16xf32>
      %add3A_554 = arith.addf %mul3A_541, %mul3A_553 : vector<16xf32>
      %mul3A_555 = arith.constant 5.000000e-01 : f32
      %mul3A_556 = vector.broadcast %mul3A_555 : f32 to vector<16xf32>
      %mul3A_557 = arith.mulf %add3A_554, %mul3A_556 : vector<16xf32>
      %gt3A_558 = arith.constant 5.000000e-01 : f32
      %gt3A_559 = vector.broadcast %gt3A_558 : f32 to vector<16xf32>
      %gt3A_560 = arith.cmpf ogt, %mul3A_557, %gt3A_559 : vector<16xf32>
      %convert_element_type3A_561 = arith.extui %gt3A_560 : vector<16xi1> to vector<16xi32>
      %swap3A_562 = arith.constant 64 : index
      %swap3A_563 = tpu.vector_load %arg15[%swap3A_562] {strides = array<i32>} : memref<128xi32, #tpu.memory_space<vmem>>, vector<16xi32>,
      tpu.vector_store %arg15[%swap3A_562], %convert_element_type3A_561 {strides = array<i32>} : memref<128xi32, #tpu.memory_space<vmem>>, vector<16xi32>,
      %get3A_564 = arith.constant 80 : index
      %get3A_565 = tpu.vector_load %arg13[%get3A_564] {strides = array<i32>} : memref<128xi32, #tpu.memory_space<vmem>>, vector<16xi32>,
      %jit3A_566 = arith.constant 91 : i32
      %div3A_567 = vector.broadcast %jit3A_566 : i32 to vector<16xi32>
      %div3A_568 = arith.divsi %get3A_565, %div3A_567 : vector<16xi32>
      %sign3A_569 = arith.constant 0 : i32
      %sign3A_570 = vector.broadcast %sign3A_569 : i32 to vector<16xi32>
      %sign3A_571 = arith.cmpi sgt, %get3A_565, %sign3A_570 : vector<16xi32>
      %sign3A_572 = arith.extui %sign3A_571 : vector<16xi1> to vector<16xi32>
      %sign3A_573 = arith.constant 0 : i32
      %sign3A_574 = vector.broadcast %sign3A_573 : i32 to vector<16xi32>
      %sign3A_575 = arith.cmpi slt, %get3A_565, %sign3A_574 : vector<16xi32>
      %sign3A_576 = arith.extui %sign3A_575 : vector<16xi1> to vector<16xi32>
      %sign3A_577 = arith.subi %sign3A_572, %sign3A_576 : vector<16xi32>
      %sign3A_578 = arith.constant 0 : i32
      %sign3A_579 = arith.cmpi sgt, %jit3A_566, %sign3A_578 : i32
      %sign3A_580 = arith.extui %sign3A_579 : i1 to i32
      %sign3A_581 = arith.constant 0 : i32
      %sign3A_582 = arith.cmpi slt, %jit3A_566, %sign3A_581 : i32
      %sign3A_583 = arith.extui %sign3A_582 : i1 to i32
      %sign3A_584 = arith.subi %sign3A_580, %sign3A_583 : i32
      %ne3A_585 = vector.broadcast %sign3A_584 : i32 to vector<16xi32>
      %ne3A_586 = arith.cmpi ne, %sign3A_577, %ne3A_585 : vector<16xi32>
      %rem3A_587 = vector.broadcast %jit3A_566 : i32 to vector<16xi32>
      %rem3A_588 = arith.remsi %get3A_565, %rem3A_587 : vector<16xi32>
      %ne3A_589 = arith.constant 0 : i32
      %ne3A_590 = vector.broadcast %ne3A_589 : i32 to vector<16xi32>
      %ne3A_591 = arith.cmpi ne, %rem3A_588, %ne3A_590 : vector<16xi32>
      %and3A_592 = arith.andi %ne3A_586, %ne3A_591 : vector<16xi1>
      %sub3A_593 = arith.constant 1 : i32
      %sub3A_594 = vector.broadcast %sub3A_593 : i32 to vector<16xi32>
      %sub3A_595 = arith.subi %div3A_568, %sub3A_594 : vector<16xi32>
      %select_n3A_596 = arith.select %and3A_592, %sub3A_595, %div3A_568 : vector<16xi1>, vector<16xi32>
      %min3A_597 = arith.constant 303 : i32
      %min3A_598 = vector.broadcast %min3A_597 : i32 to vector<16xi32>
      %min3A_599 = arith.minsi %select_n3A_596, %min3A_598 : vector<16xi32>
      %mul3A_600 = arith.constant 91 : i32
      %mul3A_601 = vector.broadcast %mul3A_600 : i32 to vector<16xi32>
      %mul3A_602 = arith.muli %min3A_599, %mul3A_601 : vector<16xi32>
      %sub3A_603 = arith.subi %get3A_565, %mul3A_602 : vector<16xi32>
      %swap3A_604 = arith.constant 80 : index
      %swap3A_605 = tpu.vector_load %arg14[%swap3A_604] {strides = array<i32>} : memref<128xi32, #tpu.memory_space<vmem>>, vector<16xi32>,
      tpu.vector_store %arg14[%swap3A_604], %sub3A_603 {strides = array<i32>} : memref<128xi32, #tpu.memory_space<vmem>>, vector<16xi32>,
      %mul3A_606 = arith.constant 4 : i32
      %mul3A_607 = vector.broadcast %mul3A_606 : i32 to vector<16xi32>
      %mul3A_608 = arith.muli %min3A_599, %mul3A_607 : vector<16xi32>
      %gather3A_609 = tpu.vector_load_idx %arg8[%mul3A_608] : memref<1216xf32, #tpu.memory_space<vmem>>[vector<16xi32>], vector<16xf32>,
      %add3A_610 = arith.constant 2 : i32
      %add3A_611 = vector.broadcast %add3A_610 : i32 to vector<16xi32>
      %add3A_612 = arith.addi %mul3A_608, %add3A_611 : vector<16xi32>
      %gather3A_613 = tpu.vector_load_idx %arg8[%add3A_612] : memref<1216xf32, #tpu.memory_space<vmem>>[vector<16xi32>], vector<16xf32>,
      %add3A_614 = arith.addf %gather3A_609, %gather3A_613 : vector<16xf32>
      %mul3A_615 = arith.constant 5.000000e-01 : f32
      %mul3A_616 = vector.broadcast %mul3A_615 : f32 to vector<16xf32>
      %mul3A_617 = arith.mulf %add3A_614, %mul3A_616 : vector<16xf32>
      %add3A_618 = arith.constant 1 : i32
      %add3A_619 = vector.broadcast %add3A_618 : i32 to vector<16xi32>
      %add3A_620 = arith.addi %mul3A_608, %add3A_619 : vector<16xi32>
      %gather3A_621 = tpu.vector_load_idx %arg8[%add3A_620] : memref<1216xf32, #tpu.memory_space<vmem>>[vector<16xi32>], vector<16xf32>,
      %add3A_622 = arith.constant 3 : i32
      %add3A_623 = vector.broadcast %add3A_622 : i32 to vector<16xi32>
      %add3A_624 = arith.addi %mul3A_608, %add3A_623 : vector<16xi32>
      %gather3A_625 = tpu.vector_load_idx %arg8[%add3A_624] : memref<1216xf32, #tpu.memory_space<vmem>>[vector<16xi32>], vector<16xf32>,
      %add3A_626 = arith.addf %gather3A_621, %gather3A_625 : vector<16xf32>
      %mul3A_627 = arith.constant 5.000000e-01 : f32
      %mul3A_628 = vector.broadcast %mul3A_627 : f32 to vector<16xf32>
      %mul3A_629 = arith.mulf %add3A_626, %mul3A_628 : vector<16xf32>
      %add3A_630 = arith.addf %mul3A_617, %mul3A_629 : vector<16xf32>
      %mul3A_631 = arith.constant 5.000000e-01 : f32
      %mul3A_632 = vector.broadcast %mul3A_631 : f32 to vector<16xf32>
      %mul3A_633 = arith.mulf %add3A_630, %mul3A_632 : vector<16xf32>
      %gt3A_634 = arith.constant 5.000000e-01 : f32
      %gt3A_635 = vector.broadcast %gt3A_634 : f32 to vector<16xf32>
      %gt3A_636 = arith.cmpf ogt, %mul3A_633, %gt3A_635 : vector<16xf32>
      %convert_element_type3A_637 = arith.extui %gt3A_636 : vector<16xi1> to vector<16xi32>
      %swap3A_638 = arith.constant 80 : index
      %swap3A_639 = tpu.vector_load %arg15[%swap3A_638] {strides = array<i32>} : memref<128xi32, #tpu.memory_space<vmem>>, vector<16xi32>,
      tpu.vector_store %arg15[%swap3A_638], %convert_element_type3A_637 {strides = array<i32>} : memref<128xi32, #tpu.memory_space<vmem>>, vector<16xi32>,
      %get3A_640 = arith.constant 96 : index
      %get3A_641 = tpu.vector_load %arg13[%get3A_640] {strides = array<i32>} : memref<128xi32, #tpu.memory_space<vmem>>, vector<16xi32>,
      %jit3A_642 = arith.constant 91 : i32
      %div3A_643 = vector.broadcast %jit3A_642 : i32 to vector<16xi32>
      %div3A_644 = arith.divsi %get3A_641, %div3A_643 : vector<16xi32>
      %sign3A_645 = arith.constant 0 : i32
      %sign3A_646 = vector.broadcast %sign3A_645 : i32 to vector<16xi32>
      %sign3A_647 = arith.cmpi sgt, %get3A_641, %sign3A_646 : vector<16xi32>
      %sign3A_648 = arith.extui %sign3A_647 : vector<16xi1> to vector<16xi32>
      %sign3A_649 = arith.constant 0 : i32
      %sign3A_650 = vector.broadcast %sign3A_649 : i32 to vector<16xi32>
      %sign3A_651 = arith.cmpi slt, %get3A_641, %sign3A_650 : vector<16xi32>
      %sign3A_652 = arith.extui %sign3A_651 : vector<16xi1> to vector<16xi32>
      %sign3A_653 = arith.subi %sign3A_648, %sign3A_652 : vector<16xi32>
      %sign3A_654 = arith.constant 0 : i32
      %sign3A_655 = arith.cmpi sgt, %jit3A_642, %sign3A_654 : i32
      %sign3A_656 = arith.extui %sign3A_655 : i1 to i32
      %sign3A_657 = arith.constant 0 : i32
      %sign3A_658 = arith.cmpi slt, %jit3A_642, %sign3A_657 : i32
      %sign3A_659 = arith.extui %sign3A_658 : i1 to i32
      %sign3A_660 = arith.subi %sign3A_656, %sign3A_659 : i32
      %ne3A_661 = vector.broadcast %sign3A_660 : i32 to vector<16xi32>
      %ne3A_662 = arith.cmpi ne, %sign3A_653, %ne3A_661 : vector<16xi32>
      %rem3A_663 = vector.broadcast %jit3A_642 : i32 to vector<16xi32>
      %rem3A_664 = arith.remsi %get3A_641, %rem3A_663 : vector<16xi32>
      %ne3A_665 = arith.constant 0 : i32
      %ne3A_666 = vector.broadcast %ne3A_665 : i32 to vector<16xi32>
      %ne3A_667 = arith.cmpi ne, %rem3A_664, %ne3A_666 : vector<16xi32>
      %and3A_668 = arith.andi %ne3A_662, %ne3A_667 : vector<16xi1>
      %sub3A_669 = arith.constant 1 : i32
      %sub3A_670 = vector.broadcast %sub3A_669 : i32 to vector<16xi32>
      %sub3A_671 = arith.subi %div3A_644, %sub3A_670 : vector<16xi32>
      %select_n3A_672 = arith.select %and3A_668, %sub3A_671, %div3A_644 : vector<16xi1>, vector<16xi32>
      %min3A_673 = arith.constant 303 : i32
      %min3A_674 = vector.broadcast %min3A_673 : i32 to vector<16xi32>
      %min3A_675 = arith.minsi %select_n3A_672, %min3A_674 : vector<16xi32>
      %mul3A_676 = arith.constant 91 : i32
      %mul3A_677 = vector.broadcast %mul3A_676 : i32 to vector<16xi32>
      %mul3A_678 = arith.muli %min3A_675, %mul3A_677 : vector<16xi32>
      %sub3A_679 = arith.subi %get3A_641, %mul3A_678 : vector<16xi32>
      %swap3A_680 = arith.constant 96 : index
      %swap3A_681 = tpu.vector_load %arg14[%swap3A_680] {strides = array<i32>} : memref<128xi32, #tpu.memory_space<vmem>>, vector<16xi32>,
      tpu.vector_store %arg14[%swap3A_680], %sub3A_679 {strides = array<i32>} : memref<128xi32, #tpu.memory_space<vmem>>, vector<16xi32>,
      %mul3A_682 = arith.constant 4 : i32
      %mul3A_683 = vector.broadcast %mul3A_682 : i32 to vector<16xi32>
      %mul3A_684 = arith.muli %min3A_675, %mul3A_683 : vector<16xi32>
      %gather3A_685 = tpu.vector_load_idx %arg8[%mul3A_684] : memref<1216xf32, #tpu.memory_space<vmem>>[vector<16xi32>], vector<16xf32>,
      %add3A_686 = arith.constant 2 : i32
      %add3A_687 = vector.broadcast %add3A_686 : i32 to vector<16xi32>
      %add3A_688 = arith.addi %mul3A_684, %add3A_687 : vector<16xi32>
      %gather3A_689 = tpu.vector_load_idx %arg8[%add3A_688] : memref<1216xf32, #tpu.memory_space<vmem>>[vector<16xi32>], vector<16xf32>,
      %add3A_690 = arith.addf %gather3A_685, %gather3A_689 : vector<16xf32>
      %mul3A_691 = arith.constant 5.000000e-01 : f32
      %mul3A_692 = vector.broadcast %mul3A_691 : f32 to vector<16xf32>
      %mul3A_693 = arith.mulf %add3A_690, %mul3A_692 : vector<16xf32>
      %add3A_694 = arith.constant 1 : i32
      %add3A_695 = vector.broadcast %add3A_694 : i32 to vector<16xi32>
      %add3A_696 = arith.addi %mul3A_684, %add3A_695 : vector<16xi32>
      %gather3A_697 = tpu.vector_load_idx %arg8[%add3A_696] : memref<1216xf32, #tpu.memory_space<vmem>>[vector<16xi32>], vector<16xf32>,
      %add3A_698 = arith.constant 3 : i32
      %add3A_699 = vector.broadcast %add3A_698 : i32 to vector<16xi32>
      %add3A_700 = arith.addi %mul3A_684, %add3A_699 : vector<16xi32>
      %gather3A_701 = tpu.vector_load_idx %arg8[%add3A_700] : memref<1216xf32, #tpu.memory_space<vmem>>[vector<16xi32>], vector<16xf32>,
      %add3A_702 = arith.addf %gather3A_697, %gather3A_701 : vector<16xf32>
      %mul3A_703 = arith.constant 5.000000e-01 : f32
      %mul3A_704 = vector.broadcast %mul3A_703 : f32 to vector<16xf32>
      %mul3A_705 = arith.mulf %add3A_702, %mul3A_704 : vector<16xf32>
      %add3A_706 = arith.addf %mul3A_693, %mul3A_705 : vector<16xf32>
      %mul3A_707 = arith.constant 5.000000e-01 : f32
      %mul3A_708 = vector.broadcast %mul3A_707 : f32 to vector<16xf32>
      %mul3A_709 = arith.mulf %add3A_706, %mul3A_708 : vector<16xf32>
      %gt3A_710 = arith.constant 5.000000e-01 : f32
      %gt3A_711 = vector.broadcast %gt3A_710 : f32 to vector<16xf32>
      %gt3A_712 = arith.cmpf ogt, %mul3A_709, %gt3A_711 : vector<16xf32>
      %convert_element_type3A_713 = arith.extui %gt3A_712 : vector<16xi1> to vector<16xi32>
      %swap3A_714 = arith.constant 96 : index
      %swap3A_715 = tpu.vector_load %arg15[%swap3A_714] {strides = array<i32>} : memref<128xi32, #tpu.memory_space<vmem>>, vector<16xi32>,
      tpu.vector_store %arg15[%swap3A_714], %convert_element_type3A_713 {strides = array<i32>} : memref<128xi32, #tpu.memory_space<vmem>>, vector<16xi32>,
      %get3A_716 = arith.constant 112 : index
      %get3A_717 = tpu.vector_load %arg13[%get3A_716] {strides = array<i32>} : memref<128xi32, #tpu.memory_space<vmem>>, vector<16xi32>,
      %jit3A_718 = arith.constant 91 : i32
      %div3A_719 = vector.broadcast %jit3A_718 : i32 to vector<16xi32>
      %div3A_720 = arith.divsi %get3A_717, %div3A_719 : vector<16xi32>
      %sign3A_721 = arith.constant 0 : i32
      %sign3A_722 = vector.broadcast %sign3A_721 : i32 to vector<16xi32>
      %sign3A_723 = arith.cmpi sgt, %get3A_717, %sign3A_722 : vector<16xi32>
      %sign3A_724 = arith.extui %sign3A_723 : vector<16xi1> to vector<16xi32>
      %sign3A_725 = arith.constant 0 : i32
      %sign3A_726 = vector.broadcast %sign3A_725 : i32 to vector<16xi32>
      %sign3A_727 = arith.cmpi slt, %get3A_717, %sign3A_726 : vector<16xi32>
      %sign3A_728 = arith.extui %sign3A_727 : vector<16xi1> to vector<16xi32>
      %sign3A_729 = arith.subi %sign3A_724, %sign3A_728 : vector<16xi32>
      %sign3A_730 = arith.constant 0 : i32
      %sign3A_731 = arith.cmpi sgt, %jit3A_718, %sign3A_730 : i32
      %sign3A_732 = arith.extui %sign3A_731 : i1 to i32
      %sign3A_733 = arith.constant 0 : i32
      %sign3A_734 = arith.cmpi slt, %jit3A_718, %sign3A_733 : i32
      %sign3A_735 = arith.extui %sign3A_734 : i1 to i32
      %sign3A_736 = arith.subi %sign3A_732, %sign3A_735 : i32
      %ne3A_737 = vector.broadcast %sign3A_736 : i32 to vector<16xi32>
      %ne3A_738 = arith.cmpi ne, %sign3A_729, %ne3A_737 : vector<16xi32>
      %rem3A_739 = vector.broadcast %jit3A_718 : i32 to vector<16xi32>
      %rem3A_740 = arith.remsi %get3A_717, %rem3A_739 : vector<16xi32>
      %ne3A_741 = arith.constant 0 : i32
      %ne3A_742 = vector.broadcast %ne3A_741 : i32 to vector<16xi32>
      %ne3A_743 = arith.cmpi ne, %rem3A_740, %ne3A_742 : vector<16xi32>
      %and3A_744 = arith.andi %ne3A_738, %ne3A_743 : vector<16xi1>
      %sub3A_745 = arith.constant 1 : i32
      %sub3A_746 = vector.broadcast %sub3A_745 : i32 to vector<16xi32>
      %sub3A_747 = arith.subi %div3A_720, %sub3A_746 : vector<16xi32>
      %select_n3A_748 = arith.select %and3A_744, %sub3A_747, %div3A_720 : vector<16xi1>, vector<16xi32>
      %min3A_749 = arith.constant 303 : i32
      %min3A_750 = vector.broadcast %min3A_749 : i32 to vector<16xi32>
      %min3A_751 = arith.minsi %select_n3A_748, %min3A_750 : vector<16xi32>
      %mul3A_752 = arith.constant 91 : i32
      %mul3A_753 = vector.broadcast %mul3A_752 : i32 to vector<16xi32>
      %mul3A_754 = arith.muli %min3A_751, %mul3A_753 : vector<16xi32>
      %sub3A_755 = arith.subi %get3A_717, %mul3A_754 : vector<16xi32>
      %swap3A_756 = arith.constant 112 : index
      %swap3A_757 = tpu.vector_load %arg14[%swap3A_756] {strides = array<i32>} : memref<128xi32, #tpu.memory_space<vmem>>, vector<16xi32>,
      tpu.vector_store %arg14[%swap3A_756], %sub3A_755 {strides = array<i32>} : memref<128xi32, #tpu.memory_space<vmem>>, vector<16xi32>,
      %mul3A_758 = arith.constant 4 : i32
      %mul3A_759 = vector.broadcast %mul3A_758 : i32 to vector<16xi32>
      %mul3A_760 = arith.muli %min3A_751, %mul3A_759 : vector<16xi32>
      %gather3A_761 = tpu.vector_load_idx %arg8[%mul3A_760] : memref<1216xf32, #tpu.memory_space<vmem>>[vector<16xi32>], vector<16xf32>,
      %add3A_762 = arith.constant 2 : i32
      %add3A_763 = vector.broadcast %add3A_762 : i32 to vector<16xi32>
      %add3A_764 = arith.addi %mul3A_760, %add3A_763 : vector<16xi32>
      %gather3A_765 = tpu.vector_load_idx %arg8[%add3A_764] : memref<1216xf32, #tpu.memory_space<vmem>>[vector<16xi32>], vector<16xf32>,
      %add3A_766 = arith.addf %gather3A_761, %gather3A_765 : vector<16xf32>
      %mul3A_767 = arith.constant 5.000000e-01 : f32
      %mul3A_768 = vector.broadcast %mul3A_767 : f32 to vector<16xf32>
      %mul3A_769 = arith.mulf %add3A_766, %mul3A_768 : vector<16xf32>
      %add3A_770 = arith.constant 1 : i32
      %add3A_771 = vector.broadcast %add3A_770 : i32 to vector<16xi32>
      %add3A_772 = arith.addi %mul3A_760, %add3A_771 : vector<16xi32>
      %gather3A_773 = tpu.vector_load_idx %arg8[%add3A_772] : memref<1216xf32, #tpu.memory_space<vmem>>[vector<16xi32>], vector<16xf32>,
      %add3A_774 = arith.constant 3 : i32
      %add3A_775 = vector.broadcast %add3A_774 : i32 to vector<16xi32>
      %add3A_776 = arith.addi %mul3A_760, %add3A_775 : vector<16xi32>
      %gather3A_777 = tpu.vector_load_idx %arg8[%add3A_776] : memref<1216xf32, #tpu.memory_space<vmem>>[vector<16xi32>], vector<16xf32>,
      %add3A_778 = arith.addf %gather3A_773, %gather3A_777 : vector<16xf32>
      %mul3A_779 = arith.constant 5.000000e-01 : f32
      %mul3A_780 = vector.broadcast %mul3A_779 : f32 to vector<16xf32>
      %mul3A_781 = arith.mulf %add3A_778, %mul3A_780 : vector<16xf32>
      %add3A_782 = arith.addf %mul3A_769, %mul3A_781 : vector<16xf32>
      %mul3A_783 = arith.constant 5.000000e-01 : f32
      %mul3A_784 = vector.broadcast %mul3A_783 : f32 to vector<16xf32>
      %mul3A_785 = arith.mulf %add3A_782, %mul3A_784 : vector<16xf32>
      %gt3A_786 = arith.constant 5.000000e-01 : f32
      %gt3A_787 = vector.broadcast %gt3A_786 : f32 to vector<16xf32>
      %gt3A_788 = arith.cmpf ogt, %mul3A_785, %gt3A_787 : vector<16xf32>
      %convert_element_type3A_789 = arith.extui %gt3A_788 : vector<16xi1> to vector<16xi32>
      %swap3A_790 = arith.constant 112 : index
      %swap3A_791 = tpu.vector_load %arg15[%swap3A_790] {strides = array<i32>} : memref<128xi32, #tpu.memory_space<vmem>>, vector<16xi32>,
      tpu.vector_store %arg15[%swap3A_790], %convert_element_type3A_789 {strides = array<i32>} : memref<128xi32, #tpu.memory_space<vmem>>, vector<16xi32>,
      %mul3A_792 = arith.constant 128 : i32
      %mul3A_793 = arith.muli %add3A, %mul3A_792 : i32
      "tpu.region"() ({
        %run_scoped3A = tpu.sem_alloc : memref<!tpu.dma_semaphore, #tpu.memory_space<semaphore_mem>>
        %dma_start3A = tpu.memref_slice %arg4[%mul3A_793] : memref<512xi32, #tpu.memory_space<hbm>> -> memref<128xi32, #tpu.memory_space<hbm>>
        %dma_start3A_798 = tpu.memref_slice %arg4[%mul3A_793] : memref<512xi32, #tpu.memory_space<hbm>> -> memref<128xi32, #tpu.memory_space<hbm>>
        tpu.enqueue_dma source(%arg12 : memref<128xi32, #tpu.memory_space<vmem>>) target(%dma_start3A_798 : memref<128xi32, #tpu.memory_space<hbm>>) target_semaphore(%run_scoped3A : memref<!tpu.dma_semaphore, #tpu.memory_space<semaphore_mem>>)
        %dma_wait3A = tpu.memref_slice %arg4[%mul3A_793] : memref<512xi32, #tpu.memory_space<hbm>> -> memref<128xi32, #tpu.memory_space<hbm>>
        %dma_wait3A_799 = tpu.memref_slice %arg4[%mul3A_793] : memref<512xi32, #tpu.memory_space<hbm>> -> memref<128xi32, #tpu.memory_space<hbm>>
        tpu.wait_dma2 semaphore(%run_scoped3A : memref<!tpu.dma_semaphore, #tpu.memory_space<semaphore_mem>>) src(%arg12 : memref<128xi32, #tpu.memory_space<vmem>>) dst(%dma_wait3A_799 : memref<128xi32, #tpu.memory_space<hbm>>)
        tpu.yield
      }) : () -> ()
      %mul3A_794 = arith.constant 128 : i32
      %mul3A_795 = arith.muli %add3A, %mul3A_794 : i32
      "tpu.region"() ({
        %run_scoped3A = tpu.sem_alloc : memref<!tpu.dma_semaphore, #tpu.memory_space<semaphore_mem>>
        %dma_start3A = tpu.memref_slice %arg5[%mul3A_795] : memref<512xi32, #tpu.memory_space<hbm>> -> memref<128xi32, #tpu.memory_space<hbm>>
        %dma_start3A_798 = tpu.memref_slice %arg5[%mul3A_795] : memref<512xi32, #tpu.memory_space<hbm>> -> memref<128xi32, #tpu.memory_space<hbm>>
        tpu.enqueue_dma source(%arg14 : memref<128xi32, #tpu.memory_space<vmem>>) target(%dma_start3A_798 : memref<128xi32, #tpu.memory_space<hbm>>) target_semaphore(%run_scoped3A : memref<!tpu.dma_semaphore, #tpu.memory_space<semaphore_mem>>)
        %dma_wait3A = tpu.memref_slice %arg5[%mul3A_795] : memref<512xi32, #tpu.memory_space<hbm>> -> memref<128xi32, #tpu.memory_space<hbm>>
        %dma_wait3A_799 = tpu.memref_slice %arg5[%mul3A_795] : memref<512xi32, #tpu.memory_space<hbm>> -> memref<128xi32, #tpu.memory_space<hbm>>
        tpu.wait_dma2 semaphore(%run_scoped3A : memref<!tpu.dma_semaphore, #tpu.memory_space<semaphore_mem>>) src(%arg14 : memref<128xi32, #tpu.memory_space<vmem>>) dst(%dma_wait3A_799 : memref<128xi32, #tpu.memory_space<hbm>>)
        tpu.yield
      }) : () -> ()
      %mul3A_796 = arith.constant 128 : i32
      %mul3A_797 = arith.muli %add3A, %mul3A_796 : i32
      "tpu.region"() ({
        %run_scoped3A = tpu.sem_alloc : memref<!tpu.dma_semaphore, #tpu.memory_space<semaphore_mem>>
        %dma_start3A = tpu.memref_slice %arg6[%mul3A_797] : memref<512xi32, #tpu.memory_space<hbm>> -> memref<128xi32, #tpu.memory_space<hbm>>
        %dma_start3A_798 = tpu.memref_slice %arg6[%mul3A_797] : memref<512xi32, #tpu.memory_space<hbm>> -> memref<128xi32, #tpu.memory_space<hbm>>
        tpu.enqueue_dma source(%arg15 : memref<128xi32, #tpu.memory_space<vmem>>) target(%dma_start3A_798 : memref<128xi32, #tpu.memory_space<hbm>>) target_semaphore(%run_scoped3A : memref<!tpu.dma_semaphore, #tpu.memory_space<semaphore_mem>>)
        %dma_wait3A = tpu.memref_slice %arg6[%mul3A_797] : memref<512xi32, #tpu.memory_space<hbm>> -> memref<128xi32, #tpu.memory_space<hbm>>
        %dma_wait3A_799 = tpu.memref_slice %arg6[%mul3A_797] : memref<512xi32, #tpu.memory_space<hbm>> -> memref<128xi32, #tpu.memory_space<hbm>>
        tpu.wait_dma2 semaphore(%run_scoped3A : memref<!tpu.dma_semaphore, #tpu.memory_space<semaphore_mem>>) src(%arg15 : memref<128xi32, #tpu.memory_space<vmem>>) dst(%dma_wait3A_799 : memref<128xi32, #tpu.memory_space<hbm>>)
        tpu.yield
      }) : () -> ()
    } else {
    }
    return
  }
}

</mosaic_0001>

<sc_bundles>
// kernel: kernel.3.cloned.1.call-start
scs
__scs_entry_jumppad:
0x0: {  	(pc) =	sbr.rel $0x88, $3  }
0x1: {  	(tag) =	ssettag $0x0;
	lr =	simm.s32 $0x1  }
0x2: {  	[smem:$0x3F9F] =	sst lr;
	_ =	strace $0xD0000000  }
0x3: {  	_ = 	snop  }
0x4: {  	_ = 	snop  }
0x5: {  	_ = 	snop  }
0x6: {  	_ = 	snop  }
0x7: {  	_ = 	snop  }
__scs_overlays_trampoline_lowered:
0x8: {  	[smem:$0x3FAE] =	sst s0  }
0x9: {  	[smem:$0x3FAF] =	sst s1  }
0xa: {  	[smem:$0x3FB0] =	sst s2  }
0xb: {  	[smem:$0x3FB1] =	sst s3  }
0xc: {  	[smem:$0x3FB2] =	sst s4  }
0xd: {  	[smem:$0x3FB3] =	sst s5  }
0xe: {  	[smem:$0x3FB4] =	sst s6  }
0xf: {  	[smem:$0x3FB5] =	sst s7  }
0x10: {  	[smem:$0x3FB6] =	sst s8  }
0x11: {  	[smem:$0x3FB7] =	sst s9;
	s0 =	simm.s32 @!p0 $0x0  }
0x12: {  	s1 =	sld [smem:$0x3F9D];
	s0 =	simm.s32 @p0 $0x1  }
0x13: {  	[smem:$0x3FB8] =	sst s0;
	s0 =	simm.s32 @!p1 $0x0  }
0x14: {  	s2 =	sld [smem:$0x3F9C];
	s0 =	simm.s32 @p1 $0x1  }
0x15: {  	[smem:$0x3FB9] =	sst s0;
	s0 =	simm.s32 @!p2 $0x0  }
0x16: {  	s3 =	sld [smem:$0x3FDB];
	s0 =	simm.s32 @p2 $0x1  }
0x17: {  	s4 =	simm.s32 $0x1BF5;
	[smem:$0x3FBB] =	sst s0  }
0x18: {  	s0 =	sld [smem:$0x3F9E];
	_ =	swait.ge [sflag:s4], $0x0  }
0x19: {  	s7 =	sld [smem:$0x3F9F]  }
0x1a: {  	s8 =	sadd.s32 $0xFFFFE003, lr  }
0x1b: {  	s9 =	sadd.s32 $0xFFFFFEF7, lr;
	s5 =	simm.s32 $0xFFFFFFFF;
	p2 =	slt.u32 s8, $0xFFFFF086  }
0x1c: {  	p1 =	slt.u32 s9, $0xF7A;
	s5 =	simm.s32 @!p2 $0x0  }
0x1d: {  	s5 =	simm.s32 @p1 $0x1;
	p0 =	seq.s32 s7, s2  }
0x1e: {  	s7 =	smul.u32 @!p0 $0xF7A, s2;
	p2 =	seq.s32 @!p0 s5, $0x0  }
0x1f: {  	s9 =	smul.u32 $0xF7A, s1;
	s8 =	simm.s32 @!p0 $0x1BF5;
	p2 =	por !p2, p0  }
0x20: {  	[sflag:s8] =	ssyncset.s32 @!p0 $0xFFFFF086;
	s6 =	sadd.s32 @!p0 s3, s7;
	s7 =	simm.s32 @!p0 $0x108  }
0x21: {  	s3 =	sadd.s32 s3, s9;
	s6 =	sadd.s32 @!p0 $0x88, s6;
	s7 =	simm.s32 @p2 $0x1082  }
0x22: {  	[simem:s7], [sflag:s8] =	dma.local @!p0 [hbm:s6], $0xF7A  }
0x23: {  	s9 =	sor.u32 $0xD0000000, s2;
	s6 =	simm.s32 $0x108;
	_ =	swait.ge @!p0 [sflag:s8], $0x0  }
0x24: {  	s3 =	sadd.s32 $0x88, s3;
	s6 =	simm.s32 @!p1 $0x1082;
	[sflag:s4] =	ssyncset.s32 $0xFFFFF086  }
0x25: {  	[simem:s6], [sflag:s4] =	dma.local [hbm:s3], $0xF7A  }
0x26: {  	[smem:$0x3F9F] =	sst s1;
	(tag) =	ssettag s2;
	_ =	strace s9  }
0x27: {  	s1 =	sld [smem:$0x3FAF]  }
0x28: {  	s2 =	sld [smem:$0x3FB0]  }
0x29: {  	s4 =	sld [smem:$0x3FB2]  }
0x2a: {  	p0 =	seq.s32 s5, $0x0;
	s5 =	sld [smem:$0x3FB3]  }
0x2b: {  	s6 =	sld [smem:$0x3FB4]  }
0x2c: {  	s7 =	sld [smem:$0x3FB5]  }
0x2d: {  	s3 =	simm.s32 $0x108;
	s8 =	sld [smem:$0x3FB6]  }
0x2e: {  	s3 =	simm.s32 @!p0 $0x1082;
	s9 =	sld [smem:$0x3FB7]  }
0x2f: {  	lr =	sadd.s32 s0, s3;
	s0 =	sld [smem:$0x3FAE]  }
0x30: {  	s3 =	sld [smem:$0x3FB1]  }
0x31: {  	[smem:$0x3FBA] =	sst s10  }
0x32: {  	s10 =	sld [smem:$0x3FB8];
	_ =	sdelay $0x3  }
0x33: {  	p0 =	seq.s32 s10, $0x1;
	s10 =	sld [smem:$0x3FBA];
	_ =	sdelay $0x3  }
0x34: {  	[smem:$0x3FBA] =	sst s10  }
0x35: {  	s10 =	sld [smem:$0x3FB9];
	_ =	sdelay $0x3  }
0x36: {  	p1 =	seq.s32 s10, $0x1;
	s10 =	sld [smem:$0x3FBA];
	_ =	sdelay $0x3  }
0x37: {  	[smem:$0x3FBA] =	sst s10  }
0x38: {  	s10 =	sld [smem:$0x3FBB]  }
0x39: {  	_ = 	snop;
	(pc) =	sbr.ind lr, $3  }
0x3a: {  	_ = 	snop  }
0x3b: {  	_ = 	snop  }
0x3c: {  	p2 =	seq.s32 s10, $0x1;
	s10 =	sld [smem:$0x3FBA]  }
0x3d: {  	_ =	shalt  }
0x3e: {  	_ =	shalt  }
0x3f: {  	_ =	shalt  }
0x40: {  	_ =	shalt  }
0x41: {  	_ =	shalt  }
0x42: {  	_ =	shalt  }
0x43: {  	_ =	shalt  }
0x44: {  	_ =	shalt  }
0x45: {  	_ =	shalt  }
0x46: {  	_ =	shalt  }
0x47: {  	_ =	shalt  }
0x48: {  	_ =	shalt  }
0x49: {  	_ =	shalt  }
0x4a: {  	_ =	shalt  }
0x4b: {  	_ =	shalt  }
0x4c: {  	_ =	shalt  }
0x4d: {  	_ =	shalt  }
0x4e: {  	_ =	shalt  }
0x4f: {  	_ =	shalt  }
0x50: {  	_ =	shalt  }
0x51: {  	_ =	shalt  }
0x52: {  	_ =	shalt  }
0x53: {  	_ =	shalt  }
0x54: {  	_ =	shalt  }
0x55: {  	_ =	shalt  }
0x56: {  	_ =	shalt  }
0x57: {  	_ =	shalt  }
0x58: {  	_ =	shalt  }
0x59: {  	_ =	shalt  }
0x5a: {  	_ =	shalt  }
0x5b: {  	_ =	shalt  }
0x5c: {  	_ =	shalt  }
0x5d: {  	_ =	shalt  }
0x5e: {  	_ =	shalt  }
0x5f: {  	_ =	shalt  }
0x60: {  	_ =	shalt  }
0x61: {  	_ =	shalt  }
0x62: {  	_ =	shalt  }
0x63: {  	_ =	shalt  }
0x64: {  	_ =	shalt  }
0x65: {  	_ =	shalt  }
0x66: {  	_ =	shalt  }
0x67: {  	_ =	shalt  }
0x68: {  	_ =	shalt  }
0x69: {  	_ =	shalt  }
0x6a: {  	_ =	shalt  }
0x6b: {  	_ =	shalt  }
0x6c: {  	_ =	shalt  }
0x6d: {  	_ =	shalt  }
0x6e: {  	_ =	shalt  }
0x6f: {  	_ =	shalt  }
0x70: {  	_ =	shalt  }
0x71: {  	_ =	shalt  }
0x72: {  	_ =	shalt  }
0x73: {  	_ =	shalt  }
0x74: {  	_ =	shalt  }
0x75: {  	_ =	shalt  }
0x76: {  	_ =	shalt  }
0x77: {  	_ =	shalt  }
0x78: {  	_ =	shalt  }
0x79: {  	_ =	shalt  }
0x7a: {  	_ =	shalt  }
0x7b: {  	_ =	shalt  }
0x7c: {  	_ =	shalt  }
0x7d: {  	_ =	shalt  }
0x7e: {  	_ =	shalt  }
0x7f: {  	_ =	shalt  }
0x80: {  	_ =	shalt  }
0x81: {  	_ =	shalt  }
0x82: {  	_ =	shalt  }
0x83: {  	_ =	shalt  }
0x84: {  	_ =	shalt  }
0x85: {  	_ =	shalt  }
0x86: {  	_ =	shalt  }
0x87: {  	_ =	shalt  }
.Lfunc_end0:
.L_simem_size_0:
called_computation_lowered:
.L_overlay_start_0:
0x88: {  	s2 =	sld [smem:$0x3FD9]  }
0x89: {  	s3 =	sld [smem:$0x3FFE];
	_ =	sdelay $0x1  }
0x8a: {  	s1 =	srdreg.scid  }
0x8b: {  	s0 =	sand.u32 $0x1, s1  }
0x8c: {  	s14 =	sshll.u32 s0, $0xA;
	s2 =	sadd.s32 s3, s2  }
0x8d: {  	s2 =	sadd.s32 s2, s14  }
0x8e: {  	[smem:$0x3FC6] =	sst s2  }
0x8f: {  	_ = 	snop  }
0x90: {  	s2 =	sld [smem:$0x3FD0];
	_ =	sdelay $0x2  }
0x91: {  	s15 =	simm.s32 $0xA;
	s4 =	simm.s32 $0x10  }
0x92: {  	[smem:s4], [sflag:s15] =	dma.local [hbm:s2], $0x1  }
0x93: {  	_ =	swait.eq [sflag:s15], $0x1  }
0x94: {  	[sflag:s15] =	ssyncset.done $0x0  }
0x95: {  	s16 =	sld [smem:$0x11];
	[sflag:s15] =	ssyncadd.s32 $0xFFFFFFFF  }
0x96: {  	s17 =	sld [smem:$0x12];
	(tm) =	ssettm $0x1  }
0x97: {  	s18 =	sld [smem:$0x3FFB];
	_ =	sdelay $0x3  }
0x98: {  	_ =	strace s18  }
0x99: {  	s4 =	sld [smem:$0x3FFC];
	_ =	sdelay $0x3  }
0x9a: {  	_ =	strace s4  }
0x9b: {  	s4 =	sld [smem:$0x3FFD];
	_ =	sdelay $0x3  }
0x9c: {  	_ =	strace s4  }
0x9d: {  	_ =	strace $0x8FFFFFFF  }
0x9e: {  	s19 =	sld [smem:$0x3FDB];
	_ =	sdelay $0x1  }
0x9f: {  	s5 =	simm.s32 $_scs_section_size  }
0xa0: {  	s6 =	simm.s32 $_size__tile_overlayer_lowered;
	s7 =	simm.s32 $_tile_overlayer_lowered  }
0xa1: {  	s22 =	simm.s32 $0x1BFF;
	s21 =	sshll.u32 s7, $0x1;
	s4 =	sadd.s32 s5, s19  }
0xa2: {  	s8 =	simm.s32 $0x0;
	s20 =	sshll.u32 s6, $0x1;
	s6 =	sadd.s32 s21, s4  }
0xa3: {  	[timem:s8], [sflag:s22] =	dma.local [hbm:s6], s20  }
0xa4: {  	_ =	swait.ge [sflag:s22], s20  }
0xa5: {  	s5 =	ssub.s32 $0x0, s20;
	[sflag:s22] =	ssyncset.done $0x0  }
0xa6: {  	[sflag:s22] =	ssyncadd.s32 s5;
	_ =	sdelay $0x1  }
0xa7: {  	s23 =	simm.s32 $0x1B8B  }
0xa8: {  	_ =	swait.ge [sflag:s23], $0x1  }
0xa9: {  	[sflag:s23] =	ssyncset.done $0x0  }
0xaa: {  	s25 =	simm.s32 $0x1B8E;
	s24 =	sld [smem:$0x3FFE];
	[sflag:s23] =	ssyncadd.s32 $0xFFFFFFFF  }
0xab: {  	s26 =	simm.s32 $execute0_lowered;
	[smem:$0x3FD2] =	sst s25  }
0xac: {  	s6 =	sshll.u32 s26, $0x1;
	_ =	strace $0x80000046;
	[dreg:$0x1] =	wrdreg $0xFFFFFFFF  }
0xad: {  	s28 =	simm.s32 $_size_execute0_lowered;
	s4 =	sadd.s32 s4, s6;
	[dreg:$0x0] =	wrdreg $0x0  }
0xae: {  	s6 =	sshll.u32 s28, $0x1;
	[dreg:$0x2] =	wrdreg s4  }
0xaf: {  	[dreg:$0x3] =	wrdreg s6  }
0xb0: {  	[dreg:$0x4] =	wrdreg $0xC0  }
0xb1: {  	_ =	task [dreg:s8], $0x5FFFF  }
0xb2: {  	[dreg:$0x1] =	wrdreg $0xFFFFFFFF  }
0xb3: {  	[dreg:$0x0] =	wrdreg $0x60  }
0xb4: {  	[dreg:$0x2] =	wrdreg s24  }
0xb5: {  	[dreg:$0x3] =	wrdreg s17  }
0xb6: {  	[dreg:$0x4] =	wrdreg s16  }
0xb7: {  	[dreg:$0x5] =	wrdreg $0x4F800  }
0xb8: {  	[dreg:$0x6] =	wrdreg $0x50000  }
0xb9: {  	[dreg:$0x7] =	wrdreg $0x9  }
0xba: {  	_ =	task.clear_ibuf [dreg:s8], $0x8FFFF;
	_ =	strace $0x90000046  }
0xbb: {  	s29 =	simm.s32 $0x9;
	_ =	strace $0x80000048  }
0xbc: {  	_ =	swait.ge [sflag:s29], $0x1  }
0xbd: {  	[sflag:s29] =	ssyncadd.s32 $0xFFFFFFFF  }
0xbe: {  	_ =	strace $0x90000048  }
0xbf: {  	_ =	sfence  }
0xc0: {  	s30 =	sld [smem:$0x0];
	_ =	sdelay $0x2  }
0xc1: {  	s31 =	sshll.u32 s1, $0xD;
	s1 =	sshrl.u32 s1, $0x2  }
0xc2: {  	s3 =	sand.u32 $0x4000, s31;
	s1 =	sadd.s32 s1, s30  }
0xc3: {  	s0 =	sor.u32 s3, s0;
	s1 =	sshll.u32 s1, $0x11  }
0xc4: {  	s0 =	sor.u32 s1, s0  }
0xc5: {  	s0 =	sadd.s32 $0x8F2B, s0  }
0xc6: {  	[sflag:s0] =	ssyncadd.remote.s32 $0x1  }
0xc7: {  	_ =	sfence.sel $0xFFFF  }
0xc8: {  	[dreg:$0x0] =	wrdreg $0xFFFFFFFF;
	(pc) =	sbr.abs _section_cstart, $3  }
0xc9: {  	[dreg:$0x1] =	wrdreg $0xFFFFFFFF  }
0xca: {  	_ =	task.clear_ibuf [dreg:s8], $0x2FFFF;
	_ =	strace $0x9FFFFFFF  }
0xcb: {  	(tm) =	ssettm $0x7FFFFFFF  }
tec
execute0_lowered:
.L_overlay_start_1:
0x0: {  	(tag) =	ssettag $0x1  }
0x1: {  	s0 =	rddreg [dreg:$0x0]  }
0x2: {  	s1 =	rddreg [dreg:$0x1]  }
0x3: {  	s2 =	rddreg [dreg:$0x2]  }
0x4: {  	s3 =	rddreg [dreg:$0x3];
	s15 =	simm.s32 $0x0  }
0x5: {  	[smem:$0x7FF] =	sst s15  }
0x6: {  	s4 =	rddreg [dreg:$0x4];
	v0 =	vimm.s32 $0x90000000;
	_ =	strace $0x80000047  }
0x7: {  	(xrf0) =	vmin.scan.msk.u32 $0xffff, v0;
	_ =	sdelay $0x4  }
0x8: {  	s13 =	stileid.u32  }
0x9: {  	s5 =	srdreg.scid;
	s31 =	simm.s32 $0x1;
	s16 =	simm.s32 $0x2D80;
	v0, _, _ =	vpop (xrf0)  }
0xa: {  	s19 =	simm.s32 $0x3D80;
	s20 =	simm.s32 $0x3E00;
	s6 =	sshrl.u32 s13, $0x3;
	(v2sf) =	vpush v0, $0xF  }
0xb: {  	s5 =	sand.u32 $0x1, s5;
	s7 =	sand.u32 $0x7, s13;
	s24 =	sshll.u32 s13, $0x7  }
0xc: {  	s8 =	sshll.u32 s6, $0x1;
	s9 =	smul.u32 $0xD60, s7;
	s6 =	sshll.u32 s6, $0xA  }
0xd: {  	s23 =	sadd.s32 s24, s3;
	s24 =	sadd.s32 s24, s4;
	p0 =	sne.s32 s7, $0x0  }
0xe: {  	s8 =	sor.u32 s5, s8;
	s5 =	ssub.s32 $0x2, s5;
	[dreg:$0x8] =	wrdreg s23  }
0xf: {  	s3 =	sadd.s32 s6, s3;
	[dreg:$0x9] =	wrdreg s24;
	s10 =	smul.u32 $0x6B00, s8  }
0x10: {  	s25 =	sadd.s32 s6, s4;
	s11 =	smul.u32 $0x98, s8;
	[dreg:$0xa] =	wrdreg s3  }
0x11: {  	s8 =	sshll.u32 s8, $0x4;
	[dreg:$0xb] =	wrdreg s25;
	s30 =	sor.u32 $0x10, s9  }
0x12: {  	s12 =	sshrl.u32 s5, $0x1;
	s26 =	sadd.s32 s1, s8;
	[dreg:$0x11] =	wrdreg s30  }
0x13: {  	s5 =	ssub.s32 s5, s12;
	s28 =	sadd.s32 s2, s8;
	[dreg:$0xd] =	wrdreg s26  }
0x14: {  	s10 =	sadd.s32 s9, s10;
	s11 =	sadd.s32 s11, s0;
	[dreg:$0xe] =	wrdreg s28  }
0x15: {  	s25 =	smax.u32 s5, $0x1;
	s10 =	sshrl.u32 s10, $0x3;
	s18 =	sadd.s32 $0x3E00, s11  }
0x16: {  	[dreg:$0xf] =	wrdreg s25;
	s10 =	sadd.s32 s10, s0;
	s0 =	sadd.s32 s8, s0  }
.Ltmp0:
0x17: {  	v1 =	vlaneseq.u32;
	v4 =	vimm.s32 $0xECA86420;
	[dreg:$0x7] =	wrdreg s18;
	s0 =	sadd.s32 $0x4200, s0;
	(pc) =	sbr.rel .LBB2_1-.Ltmp0, $4  }
0x18: {  	v2 =	vimm.s32 $0x1;
	v3 =	vimm.s32 $0x10000000;
	vm0 =	vcmask $0xB08;
	s17 =	sadd.s32 $0x800, s10;
	[dreg:$0xc] =	wrdreg s0;
	s0 =	simm.s32 @!p0 $0x0  }
0x19: {  	vm1 =	vcmask $0x1310;
	vm2 =	vcmask $0x1B18;
	v5 =	vunpack.c.l.s4.s8 v4;
	[dreg:$0x6] =	wrdreg s17;
	s0 =	simm.s32 @p0 $0x1;
	s29 =	spop (v2sf)  }
0x1a: {  	s21 =	simm.s32 $0x3F80;
	vm7 =	vcmask $0x3B38;
	vm8 =	vmmov $0xff;
	v4 =	vmul.u32 $0x80, v1;
	[smem:$0x7FD] =	sst s0;
	s26 =	sxor.u32 $0x80000000, s29  }
0x1b: {  	s22 =	simm.s32 $0x4780;
	v6 =	vmul.u32 $0x2, v1;
	v5 =	vunpack.c.0.s8.s32 v5;
	v0 =	vimm.s32 $0x0;
	s0 =	simm.s32 $0x0;
	[dreg:$0x10] =	wrdreg s26  }
.LBB2_84:
0x1c: {  	s0 =	sadd.s32 $0x1, s0  }
0x1d: {  	p0 =	sne.s32 s0, s25  }
.Ltmp1:
0x1e: {  	_ = 	snop;
	(pc) =	sbr.rel @!p0 .LBB2_85-.Ltmp1, $1  }
0x1f: {  	_ =	sdelay $0x3  }
.LBB2_1:
0x20: {  	[dreg:$0x12] =	wrdreg s0  }
0x21: {  	[tilespmem:s15], [sflag:$0x1] =	stream.linear.gather [hbm4b:s17+s15], $0xD60, $0x38;
	[tilespmem:$0x5080] =	vst v63  }
0x22: {  	_ =	swait.ge [sflag:s31], $0xD60  }
0x23: {  	s29 =	sld [smem:$0x7FD];
	_ =	sdelay $0x2  }
0x24: {  	[sflag:s31] =	ssyncset.done $0x0;
	p0 =	seq.s32 s29, $0x1  }
0x25: {  	[sflag:s31] =	ssyncadd.s32 $0xFFFFF2A0;
	s0 =	simm.s32 @!p0 $0x0;
	s1 =	simm.s32 @!p0 $0xD80  }
0x26: {  	[tilespmem:s1], [sflag:$0x1] =	stream.linear.gather @!p0 [hbm4b:s18+s0], $0x4C0, $0x38;
	[tilespmem:$0x5080] =	vst v63  }
0x27: {  	s0 =	simm.s32 @!p0 $0x1  }
0x28: {  	_ =	swait.ge @!p0 [sflag:s0], $0x4C0  }
0x29: {  	[sflag:s0] =	ssyncset.done @!p0 $0x0  }
0x2a: {  	[sflag:s0] =	ssyncadd.s32 @!p0 $0xFFFFFB40;
	s0 =	simm.s32 $0x2DA0  }
0x2b: {  	[tilespmem:s0+$0xFFFFFFE0] =	vst v0  }
0x2c: {  	[tilespmem:s0+$0x10] =	vst v0  }
0x2d: {  	s2 =	simm.s32 $0x0;
	[tilespmem:s0+$0x0] =	vst v0  }
.LBB2_2:
0x2e: {  	s2 =	sadd.s32 $0x4, s2  }
0x2f: {  	[tilespmem:s0+$0xFFFFFFF0] =	vst v0;
	s0 =	sadd.s32 $0x40, s0;
	s1 =	simm.s32 $0x20;
	p0 =	slt.u32 s2, $0x3C  }
.Ltmp2:
0x30: {  	[tilespmem:s0+$0xFFFFFFE0] =	vst v0;
	(pc) =	sbr.rel @p0 .LBB2_2-.Ltmp2, $3  }
0x31: {  	_ =	sdelay $0x1  }
0x32: {  	[tilespmem:s0+$0x10] =	vst v0  }
0x33: {  	[tilespmem:s0+$0x0] =	vst v0  }
0x34: {  	[tilespmem:s0+$0xFFFFFFF0] =	vst v0  }
0x35: {  	v8 =	vld [tilespmem:s1+$0xFFFFFFF0];
	_ =	sdelay $0x1  }
0x36: {  	v7 =	vld [tilespmem:s1+$0x10];
	_ =	sdelay $0x1  }
0x37: {  	v10 =	vld [tilespmem:s1+$0x0]  }
0x38: {  	v9 =	vshra.s32 v8, $0x14;
	v8 =	vld [tilespmem:s1+$0xFFFFFFE0];
	_ =	sdelay $0x1  }
0x39: {  	v7 =	vshra.s32 v7, $0x14  }
0x3a: {  	v7 =	vand.u32 $0xFFFFFFF0, v7  }
0x3b: {  	s0 =	simm.s32 $0x0;
	v10 =	vshra.s32 v10, $0x14;
	s1 =	simm.s32 $0x60;
	v9 =	vand.u32 $0xFFFFFFF0, v9;
	v7 =	vor.u32 v1, v7  }
.LBB2_4:
0x3c: {  	v11 =	vld [tilespmem:s1+$0x10];
	s0 =	sadd.s32 $0x4, s0;
	v8 =	vshra.s32 v8, $0x14;
	v9 =	vor.u32 v1, v9;
	v10 =	vand.u32 $0xFFFFFFF0, v10  }
0x3d: {  	v12 =	vld [tilespmem:s1+$0xFFFFFFF0];
	p0 =	slt.u32 s0, $0xD0;
	v8 =	vand.u32 $0xFFFFFFF0, v8;
	v10 =	vor.u32 v1, v10  }
0x3e: {  	v13 =	vld [tilespmem:s1+$0x0];
	v14 =	vor.u32 v1, v8  }
.Ltmp3:
0x3f: {  	v8 =	vld [tilespmem:s1+$0xFFFFFFE0];
	(pc) =	sbr.rel @p0 .LBB2_4-.Ltmp3, $4  }
0x40: {  	[tilespmem:v7+s16+$0x0] =	vst.idx.add.s32.msk $0xffff, v2  }
0x41: {  	v7 =	vshra.s32 v11, $0x14;
	[tilespmem:v9+s16+$0x0] =	vst.idx.add.s32.msk $0xffff, v2  }
0x42: {  	v9 =	vshra.s32 v12, $0x14;
	v7 =	vand.u32 $0xFFFFFFF0, v7;
	[tilespmem:v10+s16+$0x0] =	vst.idx.add.s32.msk $0xffff, v2  }
0x43: {  	s1 =	sadd.s32 $0x40, s1;
	v9 =	vand.u32 $0xFFFFFFF0, v9;
	v10 =	vshra.s32 v13, $0x14;
	v7 =	vor.u32 v1, v7;
	[tilespmem:v14+s16+$0x0] =	vst.idx.add.s32.msk $0xffff, v2  }
0x44: {  	v8 =	vshra.s32 v8, $0x14;
	v9 =	vor.u32 v1, v9;
	v10 =	vand.u32 $0xFFFFFFF0, v10  }
0x45: {  	v8 =	vand.u32 $0xFFFFFFF0, v8;
	v10 =	vor.u32 v1, v10  }
0x46: {  	v8 =	vor.u32 v1, v8;
	_ =	sdelay $0x1  }
0x47: {  	[tilespmem:v7+s16+$0x0] =	vst.idx.add.s32.msk $0xffff, v2  }
0x48: {  	[tilespmem:v9+s16+$0x0] =	vst.idx.add.s32.msk $0xffff, v2  }
0x49: {  	[tilespmem:v10+s16+$0x0] =	vst.idx.add.s32.msk $0xffff, v2  }
0x4a: {  	s28 =	simm.s32 $0x0;
	s0 =	simm.s32 $0x0;
	[tilespmem:v8+s16+$0x0] =	vst.idx.add.s32.msk $0xffff, v2  }
.LBB2_6:
0x4b: {  	s1 =	sshra.s32 s0, $0x2  }
0x4c: {  	v7 =	vld [tilespmem:s1+$0xD40];
	_ =	sdelay $0x4  }
0x4d: {  	v7 =	vshra.s32 v7, $0x14  }
0x4e: {  	v7 =	vand.u32 $0xFFFFFFF0, v7  }
0x4f: {  	p0 =	sne.s32 s0, $0x40;
	v7 =	vor.u32 v1, v7  }
.Ltmp4:
0x50: {  	_ = 	snop;
	(pc) =	sbr.rel @p0 .LBB2_6-.Ltmp4, $2  }
0x51: {  	_ =	sdelay $0x2  }
0x52: {  	s0 =	sadd.s32 $0x40, s0;
	[tilespmem:v7+s16+$0x0] =	vst.idx.add.s32.msk $0xffff, v2  }
0x53: {  	s0 =	simm.s32 $0x3170  }
0x54: {  	p0 =	por $0x0, $0x0;
	v7 =	vld [tilespmem:s0+$0x0]  }
.Ltmp5:
0x55: {  	_ = 	snop;
	(pc) =	sbr.rel @p0 .LBB2_8-.Ltmp5, $4  }
0x56: {  	_ = 	snop  }
0x57: {  	s2 =	simm.s32 $0x3F  }
0x58: {  	s1 =	simm.s32 $0x3160;
	p1 =	por $0x0, $0x0;
	p2 =	por $0x0, $0x0  }
0x59: {  	p3 =	por $0x0, $0x0;
	p4 =	por $0x0, $0x0;
	s0 =	simm.s32 $0x3E;
	(xrf0) =	vadd.scan.msk.s32 $0xffff, v7  }
0x5a: {  	v7 =	vld [tilespmem:s1+$0x0];
	p0 =	por $0x0, $0x0  }
.Ltmp6:
0x5b: {  	_ = 	snop;
	(pc) =	sbr.rel @p0 .LBB2_10-.Ltmp6, $2  }
0x5c: {  	_ =	sdelay $0x2  }
0x5d: {  	s1 =	simm.s32 $0x3D;
	s3 =	simm.s32 $0x3150;
	p1 =	por $0x1, $0x1;
	(xrf0) =	vadd.scan.msk.s32 $0xffff, v7;
	v7, _, _ =	vpop (xrf0)  }
0x5e: {  	v8 =	vld [tilespmem:s3+$0x0];
	p0 =	por $0x0, $0x0  }
.Ltmp7:
0x5f: {  	_ = 	snop;
	(pc) =	sbr.rel @p0 .LBB2_12-.Ltmp7, $2  }
0x60: {  	_ =	sdelay $0x2  }
0x61: {  	(v2sf) =	vpush v7, $0xF;
	s5 =	simm.s32 $0x3C;
	s3 =	simm.s32 $0x3140;
	p2 =	por $0x1, $0x1;
	(xrf0) =	vadd.scan.msk.s32 $0xffff, v8;
	v7, _, _ =	vpop (xrf0)  }
0x62: {  	(v2sf) =	vpush v7, $0xF;
	_ =	sdelay $0x4  }
0x63: {  	v8 =	vld [tilespmem:s3+$0x0];
	p0 =	por $0x0, $0x0  }
.Ltmp8:
0x64: {  	_ = 	snop;
	(pc) =	sbr.rel @p0 .LBB2_14-.Ltmp8, $2  }
0x65: {  	_ =	sdelay $0x2  }
0x66: {  	s10 =	simm.s32 $0x3B;
	s3 =	simm.s32 $0x3130;
	p3 =	por $0x1, $0x1;
	(xrf0) =	vadd.scan.msk.s32 $0xffff, v8;
	v7, _, _ =	vpop (xrf0)  }
0x67: {  	(v2sf) =	vpush v7, $0xF;
	_ =	sdelay $0x2  }
0x68: {  	v8 =	vld [tilespmem:s3+$0x0];
	p0 =	por $0x0, $0x0  }
.Ltmp9:
0x69: {  	_ = 	snop;
	(pc) =	sbr.rel @p0 .LBB2_16-.Ltmp9, $4  }
0x6a: {  	s11 =	simm.s32 $0x3A;
	s12 =	simm.s32 $0x3120;
	p5 =	por $0x1, $0x1  }
0x6b: {  	p4 =	por $0x1, $0x1;
	s7 =	simm.s32 $0x0;
	s29 =	spop (v2sf)  }
0x6c: {  	s4 =	simm.s32 $0x3F;
	s6 =	simm.s32 $0x0;
	s3 =	sadd.s32 $0x0, s29  }
0x6d: {  	s8 =	simm.s32 $0x0;
	s9 =	simm.s32 $0x3E;
	p6 =	sgt.s32 s3, $0x63;
	(xrf0) =	vadd.scan.msk.s32 $0xffff, v8;
	v7, _, _ =	vpop (xrf0)  }
.LBB2_17:
0x6e: {  	p0 =	seq.s32 s11, $0x0;
	p5 =	por !p5, !p6;
	s13 =	smov.u32 s11  }
0x6f: {  	v8 =	vld [tilespmem:s12+$0x0];
	(v2sf) =	vpush v7, $0xF;
	s11 =	sadd.s32 $0xFFFFFFFF, s11;
	s14 =	smov.u32 s7;
	s7 =	smov.u32 s3  }
.Ltmp10:
0x70: {  	p5 =	por !p5, !p5;
	(pc) =	sbr.rel @!p0 .LBB2_17-.Ltmp10, $4  }
0x71: {  	s6 =	smov.u32 @p5 s4;
	s8 =	smov.u32 @p5 s14;
	s4 =	smov.u32 s9  }
0x72: {  	s9 =	smov.u32 s1;
	s1 =	smov.u32 s5;
	s14 =	spop (v2sf)  }
0x73: {  	s5 =	smov.u32 s10;
	s10 =	smov.u32 s13;
	s3 =	sadd.s32 s3, s14  }
0x74: {  	s12 =	sadd.s32 $0xFFFFFFF0, s12;
	p5 =	slt.s32 s7, $0x64;
	(xrf0) =	vadd.scan.msk.s32 $0xffff, v8;
	v7, _, _ =	vpop (xrf0);
	p6 =	sgt.s32 s3, $0x63  }
0x75: {  	s11 =	smov.u32 s1;
	s1 =	smov.u32 s10  }
.LBB2_19:
0x76: {  	p0 =	por @p4 !p5, !p6  }
0x77: {  	p0 =	por @p4 !p0, !p0  }
0x78: {  	s10 =	smov.u32 @p3 s3;
	s0 =	smov.u32 @p1 s5;
	p0 =	por !p0, !p4  }
0x79: {  	s0 =	smov.u32 @p1 s0;
	s4 =	smov.u32 @p0 s6;
	s7 =	smov.u32 @p0 s8  }
0x7a: {  	(v2sf) =	vpush @p1 v7, $0xF;
	s6 =	smov.u32 @p3 s9;
	s8 =	spop @p3 (v2sf);
	p0 =	slt.s32 @p3 s10, $0x64  }
0x7b: {  	v7, _, _ =	vpop (xrf0);
	s9 =	smov.u32 @p2 s11;
	s3 =	sadd.s32 @p3 s3, s8;
	p0 =	por @!p3 p0, p0  }
0x7c: {  	(v2sf) =	vpush v7, $0xF;
	s8 =	smov.u32 @p3 s10;
	s10 =	simm.s32 $0x0;
	p5 =	sgt.s32 @p3 s3, $0x63  }
0x7d: {  	s2 =	smov.u32 @p2 s9;
	s10 =	smov.u32 @p3 s3;
	p5 =	por @!p3 p0, p0  }
0x7e: {  	s3 =	smov.u32 @p3 s6;
	s6 =	simm.s32 $0x0;
	p0 =	por @p3 !p0, !p5  }
0x7f: {  	s6 =	smov.u32 @p4 s4;
	s4 =	simm.s32 $0x0;
	p0 =	por @p3 !p0, !p0  }
0x80: {  	s5 =	smov.u32 @p3 s8;
	s4 =	smov.u32 @p4 s7;
	p0 =	por !p0, !p3  }
0x81: {  	s7 =	smov.u32 @p2 s10;
	s3 =	smov.u32 @p0 s6;
	s6 =	spop @p2 (v2sf)  }
0x82: {  	s5 =	smov.u32 @p0 s4;
	p0 =	slt.s32 @p2 s7, $0x64;
	s4 =	sadd.s32 @p2 s10, s6  }
0x83: {  	s2 =	smov.u32 @p2 s2;
	p0 =	por @!p2 p0, p0;
	p4 =	sgt.s32 @p2 s4, $0x63  }
0x84: {  	s8 =	simm.s32 $0x0;
	s6 =	smov.u32 @p2 s7;
	p4 =	por @!p2 p0, p0  }
0x85: {  	s7 =	simm.s32 $0x0;
	s8 =	smov.u32 @p3 s5;
	p0 =	por @p2 !p0, !p4  }
0x86: {  	s7 =	smov.u32 @p2 s4;
	s4 =	simm.s32 $0x0;
	p0 =	por @p2 !p0, !p0  }
0x87: {  	s4 =	smov.u32 @p3 s3;
	s3 =	smov.u32 @p2 s6;
	p0 =	por !p0, !p2  }
0x88: {  	s5 =	smov.u32 @p1 s7;
	s6 =	simm.s32 $0x0;
	s2 =	smov.u32 @p0 s4  }
0x89: {  	s4 =	spop @p1 (v2sf);
	s3 =	smov.u32 @p0 s8;
	p0 =	slt.s32 @p1 s5, $0x64  }
0x8a: {  	s5 =	smov.u32 @p1 s5;
	s4 =	sadd.s32 @p1 s7, s4;
	p0 =	por @!p1 p0, p0  }
0x8b: {  	s29 =	spop (v2sf);
	p3 =	sgt.s32 @p1 s4, $0x63;
	s6 =	smov.u32 @p1 s4  }
0x8c: {  	s4 =	smov.u32 @p1 s0;
	s0 =	simm.s32 $0x0;
	p3 =	por @!p1 p0, p0  }
0x8d: {  	s0 =	smov.u32 @p2 s2;
	s2 =	simm.s32 $0x0;
	p0 =	por @p1 !p0, !p3  }
0x8e: {  	s2 =	smov.u32 @p2 s3;
	s3 =	sadd.s32 s6, s29;
	p0 =	por @p1 !p0, !p0  }
0x8f: {  	p4 =	slt.s32 s6, $0x64;
	p5 =	sgt.s32 s3, $0x63;
	p0 =	por !p0, !p1  }
0x90: {  	p6 =	por !p4, !p5;
	s4 =	smov.u32 @p0 s0;
	s0 =	simm.s32 $0x0  }
0x91: {  	s5 =	smov.u32 @p0 s2;
	p0 =	por !p6, !p6;
	s0 =	smov.u32 @p1 s4  }
0x92: {  	s0 =	smov.u32 @p0 s1;
	s1 =	simm.s32 $0x2DA0  }
0x93: {  	[tilespmem:s1+$0xFFFFFFE0] =	vst v0  }
0x94: {  	s28 =	smov.u32 @p1 s5;
	[tilespmem:s1+$0x10] =	vst v0  }
0x95: {  	s2 =	simm.s32 $0x0;
	s28 =	smov.u32 @p0 s6;
	[tilespmem:s1+$0x0] =	vst v0  }
.LBB2_20:
0x96: {  	s2 =	sadd.s32 $0x4, s2  }
0x97: {  	[tilespmem:s1+$0xFFFFFFF0] =	vst v0;
	s1 =	sadd.s32 $0x40, s1;
	p0 =	slt.u32 s2, $0xFC  }
.Ltmp11:
0x98: {  	[tilespmem:s1+$0xFFFFFFE0] =	vst v0;
	(pc) =	sbr.rel @p0 .LBB2_20-.Ltmp11, $3  }
0x99: {  	_ =	sdelay $0x1  }
0x9a: {  	[tilespmem:s1+$0x10] =	vst v0  }
0x9b: {  	[tilespmem:s1+$0x0] =	vst v0  }
0x9c: {  	[tilespmem:s1+$0xFFFFFFF0] =	vst v0;
	s29 =	simm.s32 $0x20  }
0x9d: {  	v8 =	vld [tilespmem:s29+$0x10];
	_ =	sdelay $0x3  }
0x9e: {  	v9 =	vld [tilespmem:s29+$0xFFFFFFF0]  }
0x9f: {  	v7 =	vmov s0;
	v11 =	vld [tilespmem:s29+$0xFFFFFFE0];
	v12 =	vshrl.u32 v8, $0xC;
	v8 =	vshra.s32 v8, $0x18  }
0xa0: {  	v10 =	vld [tilespmem:s29+$0x0];
	vm9 =	veq.s32 v8, v7;
	v8 =	vand.u32 $0xFF0, v12  }
0xa1: {  	s2 =	simm.s32 $0x60;
	v14 =	vor.u32 v1, v8  }
0xa2: {  	v17 =	vld [tilespmem:s2+$0xFFFFFFF0]  }
0xa3: {  	v15 =	vld [tilespmem:s2+$0x10]  }
0xa4: {  	v13 =	vshrl.u32 v9, $0xC;
	v9 =	vshra.s32 v9, $0x18;
	v16 =	vshra.s32 v11, $0x18  }
0xa5: {  	v12 =	vshrl.u32 v10, $0xC;
	v13 =	vand.u32 $0xFF0, v13;
	v8 =	vshrl.u32 v11, $0xC;
	v11 =	vld [tilespmem:s2+$0x0]  }
0xa6: {  	v10 =	vshra.s32 v10, $0x18;
	vm3 =	veq.s32 v16, v7;
	vm4 =	veq.s32 v9, v7;
	[tilespmem:v14+s16+$0x0] =	vst.idx.add.s32.msk vm9, v2  }
0xa7: {  	v16 =	vshrl.u32 v17, $0xC;
	v12 =	vand.u32 $0xFF0, v12;
	v9 =	vor.u32 v1, v13;
	v14 =	vld [tilespmem:s2+$0xFFFFFFE0]  }
0xa8: {  	vm5 =	veq.s32 v10, v7;
	v10 =	vor.u32 v1, v12;
	v12 =	vshrl.u32 v15, $0xC  }
0xa9: {  	v13 =	vshra.s32 v15, $0x18;
	v8 =	vand.u32 $0xFF0, v8;
	v12 =	vand.u32 $0xFF0, v12  }
0xaa: {  	vm3 =	vmmov vm3;
	v8 =	vor.u32 v1, v8;
	v12 =	vor.u32 v1, v12  }
0xab: {  	s1 =	simm.s32 $0x4;
	vm9 =	veq.s32 v13, v7;
	v13 =	vshra.s32 v17, $0x18;
	v15 =	vshrl.u32 v11, $0xC;
	s2 =	simm.s32 $0xA0  }
.LBB2_22:
0xac: {  	v18 =	vshrl.u32 v14, $0xC;
	v14 =	vshra.s32 v14, $0x18  }
0xad: {  	v17 =	vld [tilespmem:s2+$0x10];
	s1 =	sadd.s32 $0x4, s1;
	v16 =	vand.u32 $0xFF0, v16;
	vm11 =	vmmov vm4;
	vm10 =	vmmov vm5  }
0xae: {  	v20 =	vshra.s32 v11, $0x18;
	v15 =	vand.u32 $0xFF0, v15;
	v19 =	vld [tilespmem:s2+$0xFFFFFFF0];
	p1 =	slt.u32 s1, $0xD0;
	v18 =	vand.u32 $0xFF0, v18  }
0xaf: {  	vm4 =	veq.s32 v13, v7;
	vm12 =	veq.s32 v14, v7;
	v11 =	vld [tilespmem:s2+$0x0];
	v18 =	vor.u32 v1, v18  }
.Ltmp12:
0xb0: {  	v13 =	vor.u32 v1, v16;
	vm5 =	veq.s32 v20, v7;
	v20 =	vor.u32 v1, v15;
	v14 =	vld [tilespmem:s2+$0xFFFFFFE0];
	(pc) =	sbr.rel @p1 .LBB2_22-.Ltmp12, $4  }
0xb1: {  	[tilespmem:v12+s16+$0x0] =	vst.idx.add.s32.msk vm9, v2  }
0xb2: {  	v12 =	vshrl.u32 v17, $0xC;
	v15 =	vshra.s32 v17, $0x18;
	[tilespmem:v8+s16+$0x0] =	vst.idx.add.s32.msk vm3, v2;
	v8 =	vmovc v18;
	vm3 =	vmmov vm12  }
0xb3: {  	v16 =	vshrl.u32 v19, $0xC;
	vm9 =	veq.s32 v15, v7;
	v12 =	vand.u32 $0xFF0, v12;
	[tilespmem:v9+s16+$0x0] =	vst.idx.add.s32.msk vm11, v2;
	v9 =	vmovc v13  }
0xb4: {  	s2 =	sadd.s32 $0x40, s2;
	v13 =	vshra.s32 v19, $0x18;
	v15 =	vshrl.u32 v11, $0xC;
	v12 =	vor.u32 v1, v12;
	[tilespmem:v10+s16+$0x0] =	vst.idx.add.s32.msk vm10, v2;
	v10 =	vmovc v20  }
0xb5: {  	_ = 	snop  }
0xb6: {  	v17 =	vshrl.u32 v14, $0xC;
	v60 =	vshra.s32 v14, $0x18;
	vm4 =	vmmov vm4  }
0xb7: {  	v16 =	vand.u32 $0xFF0, v16;
	vm5 =	vmmov vm5;
	vm11 =	veq.s32 v13, v7  }
0xb8: {  	v11 =	vshra.s32 v11, $0x18;
	v62 =	vand.u32 $0xFF0, v15;
	vm11 =	vmmov vm11  }
0xb9: {  	vm10 =	veq.s32 v60, v7;
	vm12 =	veq.s32 v11, v7;
	v63 =	vor.u32 v1, v16  }
0xba: {  	[tilespmem:v12+s16+$0x0] =	vst.idx.add.s32.msk vm9, v2;
	v17 =	vand.u32 $0xFF0, v17;
	v11 =	vor.u32 v1, v62;
	vm10 =	vmmov vm10  }
0xbb: {  	[tilespmem:v8+s16+$0x0] =	vst.idx.add.s32.msk vm3, v2;
	v61 =	vor.u32 v1, v17  }
0xbc: {  	[tilespmem:v9+s16+$0x0] =	vst.idx.add.s32.msk vm4, v2  }
0xbd: {  	[tilespmem:v10+s16+$0x0] =	vst.idx.add.s32.msk vm5, v2  }
0xbe: {  	[tilespmem:v63+s16+$0x0] =	vst.idx.add.s32.msk vm11, v2  }
0xbf: {  	[tilespmem:v11+s16+$0x0] =	vst.idx.add.s32.msk vm12, v2  }
0xc0: {  	s1 =	simm.s32 $0x0;
	s2 =	simm.s32 $0x0;
	vm9 =	vmmov vm12;
	[tilespmem:v61+s16+$0x0] =	vst.idx.add.s32.msk vm10, v2  }
.LBB2_24:
0xc1: {  	s3 =	sshra.s32 s2, $0x2  }
0xc2: {  	v8 =	vld [tilespmem:s3+$0xD40];
	_ =	sdelay $0x4  }
0xc3: {  	v9 =	vshrl.u32 v8, $0xC;
	v8 =	vshra.s32 v8, $0x18  }
0xc4: {  	vm3 =	veq.s32 v8, v7;
	v8 =	vand.u32 $0xFF0, v9  }
0xc5: {  	p0 =	sne.s32 s2, $0x40;
	v8 =	vor.u32 v1, v8  }
.Ltmp13:
0xc6: {  	_ = 	snop;
	(pc) =	sbr.rel @p0 .LBB2_24-.Ltmp13, $2  }
0xc7: {  	_ =	sdelay $0x2  }
0xc8: {  	s2 =	sadd.s32 $0x40, s2;
	[tilespmem:v8+s16+$0x0] =	vst.idx.add.s32.msk vm3, v2  }
0xc9: {  	s2 =	simm.s32 $0x3D70  }
0xca: {  	s9 =	simm.s32 $0x3D60;
	v7 =	vld [tilespmem:s2+$0x0]  }
0xcb: {  	v8 =	vld [tilespmem:s9+$0x0];
	_ =	sdelay $0x3  }
0xcc: {  	(xrf0) =	vadd.scan.msk.s32 $0xffff, v7  }
0xcd: {  	(xrf0) =	vadd.scan.msk.s32 $0xffff, v8;
	_ =	sdelay $0x4  }
0xce: {  	v7, _, _ =	vpop (xrf0)  }
0xcf: {  	s10 =	simm.s32 $0x3D50;
	(v2sf) =	vpush v7, $0xF;
	v7, _, _ =	vpop (xrf0)  }
0xd0: {  	(v2sf) =	vpush v7, $0xF;
	v7 =	vld [tilespmem:s10+$0x0]  }
0xd1: {  	s11 =	simm.s32 $0x3D40  }
0xd2: {  	v8 =	vld [tilespmem:s11+$0x0];
	_ =	sdelay $0x2  }
0xd3: {  	(xrf0) =	vadd.scan.msk.s32 $0xffff, v7;
	_ =	sdelay $0x1  }
0xd4: {  	(xrf0) =	vadd.scan.msk.s32 $0xffff, v8;
	_ =	sdelay $0x1  }
0xd5: {  	s12 =	simm.s32 $0x3D30  }
0xd6: {  	v9 =	vld [tilespmem:s12+$0x0]  }
0xd7: {  	v8, _, _ =	vpop (xrf0)  }
0xd8: {  	(v2sf) =	vpush v8, $0xF  }
0xd9: {  	v8, _, _ =	vpop (xrf0)  }
0xda: {  	s14 =	spop (v2sf);
	(v2sf) =	vpush v8, $0xF  }
0xdb: {  	s13 =	simm.s32 $0x3D20;
	(xrf0) =	vadd.scan.msk.s32 $0xffff, v9  }
0xdc: {  	v7 =	vld [tilespmem:s13+$0x0]  }
0xdd: {  	s8 =	simm.s32 $0xFF;
	s6 =	simm.s32 $0xFE;
	s5 =	simm.s32 $0xFD  }
0xde: {  	s4 =	simm.s32 $0xFC;
	s3 =	simm.s32 $0xFB;
	s2 =	simm.s32 $0xFA  }
0xdf: {  	s9 =	simm.s32 $0x0;
	s11 =	simm.s32 $0xF9;
	s7 =	sadd.s32 s28, s14  }
0xe0: {  	s10 =	simm.s32 $0x3D10;
	s29 =	spop (v2sf);
	p0 =	sgt.s32 s7, $0x63  }
0xe1: {  	(xrf0) =	vadd.scan.msk.s32 $0xffff, v7;
	v7, _, _ =	vpop (xrf0);
	s9 =	smov.u32 @p0 s8;
	s8 =	sadd.s32 s7, s29;
	p0 =	slt.s32 s28, $0x64  }
.LBB2_26:
0xe2: {  	s1 =	smov.u32 @p0 s9  }
0xe3: {  	p1 =	sgt.s32 s8, $0x63;
	s9 =	smov.u32 s1  }
0xe4: {  	v8 =	vld [tilespmem:s10+$0x0];
	(v2sf) =	vpush v7, $0xF;
	s12 =	smov.u32 s7;
	s9 =	smov.u32 @p1 s6;
	p1 =	sne.s32 s11, $0x0  }
.Ltmp14:
0xe5: {  	s7 =	smov.u32 s8;
	(pc) =	sbr.rel @p1 .LBB2_26-.Ltmp14, $4  }
0xe6: {  	s6 =	smov.u32 s5;
	s5 =	smov.u32 s4;
	s4 =	smov.u32 s3  }
0xe7: {  	s3 =	smov.u32 s2;
	s2 =	smov.u32 s11;
	s13 =	spop (v2sf)  }
0xe8: {  	s10 =	sadd.s32 $0xFFFFFFF0, s10;
	s8 =	sadd.s32 s8, s13  }
0xe9: {  	p0 =	slt.s32 s12, $0x64;
	s11 =	sadd.s32 $0xFFFFFFFF, s11;
	(xrf0) =	vadd.scan.msk.s32 $0xffff, v8;
	v7, _, _ =	vpop (xrf0)  }
0xea: {  	_ =	sdelay $0x2  }
0xeb: {  	(v2sf) =	vpush v7, $0xF;
	_ =	sdelay $0x1  }
0xec: {  	v7, _, _ =	vpop (xrf0)  }
0xed: {  	(v2sf) =	vpush v7, $0xF;
	_ =	sdelay $0x3  }
0xee: {  	s1 =	smov.u32 @p0 s9  }
0xef: {  	p0 =	sgt.s32 s8, $0x63;
	s9 =	smov.u32 s1  }
0xf0: {  	s28 =	spop (v2sf);
	s9 =	smov.u32 @p0 s6;
	p0 =	slt.s32 s7, $0x64  }
0xf1: {  	s6 =	sadd.s32 s8, s28;
	s1 =	smov.u32 @p0 s9  }
0xf2: {  	p0 =	sgt.s32 s6, $0x63;
	s7 =	smov.u32 s1  }
0xf3: {  	s7 =	smov.u32 @p0 s5;
	p0 =	slt.s32 s8, $0x64;
	s29 =	spop (v2sf)  }
0xf4: {  	s1 =	smov.u32 @p0 s7;
	s5 =	sadd.s32 s6, s29  }
0xf5: {  	s7 =	smov.u32 s1;
	p0 =	sgt.s32 s5, $0x63  }
0xf6: {  	s7 =	smov.u32 @p0 s4;
	p0 =	slt.s32 s6, $0x64;
	s8 =	spop (v2sf)  }
0xf7: {  	s1 =	smov.u32 @p0 s7;
	s4 =	sadd.s32 s5, s8  }
0xf8: {  	s10 =	simm.s32 $0x10;
	s6 =	smov.u32 s1;
	p0 =	sgt.s32 s4, $0x63  }
0xf9: {  	s6 =	smov.u32 @p0 s3;
	p0 =	slt.s32 s5, $0x64;
	s9 =	spop (v2sf)  }
0xfa: {  	v11 =	vld [tilespmem:s10+$0xFFFFFFF0];
	s1 =	smov.u32 @p0 s6;
	s3 =	sadd.s32 s4, s9  }
0xfb: {  	v19 =	vld [tilespmem:s10+$0x0];
	p0 =	sgt.s32 s3, $0x63;
	s3 =	smov.u32 s1  }
0xfc: {  	s3 =	smov.u32 @p0 s2;
	p0 =	slt.s32 s4, $0x64  }
0xfd: {  	s0 =	sshll.u32 s0, $0x8;
	s1 =	smov.u32 @p0 s3  }
0xfe: {  	s11 =	simm.s32 $0x30;
	s0 =	sor.u32 s0, s1  }
0xff: {  	v13 =	vld [tilespmem:s11+$0xFFFFFFF0];
	v7 =	vshra.s32 v11, $0x10;
	v14 =	vmov s0  }
0x100: {  	s12 =	simm.s32 $0x50;
	v12 =	vld [tilespmem:s11+$0x0];
	vm3 =	vge.s32 v7, v14;
	v7 =	vshra.s32 v19, $0x10  }
0x101: {  	v9 =	vld [tilespmem:s12+$0xFFFFFFF0];
	v8 =	vmpcnt.ones.xlane vm3;
	vm4 =	vge.s32 v7, v14  }
0x102: {  	v7 =	vmpcnt.ones.xlane vm4  }
0x103: {  	(v2sf) =	vpush v8, $0x0;
	v8 =	vld [tilespmem:s12+$0x0]  }
0x104: {  	(v2sf) =	vpush v7, $0x0;
	v7 =	vshra.s32 v13, $0x10  }
0x105: {  	vm5 =	vge.s32 v7, v14  }
0x106: {  	v15 =	vshra.s32 v9, $0x10;
	v7 =	vshra.s32 v12, $0x10;
	v10 =	vmpcnt.ones.xlane vm5  }
0x107: {  	vm11 =	vge.s32 v15, v14;
	vm9 =	vge.s32 v7, v14  }
0x108: {  	v16 =	vmpcnt.ones.xlane vm9;
	(v2sf) =	vpush v10, $0x0;
	v10 =	vshra.s32 v8, $0x10  }
0x109: {  	v17 =	vmpcnt.ones.xlane vm11;
	vm6 =	vge.s32 v10, v14  }
0x10a: {  	(v2sf) =	vpush v16, $0x0;
	v10 =	vmpcnt.ones.xlane vm6  }
0x10b: {  	s13 =	simm.s32 $0x70;
	(v2sf) =	vpush v17, $0x0  }
0x10c: {  	v15 =	vld [tilespmem:s13+$0x0];
	(v2sf) =	vpush v10, $0x0  }
0x10d: {  	v7 =	vld [tilespmem:s13+$0xFFFFFFF0]  }
0x10e: {  	vm3 =	vmmov vm3;
	vm4 =	vmmov vm4  }
0x10f: {  	vm13 =	vmmov vm11;
	vm3 =	vmmov vm3;
	vm4 =	vmmov vm4  }
0x110: {  	vm15 =	vmmov vm3;
	vm5 =	vmmov vm5;
	vm9 =	vmmov vm9  }
0x111: {  	s28 =	sadd.s32 $0xFFFFFFF0, s30;
	vm14 =	vmmov vm4;
	vm12 =	vmmov vm5;
	vm10 =	vmmov vm9  }
0x112: {  	s1 =	simm.s32 $0x90;
	s0 =	simm.s32 $0x0;
	v17 =	vshra.s32 v15, $0x10;
	vm3 =	vmmov vm6;
	v10 =	vshra.s32 v7, $0x10;
	s14 =	spop (v2sf)  }
0x113: {  	[tilespmem:s0+$0x1280] =	vst.msk vm15, v11;
	vm11 =	vge.s32 v17, v14;
	v17 =	vor.u32 s28, v1;
	vm9 =	vge.s32 v10, v14;
	v10 =	vld [tilespmem:s1+$0xFFFFFFF0];
	s5 =	sadd.s32 $0x0, s14;
	s29 =	spop (v2sf)  }
0x114: {  	s4 =	simm.s32 $0x8;
	s3 =	smov.u32 s30;
	v11 =	vld [tilespmem:s1+$0x0];
	v18 =	vmpcnt.ones.xlane vm11;
	v16 =	vmpcnt.ones.xlane vm9;
	[tilespmem:s5+$0x1280] =	vst.msk vm14, v19;
	v19 =	vor.u32 s30, v1;
	s2 =	sadd.s32 s5, s29  }
.LBB2_28:
0x115: {  	s4 =	sadd.s32 $0x2, s4  }
0x116: {  	(v2sf) =	vpush v16, $0x0;
	[tilespmem:s5+$0x2000] =	vst.msk vm14, v19;
	s3 =	sadd.s32 $0x20, s3;
	v20 =	vmovc v15;
	vm14 =	vmmov vm10;
	vm10 =	vmmov vm3;
	p1 =	slt.u32 s4, $0xD4  }
.Ltmp15:
0x117: {  	(v2sf) =	vpush v18, $0x0;
	[tilespmem:s0+$0x2000] =	vst.msk vm15, v17;
	vm15 =	vmmov vm12;
	vm12 =	vmmov vm13;
	s0 =	smov.u32 s2;
	(pc) =	sbr.rel @p1 .LBB2_28-.Ltmp15, $4  }
0x118: {  	s1 =	sadd.s32 $0x20, s1;
	vm3 =	vmmov vm11;
	vm13 =	vmmov vm9;
	v16 =	vshra.s32 v10, $0x10;
	v17 =	vmovc v10  }
0x119: {  	v10 =	vld [tilespmem:s1+$0xFFFFFFF0];
	vm9 =	vge.s32 v16, v14;
	v18 =	vshra.s32 v11, $0x10;
	s5 =	spop (v2sf);
	v15 =	vmov v11  }
0x11a: {  	s6 =	sadd.s32 $0xFFFFFFF0, s3;
	v11 =	vld [tilespmem:s1+$0x0];
	v16 =	vmpcnt.ones.xlane vm9;
	vm11 =	vge.s32 v18, v14;
	[tilespmem:s2+$0x1280] =	vst.msk vm15, v13;
	s5 =	sadd.s32 s2, s5;
	s2 =	spop (v2sf);
	v13 =	vmovc v9;
	v9 =	vmovc v7;
	v7 =	vmov v17  }
0x11b: {  	v19 =	vor.u32 s3, v1;
	v17 =	vor.u32 s6, v1;
	v18 =	vmpcnt.ones.xlane vm11;
	[tilespmem:s5+$0x1280] =	vst.msk vm14, v12;
	s2 =	sadd.s32 s5, s2;
	v12 =	vmovc v8;
	v8 =	vmovc v20  }
0x11c: {  	_ =	sdelay $0x1  }
0x11d: {  	v20 =	vshra.s32 v10, $0x10  }
0x11e: {  	vm5 =	vge.s32 v20, v14;
	v57 =	vshra.s32 v11, $0x10  }
0x11f: {  	(v2sf) =	vpush v16, $0x0;
	vm4 =	vge.s32 v57, v14;
	v58 =	vmpcnt.ones.xlane vm5  }
0x120: {  	(v2sf) =	vpush v18, $0x0;
	v59 =	vmpcnt.ones.xlane vm4  }
0x121: {  	(v2sf) =	vpush v58, $0x0  }
0x122: {  	(v2sf) =	vpush v59, $0x0;
	_ =	sdelay $0x3  }
0x123: {  	[tilespmem:s5+$0x2000] =	vst.msk vm14, v19  }
0x124: {  	[tilespmem:s0+$0x2000] =	vst.msk vm15, v17;
	s9 =	spop (v2sf);
	vm6 =	vmmov vm12  }
0x125: {  	s1 =	sadd.s32 $0x20, s3;
	vm10 =	vmmov vm10;
	[tilespmem:s2+$0x1280] =	vst.msk vm6, v13;
	s0 =	sadd.s32 s2, s9  }
0x126: {  	s3 =	sadd.s32 $0xFFFFFFF0, s1;
	v60 =	vor.u32 s1, v1;
	s4 =	spop (v2sf);
	[tilespmem:s0+$0x1280] =	vst.msk vm10, v12  }
0x127: {  	vm3 =	vmmov vm3;
	v61 =	vor.u32 s3, v1;
	[tilespmem:s0+$0x2000] =	vst.msk vm10, v60;
	s0 =	sadd.s32 s0, s4;
	s10 =	spop (v2sf)  }
0x128: {  	s1 =	sadd.s32 $0x20, s1;
	vm3 =	vmmov vm3;
	[tilespmem:s2+$0x2000] =	vst.msk vm6, v61;
	s2 =	sadd.s32 s0, s10  }
0x129: {  	vm12 =	vmmov vm13;
	[tilespmem:s2+$0x1280] =	vst.msk vm3, v8;
	v8 =	vor.u32 s1, v1  }
0x12a: {  	s11 =	sadd.s32 $0xFFFFFFF0, s1;
	vm6 =	vmmov vm12;
	s12 =	spop (v2sf);
	[tilespmem:s2+$0x2000] =	vst.msk vm3, v8;
	vm3 =	vmmov vm9  }
0x12b: {  	vm10 =	vmmov vm11;
	v62 =	vor.u32 s11, v1;
	[tilespmem:s0+$0x1280] =	vst.msk vm6, v9;
	s13 =	sadd.s32 s2, s12;
	vm3 =	vmmov vm3;
	s14 =	spop (v2sf)  }
0x12c: {  	vm10 =	vmmov vm10;
	[tilespmem:s0+$0x2000] =	vst.msk vm6, v62;
	vm3 =	vmmov vm3;
	s29 =	sadd.s32 s13, s14;
	s4 =	spop (v2sf)  }
0x12d: {  	s1 =	sadd.s32 $0x20, s1;
	vm9 =	vmmov vm10;
	[tilespmem:s13+$0x1280] =	vst.msk vm3, v7;
	s2 =	sadd.s32 s29, s4;
	s5 =	spop (v2sf)  }
0x12e: {  	vm5 =	vmmov vm5;
	v8 =	vor.u32 s1, v1;
	s6 =	sadd.s32 $0xFFFFFFF0, s1;
	[tilespmem:s29+$0x1280] =	vst.msk vm9, v15;
	s7 =	sadd.s32 s2, s5;
	s8 =	spop (v2sf)  }
0x12f: {  	vm5 =	vmmov vm5;
	s1 =	sadd.s32 $0x20, s1;
	[tilespmem:s29+$0x2000] =	vst.msk vm9, v8;
	v8 =	vor.u32 s6, v1;
	s4 =	sadd.s32 s7, s8  }
0x130: {  	vm4 =	vmmov vm4;
	s9 =	sadd.s32 $0xFFFFFFF0, s1;
	[tilespmem:s13+$0x2000] =	vst.msk vm3, v8;
	vm3 =	vmmov vm5;
	v7 =	vadd.s32 s4, v1  }
0x131: {  	vm4 =	vmmov vm4;
	v63 =	vor.u32 s9, v1;
	[tilespmem:s2+$0x1280] =	vst.msk vm3, v10  }
0x132: {  	vm4 =	vmmov vm4;
	[tilespmem:s2+$0x2000] =	vst.msk vm3, v63  }
0x133: {  	v8 =	vor.u32 s1, v1;
	[tilespmem:s7+$0x1280] =	vst.msk vm4, v11  }
0x134: {  	s10 =	simm.s32 $0x1280;
	[tilespmem:s7+$0x2000] =	vst.msk vm4, v8  }
0x135: {  	s11 =	simm.s32 $0x2000;
	[tilespmem:v7+s10+$0x0] =	vst.idx.msk $0xffff, v0  }
0x136: {  	[tilespmem:v7+s11+$0x0] =	vst.idx.msk $0xffff, v3  }
0x137: {  	[tilespmem:$0x3D80] =	vst v0  }
0x138: {  	[tilespmem:$0x3E00] =	vst v3  }
0x139: {  	[tilespmem:$0x3D90] =	vst v0  }
0x13a: {  	s12 =	sadd.s32 $0xF, s4;
	[tilespmem:$0x3E10] =	vst v3  }
0x13b: {  	s13 =	sand.u32 $0xF, s12;
	[tilespmem:$0x3DA0] =	vst v0  }
0x13c: {  	s14 =	sshra.s32 s12, $0x1F;
	p0 =	slt.s32 s12, $0x1;
	p1 =	sne.s32 s13, $0x0;
	[tilespmem:$0x3E20] =	vst v3  }
0x13d: {  	s29 =	sshrl.u32 s14, $0x1C;
	p0 =	por !p0, !p1;
	[tilespmem:$0x3DB0] =	vst v0  }
0x13e: {  	s1 =	simm.s32 $0x1;
	s0 =	sadd.s32 s29, s12;
	p0 =	por !p0, !p0;
	[tilespmem:$0x3E30] =	vst v3  }
0x13f: {  	s0 =	sshra.s32 s0, $0x4;
	s1 =	simm.s32 @!p0 $0x0;
	[tilespmem:$0x3DC0] =	vst v0  }
0x140: {  	s28 =	ssub.s32 s0, s1;
	[tilespmem:$0x3E40] =	vst v3  }
0x141: {  	[tilespmem:$0x3DD0] =	vst v0;
	p0 =	sgt.s32 s28, $0x10  }
.Ltmp16:
0x142: {  	[tilespmem:$0x3E50] =	vst v3;
	(pc) =	sbr.rel @p0 .LBB2_71-.Ltmp16, $4  }
0x143: {  	[tilespmem:$0x3DE0] =	vst v0  }
0x144: {  	[tilespmem:$0x3E60] =	vst v3  }
0x145: {  	[tilespmem:$0x3DF0] =	vst v0  }
0x146: {  	s0 =	simm.s32 $0x0;
	[tilespmem:$0x3E70] =	vst v3  }
0x147: {  	p0 =	slt.s32 s28, $0x1  }
.Ltmp17:
0x148: {  	_ = 	snop;
	(pc) =	sbr.rel @p0 .LBB2_46-.Ltmp17, $2  }
0x149: {  	_ =	sdelay $0x2  }
0x14a: {  	v8 =	vimm.s32 $0xFFFFFFFF  }
0x14b: {  	p0 =	sne.s32 s28, $0x1  }
.Ltmp18:
0x14c: {  	_ = 	snop;
	(pc) =	sbr.rel @!p0 .LBB2_32-.Ltmp18, $4  }
0x14d: {  	_ = 	snop  }
0x14e: {  	s0 =	simm.s32 $0x0;
	s3 =	simm.s32 $0x1280  }
0x14f: {  	s2 =	simm.s32 $0x1;
	p1 =	por $0x0, $0x0;
	p2 =	por $0x0, $0x0  }
0x150: {  	p3 =	por $0x0, $0x0;
	p4 =	por $0x0, $0x0;
	p5 =	por $0x0, $0x0  }
0x151: {  	v7 =	vld [tilespmem:s3+$0x0];
	p0 =	sne.s32 s28, $0x2  }
.Ltmp19:
0x152: {  	_ = 	snop;
	(pc) =	sbr.rel @!p0 .LBB2_34-.Ltmp19, $2  }
0x153: {  	_ =	sdelay $0x2  }
0x154: {  	s4 =	simm.s32 $0x2;
	s3 =	simm.s32 $0x1290;
	p1 =	por $0x1, $0x1;
	v7 =	vxor.u32 $0x80000000, v7  }
0x155: {  	v9 =	vld [tilespmem:s3+$0x0];
	p0 =	sne.s32 s28, $0x3  }
.Ltmp20:
0x156: {  	_ = 	snop;
	(pc) =	sbr.rel @!p0 .LBB2_36-.Ltmp20, $2  }
0x157: {  	_ =	sdelay $0x2  }
0x158: {  	(xrf0) =	vmax.scan.msk.u32 $0xffff, v7;
	s5 =	simm.s32 $0x3;
	s3 =	simm.s32 $0x12A0;
	p2 =	por $0x1, $0x1;
	v7 =	vxor.u32 $0x80000000, v9  }
0x159: {  	_ = 	snop  }
0x15a: {  	v9 =	vld [tilespmem:s3+$0x0];
	p0 =	sne.s32 s28, $0x4  }
.Ltmp21:
0x15b: {  	_ = 	snop;
	(pc) =	sbr.rel @!p0 .LBB2_38-.Ltmp21, $3  }
0x15c: {  	_ =	sdelay $0x1  }
0x15d: {  	(xrf0) =	vmax.scan.msk.u32 $0xffff, v7;
	v7, _, _ =	vpop (xrf0)  }
0x15e: {  	s1 =	simm.s32 $0x4;
	s3 =	simm.s32 $0x12B0;
	p3 =	por $0x1, $0x1;
	(v2sf) =	vpush v7, $0xF;
	v7 =	vxor.u32 $0x80000000, v9  }
0x15f: {  	_ =	sdelay $0x3  }
0x160: {  	(xrf0) =	vmax.scan.msk.u32 $0xffff, v7;
	v7, _, _ =	vpop (xrf0)  }
0x161: {  	(v2sf) =	vpush v7, $0xF;
	_ =	sdelay $0x2  }
0x162: {  	v9 =	vld [tilespmem:s3+$0x0];
	p0 =	sne.s32 s28, $0x5  }
.Ltmp22:
0x163: {  	_ = 	snop;
	(pc) =	sbr.rel @!p0 .LBB2_40-.Ltmp22, $2  }
0x164: {  	_ =	sdelay $0x2  }
0x165: {  	s10 =	simm.s32 $0x5;
	s3 =	simm.s32 $0x12C0;
	p4 =	por $0x1, $0x1;
	v7 =	vxor.u32 $0x80000000, v9  }
0x166: {  	v10, _, _ =	vpop (xrf0)  }
0x167: {  	(v2sf) =	vpush v10, $0xF;
	_ =	sdelay $0x1  }
0x168: {  	v9 =	vld [tilespmem:s3+$0x0];
	p0 =	sne.s32 s28, $0x6  }
.Ltmp23:
0x169: {  	_ = 	snop;
	(pc) =	sbr.rel @!p0 .LBB2_42-.Ltmp23, $4  }
0x16a: {  	(xrf0) =	vmax.scan.msk.u32 $0xffff, v7  }
0x16b: {  	s8 =	simm.s32 $0x6  }
0x16c: {  	s6 =	spop (v2sf);
	s3 =	simm.s32 $0x12D0;
	p5 =	por $0x1, $0x1;
	v10 =	vmov s0  }
0x16d: {  	s7 =	simm.s32 $0x1;
	s9 =	simm.s32 $0x2;
	s6 =	sxor.u32 $0x80000000, s6;
	vm9 =	veq.s32 v10, v1;
	v7 =	vxor.u32 $0x80000000, v9;
	v9 =	vimm.s32 $0xFFFFFFFF  }
.LBB2_43:
0x16e: {  	s11 =	smov.u32 s1  }
0x16f: {  	s1 =	smov.u32 s10;
	s10 =	smov.u32 s8;
	s8 =	sadd.s32 $0x1, s8  }
0x170: {  	v10 =	vld [tilespmem:s3+$0x0];
	(xrf0) =	vmax.scan.msk.u32 $0xffff, v7;
	v7, _, _ =	vpop (xrf0);
	v9 =	vsel vm9, s6, v9;
	p0 =	sne.s32 s28, s8  }
.Ltmp24:
0x171: {  	(v2sf) =	vpush v7, $0xF;
	(pc) =	sbr.rel @p0 .LBB2_43-.Ltmp24, $3  }
0x172: {  	_ =	sdelay $0x1  }
0x173: {  	v11 =	vmov s7;
	s7 =	smov.u32 s9;
	s9 =	smov.u32 s5;
	s6 =	spop (v2sf)  }
0x174: {  	s3 =	sadd.s32 $0x10, s3;
	vm9 =	veq.s32 v11, v1;
	s5 =	smov.u32 s11;
	v7 =	vxor.u32 $0x80000000, v10;
	s6 =	sxor.u32 $0x80000000, s6  }
0x175: {  	s8 =	smov.u32 s1;
	s1 =	smov.u32 s10  }
.LBB2_45:
0x176: {  	v10 =	vld [tilespmem:s3+$0x0];
	_ =	sdelay $0x3  }
0x177: {  	(xrf0) =	vmax.scan.msk.u32 @p1 $0xffff, v7  }
0x178: {  	v7 =	vxor.u32 $0x80000000, v10;
	_ =	sdelay $0x1  }
0x179: {  	(xrf0) =	vmax.scan.msk.u32 $0xffff, v7  }
0x17a: {  	v7, _, _ =	vpop @p2 (xrf0)  }
0x17b: {  	(v2sf) =	vpush @p2 v7, $0xF  }
0x17c: {  	v7, _, _ =	vpop @p1 (xrf0)  }
0x17d: {  	(v2sf) =	vpush @p1 v7, $0xF;
	_ =	sdelay $0x1  }
0x17e: {  	v7, _, _ =	vpop (xrf0)  }
0x17f: {  	(v2sf) =	vpush v7, $0xF;
	_ =	sdelay $0x4  }
0x180: {  	s3 =	smov.u32 @p3 s9;
	s9 =	smov.u32 s0  }
0x181: {  	s9 =	smov.u32 @p3 s3;
	s3 =	spop @p4 (v2sf);
	v7 =	vmov @p4 s7  }
0x182: {  	v9 =	vsel @p5 vm9, s6, v9;
	s3 =	sxor.u32 @p4 $0x80000000, s3;
	vm3 =	veq.s32 @p4 v7, v1  }
0x183: {  	s2 =	smov.u32 @p2 s5;
	s3 =	smov.u32 @p4 s3;
	s7 =	spop @p3 (v2sf);
	v7 =	vpsel p5, v9, v8;
	v9 =	vmov @p3 s9;
	vm3 =	vmmov @p4 vm3  }
0x184: {  	s4 =	smov.u32 @p1 s8;
	s2 =	smov.u32 @p2 s2;
	v7 =	vsel @p4 vm3, s3, v7;
	s3 =	sxor.u32 @p3 $0x80000000, s7;
	vm3 =	veq.s32 @p3 v9, v1  }
0x185: {  	s0 =	smov.u32 @p1 s4;
	v9 =	vmov @p2 s2;
	vm3 =	vmmov @p3 vm3;
	s3 =	smov.u32 @p3 s3;
	v7 =	vpsel p4, v7, v8;
	s2 =	spop @p2 (v2sf)  }
0x186: {  	s0 =	smov.u32 @p1 s0;
	v7 =	vsel @p3 vm3, s3, v7;
	vm3 =	veq.s32 @p2 v9, v1;
	s2 =	sxor.u32 @p2 $0x80000000, s2  }
0x187: {  	v9 =	vmov @p1 s0;
	vm3 =	vmmov @p2 vm3;
	v7 =	vpsel p3, v7, v8;
	s0 =	spop @p1 (v2sf);
	s2 =	smov.u32 @p2 s2  }
0x188: {  	s0 =	sxor.u32 @p1 $0x80000000, s0;
	v7 =	vsel @p2 vm3, s2, v7;
	vm3 =	veq.s32 @p1 v9, v1  }
0x189: {  	s0 =	smov.u32 @p1 s0;
	vm3 =	vmmov @p1 vm3;
	v7 =	vpsel p2, v7, v8  }
0x18a: {  	v9 =	vmov s1;
	s29 =	spop (v2sf);
	v7 =	vsel @p1 vm3, s0, v7  }
0x18b: {  	s0 =	sxor.u32 $0x80000000, s29;
	vm3 =	veq.s32 v9, v1;
	v7 =	vpsel p1, v7, v8  }
0x18c: {  	v8 =	vsel vm3, s0, v7  }
.LBB2_46:
.Ltmp25:
0x18d: {  	(pc) =	sbr.rel .LBB2_47-.Ltmp25, $2  }
0x18e: {  	_ =	sdelay $0x2  }
0x18f: {  	s29 =	simm.s32 $0x0;
	p1 =	sgt.s32 s28, $0x0  }
.LBB2_71:
0x190: {  	s1 =	simm.s32 $0x1280  }
0x191: {  	p1 =	sne.s32 s28, $0x1;
	v8 =	vld [tilespmem:s1+$0x0]  }
.Ltmp26:
0x192: {  	_ = 	snop;
	(pc) =	sbr.rel @!p1 .LBB2_73-.Ltmp26, $3  }
0x193: {  	_ =	sdelay $0x1  }
0x194: {  	v7 =	vimm.s32 $0xFFFFFFFF  }
0x195: {  	s2 =	sadd.s32 $0xFFFFFFFF, s28;
	s3 =	simm.s32 $0x1290;
	vm3 =	vgt.s32 v7, v8  }
.LBB2_72:
0x196: {  	p0 =	sne.s32 s2, $0x1;
	s2 =	sadd.s32 $0xFFFFFFFF, s2;
	v7 =	vsel vm3, v7, v8;
	v8 =	vld [tilespmem:s3+$0x0]  }
.Ltmp27:
0x197: {  	(pc) =	sbr.rel @p0 .LBB2_72-.Ltmp27, $2  }
0x198: {  	_ =	sdelay $0x2  }
0x199: {  	s3 =	sadd.s32 $0x10, s3;
	vm3 =	vgt.s32 v7, v8  }
.LBB2_73:
0x19a: {  	v7 =	vsel vm3, v7, v8  }
0x19b: {  	v7 =	vxor.u32 $0x80000000, v7  }
0x19c: {  	(xrf0) =	vmax.scan.msk.u32 $0xffff, v7;
	_ =	sdelay $0x5  }
0x19d: {  	v7, _, _ =	vpop (xrf0)  }
0x19e: {  	(v2sf) =	vpush v7, $0xF;
	_ =	sdelay $0xe  }
0x19f: {  	s29 =	spop (v2sf)  }
0x1a0: {  	v10 =	vld [tilespmem:s1+$0x0];
	s1 =	sxor.u32 $0x80000000, s29  }
0x1a1: {  	v7 =	vmov s1;
	s1 =	simm.s32 $0x2000  }
.Ltmp28:
0x1a2: {  	v9 =	vld [tilespmem:s1+$0x0];
	(pc) =	sbr.rel @!p1 .LBB2_75-.Ltmp28, $2  }
0x1a3: {  	_ =	sdelay $0x2  }
0x1a4: {  	v8 =	vimm.s32 $0x10000000;
	s2 =	sadd.s32 $0xFFFFFFFF, s28;
	s3 =	simm.s32 $0x1290;
	s4 =	simm.s32 $0x2000;
	vm3 =	veq.s32 v10, v7  }
.LBB2_74:
0x1a5: {  	v10 =	vld [tilespmem:s3+$0x0];
	p0 =	sne.s32 s2, $0x1;
	s2 =	sadd.s32 $0xFFFFFFFF, s2;
	v11 =	vnsel vm3, $0x10000000, v9;
	s4 =	sadd.s32 $0x10, s4  }
.Ltmp29:
0x1a6: {  	v9 =	vld [tilespmem:s4+$0x0];
	vm3 =	vlt.s32 v8, v11;
	(pc) =	sbr.rel @p0 .LBB2_74-.Ltmp29, $2  }
0x1a7: {  	v8 =	vsel vm3, v8, v11;
	_ =	sdelay $0x2  }
0x1a8: {  	s3 =	sadd.s32 $0x10, s3;
	vm3 =	veq.s32 v10, v7  }
.LBB2_75:
0x1a9: {  	v9 =	vnsel vm3, $0x10000000, v9  }
0x1aa: {  	vm3 =	vlt.s32 v8, v9  }
0x1ab: {  	v8 =	vsel vm3, v8, v9  }
0x1ac: {  	v8 =	vxor.u32 $0x80000000, v8  }
0x1ad: {  	(xrf0) =	vmin.scan.msk.u32 $0xffff, v8;
	_ =	sdelay $0x5  }
0x1ae: {  	v8, _, _ =	vpop (xrf0)  }
0x1af: {  	(v2sf) =	vpush v8, $0xF;
	_ =	sdelay $0xc  }
.Ltmp30:
0x1b0: {  	_ = 	snop;
	(pc) =	sbr.rel @!p1 .LBB2_77-.Ltmp30, $4  }
0x1b1: {  	_ = 	snop  }
0x1b2: {  	s3 =	spop (v2sf)  }
0x1b3: {  	s2 =	simm.s32 $0x1280;
	v10 =	vld [tilespmem:s1+$0x0];
	s3 =	sxor.u32 $0x80000000, s3  }
0x1b4: {  	v9 =	vld [tilespmem:s2+$0x0];
	v8 =	vmov s3;
	s3 =	sadd.s32 $0xFFFFFFFF, s28  }
.LBB2_76:
0x1b5: {  	p0 =	sne.s32 s3, $0x1;
	_ =	sdelay $0x3  }
0x1b6: {  	vm3 =	veq.s32 v9, v7;
	vm4 =	veq.s32 v10, v8  }
.Ltmp31:
0x1b7: {  	vm3 =	vmand vm3, vm4;
	(pc) =	sbr.rel @p0 .LBB2_76-.Ltmp31, $4  }
0x1b8: {  	v9 =	vsel vm3, $0xFFFFFFFF, v9  }
0x1b9: {  	[tilespmem:s2+$0x0] =	vst v9;
	s2 =	sadd.s32 $0x10, s2  }
0x1ba: {  	s1 =	sadd.s32 $0x10, s1;
	v9 =	vld [tilespmem:s2+$0x0]  }
0x1bb: {  	s3 =	sadd.s32 $0xFFFFFFFF, s3;
	v10 =	vld [tilespmem:s1+$0x0]  }
.LBB2_77:
0x1bc: {  	_ =	sdelay $0x2  }
0x1bd: {  	v11 =	vmov s0;
	s0 =	sadd.s32 $0x1, s0  }
0x1be: {  	p0 =	sne.s32 s0, $0x64;
	vm3 =	veq.s32 v9, v7;
	vm4 =	veq.s32 v10, v8  }
.Ltmp32:
0x1bf: {  	vm3 =	vmand vm3, vm4;
	(pc) =	sbr.rel @p0 .LBB2_71-.Ltmp32, $4  }
0x1c0: {  	v63 =	vsel vm3, $0xFFFFFFFF, v9  }
0x1c1: {  	[tilespmem:s2+$0x0] =	vst v63  }
0x1c2: {  	[tilespmem:v11+s19+$0x0] =	vst.idx.msk $0x1, v7  }
0x1c3: {  	[tilespmem:v11+s20+$0x0] =	vst.idx.msk $0x1, v8  }
.LBB2_78:
0x1c4: {  	[spmem:s23] =	stream.linear.scatter [tilespmem:s19], [sflag:$0x1], $0x80, $0x38;
	[tilespmem:$0x5080] =	vst v63  }
0x1c5: {  	_ =	swait.ge [sflag:s31], $0x80  }
0x1c6: {  	[sflag:s31] =	ssyncset.done $0x0  }
0x1c7: {  	[sflag:s31] =	ssyncadd.s32 $0xFFFFFF80  }
0x1c8: {  	[spmem:s24] =	stream.linear.scatter [tilespmem:s20], [sflag:$0x1], $0x80, $0x38;
	[tilespmem:$0x5080] =	vst v63  }
0x1c9: {  	_ =	swait.ge [sflag:s31], $0x80  }
0x1ca: {  	[sflag:s31] =	ssyncset.done $0x0  }
0x1cb: {  	[sflag:s31] =	ssyncadd.s32 $0xFFFFFF80  }
0x1cc: {  	[bflag:$0x0] =	sbarrier.arrive $0xFFFF  }
0x1cd: {  	s0 =	sld [smem:$0x7FD];
	_ =	sdelay $0x2  }
0x1ce: {  	p0 =	seq.s32 s0, $0x1  }
.Ltmp33:
0x1cf: {  	_ = 	snop;
	(pc) =	sbr.rel @p0 .LBB2_84-.Ltmp33, $2  }
0x1d0: {  	_ =	sdelay $0x2  }
0x1d1: {  	s0 =	rddreg [dreg:$0x12]  }
0x1d2: {  	s0 =	rddreg [dreg:$0xa]  }
0x1d3: {  	[tilespmem:s21], [sflag:$0x1] =	stream.linear.gather [spmem:s0], $0x400, $0x38;
	[tilespmem:$0x5080] =	vst v63  }
0x1d4: {  	_ =	swait.ge [sflag:s31], $0x400  }
0x1d5: {  	[sflag:s31] =	ssyncset.done $0x0  }
0x1d6: {  	s30 =	rddreg [dreg:$0xb];
	[sflag:s31] =	ssyncadd.s32 $0xFFFFFC00  }
0x1d7: {  	[tilespmem:s22], [sflag:$0x1] =	stream.linear.gather [spmem:s30], $0x400, $0x38;
	[tilespmem:$0x5080] =	vst v63  }
0x1d8: {  	_ =	swait.ge [sflag:s31], $0x400  }
0x1d9: {  	s1 =	simm.s32 $0x40;
	[sflag:s31] =	ssyncset.done $0x0  }
0x1da: {  	s2 =	simm.s32 $0x0;
	v7 =	vimm.s32 $0x0;
	s0 =	simm.s32 $0x0;
	[sflag:s31] =	ssyncadd.s32 $0xFFFFFC00  }
.LBB2_80:
0x1db: {  	p0 =	sne.s32 s1, $0xFC0;
	[tilespmem:s2+$0x4380] =	vst v7;
	s3 =	smov.u32 s1;
	s1 =	sadd.s32 $0x40, s1  }
.Ltmp34:
0x1dc: {  	[tilespmem:s2+$0x4B80] =	vst v3;
	(pc) =	sbr.rel @p0 .LBB2_80-.Ltmp34, $2  }
0x1dd: {  	_ =	sdelay $0x2  }
0x1de: {  	s2 =	sshra.s32 s3, $0x2  }
0x1df: {  	v8 =	vadd.s32 v4, v7;
	_ =	sdelay $0x2  }
0x1e0: {  	[tilespmem:s2+$0x4380] =	vst v7  }
0x1e1: {  	[tilespmem:s2+$0x4B80] =	vst v3  }
0x1e2: {  	v9 =	vld.idx.msk [tilespmem:v8+s21+$0x0], $0xffff;
	_ =	sdelay $0x4  }
0x1e3: {  	v10 =	vxor.u32 $0x80000000, v9  }
0x1e4: {  	(xrf0) =	vmax.scan.msk.u32 $0xffff, v10;
	_ =	sdelay $0x5  }
0x1e5: {  	v10, _, _ =	vpop (xrf0)  }
0x1e6: {  	(v2sf) =	vpush v10, $0xF;
	_ =	sdelay $0xb  }
0x1e7: {  	v8 =	vld.idx.msk [tilespmem:v8+s22+$0x0], $0xffff;
	_ =	sdelay $0x2  }
0x1e8: {  	s1 =	spop (v2sf)  }
0x1e9: {  	s1 =	sxor.u32 $0x80000000, s1  }
0x1ea: {  	vm3 =	veq.s32 v9, s1;
	v9 =	vxor.u32 $0x80000000, v8  }
0x1eb: {  	v9 =	vnsel vm3, $0x90000000, v9  }
0x1ec: {  	(xrf0) =	vmin.scan.msk.u32 $0xffff, v9;
	_ =	sdelay $0x5  }
0x1ed: {  	v9, _, _ =	vpop (xrf0)  }
0x1ee: {  	(v2sf) =	vpush v9, $0xF;
	_ =	sdelay $0xc  }
0x1ef: {  	v9 =	vmov s0;
	_ =	sdelay $0x1  }
0x1f0: {  	s31 =	spop (v2sf)  }
0x1f1: {  	s0 =	sxor.u32 $0x80000000, s31  }
0x1f2: {  	v10 =	vmov s1;
	vm4 =	veq.s32 v8, s0  }
0x1f3: {  	[tilespmem:v9+s19+$0x0] =	vst.idx.msk $0x1, v10;
	v8 =	vmov s0;
	vm3 =	vmand vm3, vm4  }
0x1f4: {  	s0 =	simm.s32 $0x1;
	[tilespmem:v9+s20+$0x0] =	vst.idx.msk $0x1, v8;
	v8 =	vsel vm3, $0x1, v0  }
.LBB2_82:
0x1f5: {  	p1 =	sne.s32 s0, $0x63;
	v7 =	vadd.s32 v8, v7;
	s1 =	smov.u32 s0;
	s0 =	sadd.s32 $0x1, s0  }
0x1f6: {  	v8 =	vadd.s32 v4, v7;
	_ =	sdelay $0x4  }
0x1f7: {  	v9 =	vld.idx.msk [tilespmem:v8+s21+$0x0], $0xffff;
	_ =	sdelay $0x5  }
0x1f8: {  	v10 =	vxor.u32 $0x80000000, v9  }
0x1f9: {  	(xrf0) =	vmax.scan.msk.u32 $0xffff, v10;
	_ =	sdelay $0x5  }
0x1fa: {  	v10, _, _ =	vpop (xrf0)  }
0x1fb: {  	(v2sf) =	vpush v10, $0xF;
	_ =	sdelay $0xa  }
0x1fc: {  	v8 =	vld.idx.msk [tilespmem:v8+s22+$0x0], $0xffff;
	_ =	sdelay $0x1  }
0x1fd: {  	v10 =	vmov s1;
	_ =	sdelay $0x1  }
0x1fe: {  	s1 =	spop (v2sf)  }
0x1ff: {  	s1 =	sxor.u32 $0x80000000, s1  }
0x200: {  	v11 =	vmov s1;
	vm3 =	veq.s32 v9, s1;
	v9 =	vxor.u32 $0x80000000, v8  }
0x201: {  	v9 =	vnsel vm3, $0x90000000, v9;
	[tilespmem:v10+s19+$0x0] =	vst.idx.msk $0x1, v11  }
0x202: {  	(xrf0) =	vmin.scan.msk.u32 $0xffff, v9;
	_ =	sdelay $0x5  }
0x203: {  	v9, _, _ =	vpop (xrf0)  }
0x204: {  	(v2sf) =	vpush v9, $0xF;
	_ =	sdelay $0xe  }
.Ltmp35:
0x205: {  	s1 =	spop (v2sf);
	(pc) =	sbr.rel @p1 .LBB2_82-.Ltmp35, $4  }
0x206: {  	s1 =	sxor.u32 $0x80000000, s1  }
0x207: {  	v9 =	vmov s1;
	vm4 =	veq.s32 v8, s1  }
0x208: {  	vm3 =	vmand vm3, vm4;
	[tilespmem:v10+s20+$0x0] =	vst.idx.msk $0x1, v9  }
0x209: {  	v8 =	vsel vm3, $0x1, v0  }
0x20a: {  	v10 =	vld [tilespmem:$0x3E00];
	_ =	sdelay $0x4  }
0x20b: {  	(v2sf) =	vpush v10, $0xD  }
0x20c: {  	(v2sf) =	vpush v10, $0xC;
	_ =	sdelay $0x1  }
0x20d: {  	(v2sf) =	vpush v10, $0xE  }
0x20e: {  	(v2sf) =	vpush v10, $0xF  }
0x20f: {  	(v2sf) =	vpush v10, $0x9;
	_ =	sdelay $0x1  }
0x210: {  	(v2sf) =	vpush v10, $0x8;
	_ =	sdelay $0x1  }
0x211: {  	(v2sf) =	vpush v10, $0xA  }
0x212: {  	(v2sf) =	vpush v10, $0xB  }
0x213: {  	(v2sf) =	vpush v10, $0x1;
	_ =	sdelay $0x2  }
0x214: {  	(v2sf) =	vpush v10, $0x0  }
0x215: {  	(v2sf) =	vpush v10, $0x2;
	s2 =	spop (v2sf)  }
0x216: {  	s1 =	sshra.s32 s2, $0x1F;
	s9 =	spop (v2sf)  }
0x217: {  	(v2sf) =	vpush v10, $0x3;
	s0 =	smul.u32 $0xB40B40B5, s1;
	s3 =	sshra.s32 s9, $0x1F  }
0x218: {  	(v2sf) =	vpush v10, $0x4;
	s8 =	spop (v2sf);
	s3 =	smul.u32 $0xB40B40B5, s3  }
0x219: {  	v11 =	vld [tilespmem:$0x3E10];
	(v2sf) =	vpush v10, $0x5;
	s4 =	sshra.s32 s8, $0x1F;
	s13 =	spop (v2sf);
	[smem:$0x761] =	sst s0  }
0x21a: {  	s5 =	smul.u32 $0xB40B40B5, s4;
	s6 =	sshra.s32 s13, $0x1F;
	s14 =	spop (v2sf)  }
0x21b: {  	[smem:$0x762] =	sst s3;
	s7 =	smul.u32 $0xB40B40B5, s6  }
0x21c: {  	(v2sf) =	vpush v10, $0x6;
	s12 =	spop (v2sf);
	[smem:$0x763] =	sst s5;
	s5 =	sshra.s32 s14, $0x1F  }
0x21d: {  	(v2sf) =	vpush v10, $0x7;
	s6 =	sshra.s32 s12, $0x1F;
	[smem:$0x764] =	sst s7;
	s10 =	smul.u32 $0xB40B40B5, s5  }
0x21e: {  	(v2sf) =	vpush v11, $0xD;
	s5 =	spop (v2sf);
	s11 =	smul.u32 $0xB40B40B5, s6  }
0x21f: {  	(v2sf) =	vpush v11, $0xC;
	s15 =	sshra.s32 s5, $0x1F;
	s17 =	spop (v2sf);
	[smem:$0x765] =	sst s10  }
0x220: {  	s18 =	smul.u32 $0xB40B40B5, s15;
	s7 =	sshra.s32 s17, $0x1F;
	s6 =	spop (v2sf)  }
0x221: {  	(v2sf) =	vpush v11, $0xE;
	[smem:$0x766] =	sst s11;
	s23 =	smul.u32 $0xB40B40B5, s7;
	s24 =	sshra.s32 s6, $0x1F  }
0x222: {  	(v2sf) =	vpush v11, $0xF;
	[smem:$0x767] =	sst s18;
	s25 =	smul.u32 $0xB40B40B5, s24  }
0x223: {  	s18 =	spop (v2sf);
	[smem:$0x768] =	sst s23  }
0x224: {  	(v2sf) =	vpush v11, $0x9;
	s26 =	sshra.s32 s18, $0x1F;
	s28 =	spop (v2sf);
	[smem:$0x769] =	sst s25  }
0x225: {  	[smem:$0x76A] =	sst s28;
	s29 =	smul.u32 $0xB40B40B5, s26;
	s3 =	sshra.s32 s28, $0x1F  }
0x226: {  	(v2sf) =	vpush v11, $0x8;
	s26 =	spop (v2sf);
	s0 =	smul.u32 $0xB40B40B5, s3  }
0x227: {  	s4 =	sshra.s32 s26, $0x1F;
	s28 =	spop (v2sf);
	[smem:$0x76B] =	sst s29  }
0x228: {  	(v2sf) =	vpush v11, $0xA;
	s7 =	smul.u32 $0xB40B40B5, s4;
	s10 =	sshra.s32 s28, $0x1F;
	s15 =	spop (v2sf)  }
0x229: {  	[smem:$0x76C] =	sst s0;
	s11 =	smul.u32 $0xB40B40B5, s10;
	s10 =	sshra.s32 s15, $0x1F  }
0x22a: {  	(v2sf) =	vpush v11, $0xB;
	[smem:$0x76D] =	sst s7;
	s23 =	smul.u32 $0xB40B40B5, s10  }
0x22b: {  	(v2sf) =	vpush v11, $0x1;
	s7 =	spop (v2sf);
	[smem:$0x76E] =	sst s11  }
0x22c: {  	s11 =	sshra.s32 s7, $0x1F;
	s10 =	spop (v2sf);
	[smem:$0x76F] =	sst s23  }
0x22d: {  	(v2sf) =	vpush v11, $0x0;
	s24 =	smul.u32 $0xB40B40B5, s11;
	s25 =	sshra.s32 s10, $0x1F;
	s31 =	spop (v2sf)  }
0x22e: {  	s29 =	smul.u32 $0xB40B40B5, s25;
	s23 =	sshra.s32 s31, $0x1F;
	s11 =	spop (v2sf)  }
0x22f: {  	[smem:$0x770] =	sst s24;
	s1 =	smul.u32 $0xB40B40B5, s23  }
0x230: {  	s23 =	spop (v2sf);
	[smem:$0x771] =	sst s29  }
0x231: {  	(v2sf) =	vpush v11, $0x2;
	s24 =	sshra.s32 s11, $0x1F;
	s25 =	spop (v2sf);
	[smem:$0x772] =	sst s1  }
0x232: {  	s3 =	smul.u32 $0xB40B40B5, s24;
	s4 =	sshra.s32 s23, $0x1F;
	[smem:$0x774] =	sst s25  }
0x233: {  	(v2sf) =	vpush v11, $0x3;
	s29 =	smul.u32 $0xB40B40B5, s4;
	s25 =	sshra.s32 s25, $0x1F;
	s24 =	spop (v2sf)  }
0x234: {  	(v2sf) =	vpush v11, $0x4;
	[smem:$0x773] =	sst s3;
	s0 =	smul.u32 $0xB40B40B5, s25  }
0x235: {  	s3 =	sshra.s32 s24, $0x1F;
	s4 =	spop (v2sf);
	[smem:$0x775] =	sst s29  }
0x236: {  	[smem:$0x777] =	sst s4;
	s29 =	smul.u32 $0xB40B40B5, s3  }
0x237: {  	v9 =	vld [tilespmem:$0x3E20];
	(v2sf) =	vpush v11, $0x5;
	s3 =	sshra.s32 s4, $0x1F;
	s4 =	spop (v2sf);
	[smem:$0x776] =	sst s0  }
0x238: {  	[smem:$0x778] =	sst s29;
	s29 =	smul.u32 $0xB40B40B5, s3  }
0x239: {  	(v2sf) =	vpush v11, $0x6;
	[smem:$0x779] =	sst s4;
	s25 =	spop (v2sf)  }
0x23a: {  	(v2sf) =	vpush v11, $0x7;
	[smem:$0x77A] =	sst s29;
	s29 =	sshra.s32 s4, $0x1F;
	s4 =	spop (v2sf)  }
0x23b: {  	s3 =	sshra.s32 s25, $0x1F;
	s0 =	smul.u32 $0xB40B40B5, s29;
	[smem:$0x77C] =	sst s4  }
0x23c: {  	(v2sf) =	vpush v9, $0xD;
	s29 =	smul.u32 $0xB40B40B5, s3;
	s3 =	sshra.s32 s4, $0x1F;
	s4 =	spop (v2sf)  }
0x23d: {  	[smem:$0x77E] =	sst s4  }
0x23e: {  	(v2sf) =	vpush v9, $0xC;
	s30 =	sshra.s32 s4, $0x1F;
	[smem:$0x77D] =	sst s29;
	s29 =	smul.u32 $0xB40B40B5, s3  }
0x23f: {  	[smem:$0x77B] =	sst s0;
	s0 =	smul.u32 $0xB40B40B5, s30  }
0x240: {  	(v2sf) =	vpush v9, $0xE;
	[smem:$0x77F] =	sst s29;
	s29 =	spop (v2sf)  }
0x241: {  	[smem:$0x780] =	sst s0;
	s30 =	sshra.s32 s29, $0x1F  }
0x242: {  	(v2sf) =	vpush v9, $0xF;
	s3 =	spop (v2sf);
	s4 =	smul.u32 $0xB40B40B5, s30  }
0x243: {  	[smem:$0x781] =	sst s3;
	s30 =	sshra.s32 s3, $0x1F;
	s3 =	spop (v2sf)  }
0x244: {  	(v2sf) =	vpush v9, $0x9;
	s1 =	sshra.s32 s3, $0x1F;
	[smem:$0x782] =	sst s4;
	s4 =	smul.u32 $0xB40B40B5, s30  }
0x245: {  	[smem:$0x783] =	sst s3;
	s0 =	smul.u32 $0xB40B40B5, s1  }
0x246: {  	(v2sf) =	vpush v9, $0x8;
	s30 =	spop (v2sf);
	[smem:$0x784] =	sst s4  }
0x247: {  	s3 =	sshra.s32 s30, $0x1F;
	[smem:$0x785] =	sst s0  }
0x248: {  	(v2sf) =	vpush v9, $0xA;
	s4 =	spop (v2sf);
	s0 =	smul.u32 $0xB40B40B5, s3  }
0x249: {  	[smem:$0x786] =	sst s4;
	s3 =	sshra.s32 s4, $0x1F;
	s4 =	spop (v2sf)  }
0x24a: {  	(v2sf) =	vpush v9, $0xB;
	[smem:$0x787] =	sst s0;
	s0 =	smul.u32 $0xB40B40B5, s3  }
0x24b: {  	[smem:$0x788] =	sst s4;
	s3 =	sshra.s32 s4, $0x1F;
	s4 =	spop (v2sf)  }
0x24c: {  	(v2sf) =	vpush v9, $0x1;
	[smem:$0x78A] =	sst s0;
	s0 =	smul.u32 $0xB40B40B5, s3  }
0x24d: {  	[smem:$0x789] =	sst s4;
	s3 =	sshra.s32 s4, $0x1F;
	s4 =	spop (v2sf)  }
0x24e: {  	(v2sf) =	vpush v9, $0x0;
	[smem:$0x78B] =	sst s0;
	s0 =	smul.u32 $0xB40B40B5, s3  }
0x24f: {  	[smem:$0x78C] =	sst s4;
	s3 =	sshra.s32 s4, $0x1F;
	s4 =	spop (v2sf)  }
0x250: {  	(v2sf) =	vpush v9, $0x2;
	[smem:$0x78E] =	sst s0;
	s0 =	smul.u32 $0xB40B40B5, s3  }
0x251: {  	[smem:$0x78F] =	sst s4;
	s3 =	sshra.s32 s4, $0x1F;
	s4 =	spop (v2sf)  }
0x252: {  	(v2sf) =	vpush v9, $0x3;
	[smem:$0x793] =	sst s0;
	s0 =	smul.u32 $0xB40B40B5, s3  }
0x253: {  	[smem:$0x790] =	sst s4;
	s3 =	sshra.s32 s4, $0x1F;
	s4 =	spop (v2sf)  }
0x254: {  	[smem:$0x796] =	sst s0;
	s0 =	smul.u32 $0xB40B40B5, s3  }
0x255: {  	[smem:$0x797] =	sst s4;
	s3 =	sshra.s32 s4, $0x1F;
	s4 =	spop (v2sf)  }
0x256: {  	v8 =	vld [tilespmem:$0x3E30];
	(v2sf) =	vpush v9, $0x4;
	[smem:$0x79A] =	sst s0;
	s0 =	smul.u32 $0xB40B40B5, s3  }
0x257: {  	[smem:$0x79B] =	sst s4;
	s3 =	sshra.s32 s4, $0x1F;
	s4 =	spop (v2sf)  }
0x258: {  	(v2sf) =	vpush v9, $0x5;
	[smem:$0x79D] =	sst s0;
	s0 =	smul.u32 $0xB40B40B5, s3  }
0x259: {  	(v2sf) =	vpush v9, $0x6;
	[smem:$0x79C] =	sst s4;
	s3 =	sshra.s32 s4, $0x1F;
	s4 =	spop (v2sf)  }
0x25a: {  	(v2sf) =	vpush v9, $0x7;
	[smem:$0x79E] =	sst s0;
	s0 =	smul.u32 $0xB40B40B5, s3  }
0x25b: {  	(v2sf) =	vpush v8, $0xD;
	[smem:$0x79F] =	sst s4;
	s3 =	sshra.s32 s4, $0x1F;
	s4 =	spop (v2sf)  }
0x25c: {  	(v2sf) =	vpush v8, $0xC;
	[smem:$0x7A0] =	sst s0;
	s0 =	smul.u32 $0xB40B40B5, s3  }
0x25d: {  	(v2sf) =	vpush v8, $0xE;
	[smem:$0x7A1] =	sst s4;
	s3 =	sshra.s32 s4, $0x1F;
	s4 =	spop (v2sf)  }
0x25e: {  	(v2sf) =	vpush v8, $0xF;
	[smem:$0x7A3] =	sst s0;
	s0 =	smul.u32 $0xB40B40B5, s3  }
0x25f: {  	(v2sf) =	vpush v8, $0x9;
	[smem:$0x7A2] =	sst s4;
	s1 =	spop (v2sf);
	s3 =	sshra.s32 s4, $0x1F  }
0x260: {  	(v2sf) =	vpush v8, $0x8;
	[smem:$0x7A4] =	sst s0;
	s0 =	smul.u32 $0xB40B40B5, s3  }
0x261: {  	(v2sf) =	vpush v8, $0xA;
	[smem:$0x7A5] =	sst s1;
	s4 =	spop (v2sf);
	s1 =	sshra.s32 s1, $0x1F  }
0x262: {  	(v2sf) =	vpush v8, $0xB;
	[smem:$0x7A6] =	sst s0;
	s0 =	smul.u32 $0xB40B40B5, s1  }
0x263: {  	(v2sf) =	vpush v8, $0x1;
	[smem:$0x7A7] =	sst s4  }
0x264: {  	(v2sf) =	vpush v8, $0x0;
	s4 =	sshra.s32 s4, $0x1F;
	[smem:$0x7A9] =	sst s0  }
0x265: {  	s0 =	smul.u32 $0xB40B40B5, s4;
	s1 =	spop (v2sf)  }
0x266: {  	[smem:$0x7A8] =	sst s1  }
0x267: {  	[smem:$0x7AB] =	sst s0;
	s3 =	sshra.s32 s1, $0x1F  }
0x268: {  	s4 =	spop (v2sf);
	s0 =	smul.u32 $0xB40B40B5, s3  }
0x269: {  	[smem:$0x7AC] =	sst s4;
	s1 =	spop (v2sf);
	s3 =	sshra.s32 s4, $0x1F  }
0x26a: {  	[smem:$0x7AD] =	sst s0;
	s0 =	smul.u32 $0xB40B40B5, s3  }
0x26b: {  	[smem:$0x7AE] =	sst s1;
	s4 =	spop (v2sf);
	s1 =	sshra.s32 s1, $0x1F  }
0x26c: {  	[smem:$0x7B1] =	sst s0;
	s0 =	smul.u32 $0xB40B40B5, s1  }
0x26d: {  	[smem:$0x7B0] =	sst s4;
	s4 =	sshra.s32 s4, $0x1F;
	s1 =	spop (v2sf)  }
0x26e: {  	[smem:$0x7B3] =	sst s0;
	s0 =	smul.u32 $0xB40B40B5, s4  }
0x26f: {  	[smem:$0x7B4] =	sst s1;
	s1 =	sshra.s32 s1, $0x1F;
	s3 =	spop (v2sf)  }
0x270: {  	[smem:$0x7B6] =	sst s0;
	s0 =	smul.u32 $0xB40B40B5, s1  }
0x271: {  	[smem:$0x7B7] =	sst s3;
	s4 =	spop (v2sf);
	s1 =	sshra.s32 s3, $0x1F  }
0x272: {  	[smem:$0x7B9] =	sst s0;
	s0 =	smul.u32 $0xB40B40B5, s1  }
0x273: {  	[smem:$0x7B8] =	sst s4;
	s4 =	sshra.s32 s4, $0x1F;
	s1 =	spop (v2sf)  }
0x274: {  	[smem:$0x7BB] =	sst s0;
	s0 =	smul.u32 $0xB40B40B5, s4  }
0x275: {  	(v2sf) =	vpush v8, $0x2;
	[smem:$0x7BC] =	sst s1;
	s3 =	sshra.s32 s1, $0x1F;
	s4 =	spop (v2sf)  }
0x276: {  	[smem:$0x7BD] =	sst s0;
	s0 =	smul.u32 $0xB40B40B5, s3  }
0x277: {  	[smem:$0x7BE] =	sst s4;
	s3 =	sshra.s32 s4, $0x1F;
	s4 =	spop (v2sf)  }
0x278: {  	[smem:$0x7C0] =	sst s0;
	s0 =	smul.u32 $0xB40B40B5, s3  }
0x279: {  	[smem:$0x7BF] =	sst s4;
	s3 =	sshra.s32 s4, $0x1F;
	s4 =	spop (v2sf)  }
0x27a: {  	[dreg:$0x1f] =	wrdreg s0;
	s0 =	smul.u32 $0xB40B40B5, s3  }
0x27b: {  	[smem:$0x7C1] =	sst s4;
	s3 =	sshra.s32 s4, $0x1F;
	s4 =	spop (v2sf)  }
0x27c: {  	[dreg:$0x1d] =	wrdreg s0;
	s0 =	smul.u32 $0xB40B40B5, s3  }
0x27d: {  	[smem:$0x7C2] =	sst s4;
	s3 =	sshra.s32 s4, $0x1F;
	s4 =	spop (v2sf)  }
0x27e: {  	(v2sf) =	vpush v8, $0x3;
	[dreg:$0x17] =	wrdreg s0;
	s0 =	smul.u32 $0xB40B40B5, s3  }
0x27f: {  	[dreg:$0x1e] =	wrdreg s4;
	s3 =	sshra.s32 s4, $0x1F;
	s4 =	spop (v2sf)  }
0x280: {  	[dreg:$0x16] =	wrdreg s0;
	s0 =	smul.u32 $0xB40B40B5, s3  }
0x281: {  	[dreg:$0x1a] =	wrdreg s4;
	s1 =	sshra.s32 s4, $0x1F;
	s4 =	smulhi.u32 $0xB40B40B5, s9  }
0x282: {  	[dreg:$0x15] =	wrdreg s0;
	s0 =	smul.u32 $0xB40B40B5, s1  }
0x283: {  	s3 =	smulhi.u32 $0xB40B40B5, s2  }
0x284: {  	[dreg:$0x13] =	wrdreg s0;
	s0 =	spop (v2sf)  }
0x285: {  	(v2sf) =	vpush v8, $0x4;
	s1 =	ssub.s32 s3, s2;
	[dreg:$0x1b] =	wrdreg s0;
	s2 =	sshra.s32 s0, $0x1F  }
0x286: {  	s4 =	ssub.s32 s4, s9;
	s0 =	sld [smem:$0x761];
	s9 =	smul.u32 $0xB40B40B5, s2  }
0x287: {  	s2 =	sld [smem:$0x762]  }
0x288: {  	[dreg:$0x14] =	wrdreg s9  }
0x289: {  	s3 =	smulhi.u32 $0xB40B40B5, s8;
	s0 =	sadd.s32 s0, s1;
	s9 =	sld [smem:$0x763]  }
0x28a: {  	[smem:$0x791] =	sst s0;
	s0 =	sadd.s32 s2, s4  }
0x28b: {  	s4 =	ssub.s32 s3, s8;
	s8 =	smulhi.u32 $0xB40B40B5, s13;
	[smem:$0x78D] =	sst s0  }
0x28c: {  	s2 =	smulhi.u32 $0xB40B40B5, s14;
	s0 =	sadd.s32 s9, s4;
	s9 =	sld [smem:$0x764]  }
0x28d: {  	s4 =	spop (v2sf);
	[smem:$0x794] =	sst s0  }
0x28e: {  	(v2sf) =	vpush v8, $0x5;
	s1 =	ssub.s32 s8, s13;
	s8 =	smulhi.u32 $0xB40B40B5, s12;
	[smem:$0x7C7] =	sst s4  }
0x28f: {  	s3 =	sshra.s32 s4, $0x1F;
	s0 =	ssub.s32 s2, s14;
	s14 =	sld [smem:$0x765]  }
0x290: {  	s13 =	smul.u32 $0xB40B40B5, s3;
	s1 =	sadd.s32 s9, s1;
	s9 =	sld [smem:$0x766]  }
0x291: {  	(v2sf) =	vpush v8, $0x6;
	s4 =	smulhi.u32 $0xB40B40B5, s5;
	[smem:$0x798] =	sst s1  }
0x292: {  	s3 =	ssub.s32 s8, s12;
	s12 =	smulhi.u32 $0xB40B40B5, s17;
	[dreg:$0x18] =	wrdreg s13  }
0x293: {  	s0 =	sadd.s32 s14, s0;
	s1 =	ssub.s32 s4, s5;
	s5 =	sld [smem:$0x767]  }
0x294: {  	s13 =	spop (v2sf);
	[smem:$0x792] =	sst s0  }
0x295: {  	[smem:$0x7C8] =	sst s13  }
0x296: {  	s14 =	smulhi.u32 $0xB40B40B5, s6;
	s0 =	ssub.s32 s12, s17;
	s12 =	sld [smem:$0x768]  }
0x297: {  	s17 =	sld [smem:$0x769];
	s8 =	sadd.s32 s9, s3  }
0x298: {  	s3 =	sshra.s32 s13, $0x1F;
	s13 =	ssub.s32 s14, s6;
	s14 =	smulhi.u32 $0xB40B40B5, s18  }
0x299: {  	(v2sf) =	vpush v8, $0x7;
	s1 =	sadd.s32 s5, s1;
	s9 =	smul.u32 $0xB40B40B5, s3;
	s3 =	sld [smem:$0x76A]  }
0x29a: {  	[smem:$0x795] =	sst s1;
	s0 =	sadd.s32 s12, s0  }
0x29b: {  	s12 =	sadd.s32 s17, s13;
	s13 =	ssub.s32 s14, s18;
	s18 =	sld [smem:$0x76B]  }
0x29c: {  	s14 =	smulhi.u32 $0xB40B40B5, s26;
	[dreg:$0x19] =	wrdreg s9  }
0x29d: {  	[smem:$0x799] =	sst s0;
	s9 =	spop (v2sf)  }
0x29e: {  	v7 =	vld [tilespmem:$0x3E40];
	s6 =	smulhi.u32 $0xB40B40B5, s3;
	[smem:$0x7C9] =	sst s9;
	s17 =	sshra.s32 s9, $0x1F  }
0x29f: {  	s9 =	ssub.s32 s14, s26;
	s14 =	sld [smem:$0x76D];
	s0 =	sadd.s32 s18, s13  }
0x2a0: {  	s18 =	spop (v2sf);
	s2 =	ssub.s32 s6, s3;
	s6 =	sld [smem:$0x76C]  }
0x2a1: {  	s1 =	smul.u32 $0xB40B40B5, s17;
	[smem:$0x7CB] =	sst s18  }
0x2a2: {  	s13 =	smulhi.u32 $0xB40B40B5, s28;
	v12 =	vmov s0;
	s0 =	sld [smem:$0x78A]  }
0x2a3: {  	vm5 =	vcmask $0x300;
	(v2sf) =	vpush v7, $0xD;
	[dreg:$0x1c] =	wrdreg s1  }
0x2a4: {  	s17 =	smulhi.u32 $0xB40B40B5, s15;
	s3 =	ssub.s32 s13, s28;
	s28 =	sld [smem:$0x76E];
	v12 =	vnsel vm5, $0x0, v12  }
0x2a5: {  	s26 =	smulhi.u32 $0xB40B40B5, s7;
	v12 =	vsel vm0, s12, v12;
	s12 =	sld [smem:$0x790];
	s1 =	sadd.s32 s6, s2  }
0x2a6: {  	s2 =	sadd.s32 s14, s9;
	s9 =	ssub.s32 s17, s15;
	s15 =	sld [smem:$0x76F]  }
0x2a7: {  	s6 =	sshra.s32 s18, $0x1F;
	s17 =	ssub.s32 s26, s7;
	s26 =	sld [smem:$0x770]  }
0x2a8: {  	s14 =	sadd.s32 s28, s3;
	s13 =	smul.u32 $0xB40B40B5, s6;
	s3 =	spop (v2sf)  }
0x2a9: {  	s18 =	smulhi.u32 $0xB40B40B5, s10;
	[smem:$0x7CD] =	sst s3  }
0x2aa: {  	s28 =	smulhi.u32 $0xB40B40B5, s31;
	[smem:$0x7CF] =	sst s13;
	s4 =	sadd.s32 s15, s9  }
0x2ab: {  	s5 =	sadd.s32 s26, s17;
	s13 =	ssub.s32 s18, s10;
	s17 =	sld [smem:$0x771]  }
0x2ac: {  	(v2sf) =	vpush v7, $0xC;
	s15 =	smulhi.u32 $0xB40B40B5, s11;
	s9 =	sshra.s32 s3, $0x1F;
	s18 =	sld [smem:$0x772]  }
0x2ad: {  	s7 =	ssub.s32 s28, s31;
	s28 =	sld [smem:$0x773];
	s9 =	smul.u32 $0xB40B40B5, s9  }
0x2ae: {  	s10 =	sld [smem:$0x774]  }
0x2af: {  	s26 =	smulhi.u32 $0xB40B40B5, s23;
	s6 =	ssub.s32 s15, s11;
	[smem:$0x7D3] =	sst s9  }
0x2b0: {  	s3 =	sadd.s32 s17, s13;
	s9 =	sadd.s32 s28, s6;
	s28 =	sld [smem:$0x775]  }
0x2b1: {  	s7 =	sadd.s32 s18, s7;
	s17 =	smulhi.u32 $0xB40B40B5, s10;
	s13 =	sld [smem:$0x779]  }
0x2b2: {  	(v2sf) =	vpush v7, $0xE;
	s18 =	spop (v2sf);
	[smem:$0x7AA] =	sst s7  }
0x2b3: {  	[smem:$0x7D0] =	sst s18;
	s7 =	ssub.s32 s26, s23;
	s26 =	smulhi.u32 $0xB40B40B5, s24  }
0x2b4: {  	s11 =	sshra.s32 s18, $0x1F;
	s6 =	ssub.s32 s17, s10;
	s17 =	sld [smem:$0x776]  }
0x2b5: {  	s15 =	smul.u32 $0xB40B40B5, s11;
	s23 =	ssub.s32 s26, s24;
	s24 =	sld [smem:$0x777]  }
0x2b6: {  	s18 =	sadd.s32 s28, s7;
	s28 =	sld [smem:$0x778]  }
0x2b7: {  	[smem:$0x7D5] =	sst s15  }
0x2b8: {  	s15 =	sld [smem:$0x77B];
	s6 =	sadd.s32 s17, s6  }
0x2b9: {  	s17 =	smulhi.u32 $0xB40B40B5, s13;
	[smem:$0x7AF] =	sst s6  }
0x2ba: {  	s26 =	smulhi.u32 $0xB40B40B5, s24;
	s6 =	sadd.s32 s28, s23;
	s28 =	sld [smem:$0x77A]  }
0x2bb: {  	s23 =	spop (v2sf);
	[smem:$0x7B2] =	sst s6  }
0x2bc: {  	[smem:$0x7D2] =	sst s23  }
0x2bd: {  	(v2sf) =	vpush v7, $0xF;
	s6 =	ssub.s32 s17, s13;
	s7 =	ssub.s32 s26, s24;
	s24 =	smulhi.u32 $0xB40B40B5, s25  }
0x2be: {  	s26 =	sshra.s32 s23, $0x1F;
	s6 =	sadd.s32 s15, s6;
	s23 =	sld [smem:$0x77C]  }
0x2bf: {  	s13 =	smul.u32 $0xB40B40B5, s26;
	[smem:$0x7B5] =	sst s6  }
0x2c0: {  	s11 =	sadd.s32 s28, s7;
	s28 =	sld [smem:$0x77D]  }
0x2c1: {  	s17 =	ssub.s32 s24, s25;
	s25 =	spop (v2sf);
	[smem:$0x7D8] =	sst s13  }
0x2c2: {  	[smem:$0x7D6] =	sst s25  }
0x2c3: {  	s13 =	sshra.s32 s25, $0x1F;
	s25 =	sld [smem:$0x781]  }
0x2c4: {  	s6 =	sadd.s32 s28, s17;
	s28 =	sld [smem:$0x77F]  }
0x2c5: {  	s26 =	smulhi.u32 $0xB40B40B5, s23;
	[smem:$0x7BA] =	sst s6  }
0x2c6: {  	(v2sf) =	vpush v7, $0x9;
	v12 =	vsel vm1, s1, v12;
	s15 =	smul.u32 $0xB40B40B5, s13;
	s6 =	sld [smem:$0x77E]  }
0x2c7: {  	v12 =	vsel vm2, s2, v12;
	s2 =	sld [smem:$0x795];
	s7 =	ssub.s32 s26, s23;
	s26 =	smulhi.u32 $0xB40B40B5, s29  }
0x2c8: {  	s17 =	sld [smem:$0x780];
	s23 =	sadd.s32 s28, s7;
	s28 =	smulhi.u32 $0xB40B40B5, s25  }
0x2c9: {  	s7 =	sld [smem:$0x783];
	s24 =	smulhi.u32 $0xB40B40B5, s6  }
0x2ca: {  	[smem:$0x7DB] =	sst s15;
	s10 =	ssub.s32 s28, s25;
	s25 =	smulhi.u32 $0xB40B40B5, s30  }
0x2cb: {  	s6 =	ssub.s32 s24, s6;
	s24 =	ssub.s32 s26, s29;
	s29 =	sld [smem:$0x782]  }
0x2cc: {  	s15 =	smulhi.u32 $0xB40B40B5, s7;
	s26 =	spop (v2sf)  }
0x2cd: {  	s6 =	sadd.s32 s17, s6;
	s28 =	sshra.s32 s26, $0x1F;
	s17 =	sld [smem:$0x785]  }
0x2ce: {  	s13 =	smul.u32 $0xB40B40B5, s28;
	s31 =	sadd.s32 s29, s24;
	s29 =	sld [smem:$0x784]  }
0x2cf: {  	s24 =	ssub.s32 s25, s30;
	s25 =	sld [smem:$0x786]  }
0x2d0: {  	s7 =	ssub.s32 s15, s7;
	[smem:$0x7DD] =	sst s13  }
0x2d1: {  	s28 =	sadd.s32 s17, s7;
	s17 =	sld [smem:$0x787]  }
0x2d2: {  	vm6 =	vcmask $0x2320;
	s13 =	sld [smem:$0x788]  }
0x2d3: {  	(v2sf) =	vpush v7, $0x8;
	v12 =	vsel vm6, s14, v12;
	s14 =	sld [smem:$0x799];
	s10 =	sadd.s32 s29, s10;
	s29 =	smulhi.u32 $0xB40B40B5, s25  }
0x2d4: {  	s15 =	sld [smem:$0x789];
	s30 =	sadd.s32 s17, s24  }
0x2d5: {  	vm9 =	vcmask $0x2B28;
	s7 =	smulhi.u32 $0xB40B40B5, s13;
	s17 =	spop (v2sf);
	s24 =	ssub.s32 s29, s25  }
0x2d6: {  	v12 =	vsel vm9, s4, v12;
	s4 =	sld [smem:$0x79C];
	s25 =	sshra.s32 s17, $0x1F;
	s24 =	sadd.s32 s0, s24  }
0x2d7: {  	s0 =	ssub.s32 s7, s13;
	s25 =	smul.u32 $0xB40B40B5, s25;
	s13 =	sld [smem:$0x78B]  }
0x2d8: {  	v34 =	vmov s9;
	s9 =	sld [smem:$0x7A9];
	s29 =	smulhi.u32 $0xB40B40B5, s15  }
0x2d9: {  	[smem:$0x7DE] =	sst s25  }
0x2da: {  	s25 =	sadd.s32 s13, s0;
	s0 =	ssub.s32 s29, s15;
	s29 =	sld [smem:$0x78C]  }
0x2db: {  	s15 =	sld [smem:$0x78D]  }
0x2dc: {  	v37 =	vmov s11;
	s11 =	sld [smem:$0x7B1]  }
0x2dd: {  	v16 =	vmov s6;
	s6 =	sld [smem:$0x7B2]  }
0x2de: {  	s7 =	smulhi.u32 $0xB40B40B5, s29;
	v13 =	vmov s15;
	s15 =	sld [smem:$0x78E]  }
0x2df: {  	s13 =	sld [smem:$0x78F]  }
0x2e0: {  	s1 =	ssub.s32 s7, s29;
	s29 =	sld [smem:$0x791]  }
0x2e1: {  	(v2sf) =	vpush v7, $0xA;
	v38 =	vsel vm0, s6, v37;
	s6 =	sld [smem:$0x7B7];
	s7 =	smulhi.u32 $0xB40B40B5, s12;
	s0 =	sadd.s32 s15, s0  }
0x2e2: {  	s15 =	spop (v2sf);
	[smem:$0x7C4] =	sst s0  }
0x2e3: {  	s0 =	smulhi.u32 $0xB40B40B5, s13;
	v13 =	vsel vm0, s29, v13;
	s29 =	sld [smem:$0x792]  }
0x2e4: {  	v14 =	vmov s8;
	s8 =	sshra.s32 s15, $0x1F;
	s12 =	ssub.s32 s7, s12;
	s7 =	sld [smem:$0x79B]  }
0x2e5: {  	s0 =	ssub.s32 s0, s13;
	s13 =	smul.u32 $0xB40B40B5, s8;
	s8 =	sld [smem:$0x796]  }
0x2e6: {  	v14 =	vsel vm0, s29, v14;
	s29 =	sld [smem:$0x793]  }
0x2e7: {  	(v2sf) =	vpush v7, $0xB;
	[smem:$0x7DF] =	sst s13  }
0x2e8: {  	s13 =	sld [smem:$0x798]  }
0x2e9: {  	s1 =	sadd.s32 s29, s1;
	s29 =	sld [smem:$0x794]  }
0x2ea: {  	s0 =	sadd.s32 s8, s0;
	s8 =	sld [smem:$0x797]  }
0x2eb: {  	[smem:$0x7C5] =	sst s0  }
0x2ec: {  	vm10 =	vcmask $0x3330;
	v14 =	vsel vm1, s2, v14;
	s2 =	smulhi.u32 $0xB40B40B5, s7;
	v13 =	vsel vm1, s29, v13;
	s29 =	sld [smem:$0x79A]  }
0x2ed: {  	v12 =	vsel vm10, s5, v12;
	[smem:$0x7C3] =	sst s1;
	s1 =	smulhi.u32 $0xB40B40B5, s8  }
0x2ee: {  	v12 =	vsel vm7, s3, v12;
	s3 =	ssub.s32 s2, s7;
	s7 =	sld [smem:$0x79E];
	v13 =	vsel vm2, s13, v13;
	s13 =	smulhi.u32 $0xB40B40B5, s4  }
0x2ef: {  	s1 =	ssub.s32 s1, s8;
	s0 =	sadd.s32 s29, s12;
	s29 =	sld [smem:$0x79D]  }
0x2f0: {  	s12 =	spop (v2sf);
	s8 =	ssub.s32 s13, s4;
	s13 =	sld [smem:$0x79F]  }
0x2f1: {  	v14 =	vsel vm2, s14, v14;
	[smem:$0x7C6] =	sst s0;
	s14 =	sshra.s32 s12, $0x1F  }
0x2f2: {  	s5 =	smul.u32 $0xB40B40B5, s14;
	s0 =	sadd.s32 s29, s1;
	s29 =	sld [smem:$0x7A0]  }
0x2f3: {  	s14 =	smulhi.u32 $0xB40B40B5, s13;
	[smem:$0x7CA] =	sst s0  }
0x2f4: {  	v13 =	vcombine.low v14, v13;
	[smem:$0x7E0] =	sst s5  }
0x2f5: {  	s2 =	sadd.s32 s7, s3;
	s3 =	ssub.s32 s14, s13;
	s13 =	sld [smem:$0x7A2]  }
0x2f6: {  	v12 =	vperm.xlane v12, v6;
	v13 =	vperm.xlane v13, v5;
	s5 =	spop (v2sf);
	s1 =	sadd.s32 s29, s8;
	s29 =	sld [smem:$0x7A3]  }
0x2f7: {  	s14 =	sshra.s32 s5, $0x1F;
	s8 =	sld [smem:$0x7A6]  }
0x2f8: {  	v12 =	vsel vm8, v12, v13;
	s14 =	smul.u32 $0xB40B40B5, s14;
	[smem:$0x7CC] =	sst s1  }
0x2f9: {  	v12 =	vadd.s32 v10, v12;
	s1 =	sld [smem:$0x7A1]  }
0x2fa: {  	v33 =	vshrl.u32 v12, $0x1F;
	v12 =	vshra.s32 v12, $0x6;
	[smem:$0x7E1] =	sst s14  }
0x2fb: {  	v12 =	vadd.s32 v33, v12;
	s14 =	sld [smem:$0x7A7]  }
0x2fc: {  	(v2sf) =	vpush v7, $0x1;
	v13 =	vmul.u32 $0xFFFFFFA5, v12;
	s0 =	sadd.s32 s29, s3;
	s29 =	sld [smem:$0x7A4]  }
0x2fd: {  	v15 =	vsub.s32 $0x0, v10;
	(v2sf) =	vpush v7, $0x0;
	v39 =	vnsel vm5, $0x0, v16;
	s3 =	sld [smem:$0x7A5];
	s7 =	smulhi.u32 $0xB40B40B5, s1  }
0x2fe: {  	vm4 =	vne.s32 v13, v15;
	v15 =	vsel vm0, s23, v39;
	s23 =	sld [smem:$0x7B6]  }
0x2ff: {  	s4 =	smulhi.u32 $0xB40B40B5, s13;
	[smem:$0x7D9] =	sst s0;
	v15 =	vsel vm1, s31, v15;
	s1 =	ssub.s32 s7, s1  }
0x300: {  	v15 =	vsel vm2, s10, v15;
	s10 =	sld [smem:$0x7BA];
	s7 =	smulhi.u32 $0xB40B40B5, s3;
	s0 =	sadd.s32 s29, s1  }
0x301: {  	s1 =	smulhi.u32 $0xB40B40B5, s14;
	[smem:$0x7CE] =	sst s0  }
0x302: {  	s0 =	ssub.s32 s4, s13;
	s3 =	ssub.s32 s7, s3;
	s13 =	sld [smem:$0x7A8]  }
0x303: {  	v15 =	vsel vm6, s28, v15;
	s29 =	sadd.s32 s8, s0;
	s0 =	sadd.s32 s9, s3;
	s9 =	sld [smem:$0x7AA]  }
0x304: {  	v15 =	vsel vm9, s30, v15;
	s1 =	ssub.s32 s1, s14;
	s14 =	sld [smem:$0x7AB]  }
0x305: {  	v15 =	vsel vm10, s24, v15;
	s3 =	sld [smem:$0x7AC]  }
0x306: {  	v42 =	vsel vm7, s25, v15;
	s25 =	sld [smem:$0x7C0]  }
0x307: {  	[smem:$0x7D1] =	sst s0;
	v14 =	vsel vm0, s9, v34  }
0x308: {  	(v2sf) =	vpush v7, $0x2;
	s4 =	smulhi.u32 $0xB40B40B5, s13;
	v35 =	vsel vm1, s18, v14;
	s18 =	sld [smem:$0x7AD]  }
0x309: {  	v54 =	vmov s29;
	s29 =	rddreg [dreg:$0x19];
	s0 =	sadd.s32 s14, s1  }
0x30a: {  	[smem:$0x7D4] =	sst s0;
	s0 =	ssub.s32 s4, s13  }
0x30b: {  	s8 =	spop (v2sf);
	s13 =	sld [smem:$0x7AF];
	s1 =	sadd.s32 s18, s0  }
0x30c: {  	s7 =	sshra.s32 s8, $0x1F;
	s9 =	spop (v2sf);
	[smem:$0x7D7] =	sst s1  }
0x30d: {  	s7 =	smul.u32 $0xB40B40B5, s7;
	s18 =	sshra.s32 s9, $0x1F;
	s1 =	sld [smem:$0x7AE]  }
0x30e: {  	v13 =	vsel vm2, s13, v35;
	s13 =	sld [smem:$0x7B0];
	s18 =	smul.u32 $0xB40B40B5, s18  }
0x30f: {  	(v2sf) =	vpush v7, $0x3;
	s14 =	smulhi.u32 $0xB40B40B5, s3;
	[smem:$0x7E2] =	sst s7  }
0x310: {  	[smem:$0x7E3] =	sst s18;
	s7 =	smulhi.u32 $0xB40B40B5, s1  }
0x311: {  	s4 =	smulhi.u32 $0xB40B40B5, s13;
	s18 =	sld [smem:$0x7B5]  }
0x312: {  	s3 =	ssub.s32 s14, s3;
	s1 =	ssub.s32 s7, s1;
	s7 =	sld [smem:$0x7B3]  }
0x313: {  	s0 =	sadd.s32 s11, s3;
	s11 =	ssub.s32 s4, s13;
	s13 =	sld [smem:$0x7B4]  }
0x314: {  	s4 =	sld [smem:$0x7B8];
	v14 =	vsel vm1, s18, v38  }
0x315: {  	v14 =	vsel vm2, s10, v14;
	s10 =	sld [smem:$0x7BE];
	s1 =	sadd.s32 s7, s1  }
0x316: {  	s14 =	smulhi.u32 $0xB40B40B5, s13;
	[smem:$0x7DA] =	sst s1  }
0x317: {  	s18 =	spop (v2sf);
	s1 =	sadd.s32 s23, s11;
	s23 =	sld [smem:$0x7B9]  }
0x318: {  	s7 =	smulhi.u32 $0xB40B40B5, s6;
	s3 =	ssub.s32 s14, s13;
	s11 =	sld [smem:$0x7BB]  }
0x319: {  	s13 =	smulhi.u32 $0xB40B40B5, s4;
	s14 =	sshra.s32 s18, $0x1F;
	[smem:$0x7DC] =	sst s1  }
0x31a: {  	s1 =	ssub.s32 s7, s6;
	s6 =	smul.u32 $0xB40B40B5, s14;
	s14 =	sld [smem:$0x7BC]  }
0x31b: {  	s7 =	sld [smem:$0x7BD]  }
0x31c: {  	(v2sf) =	vpush v7, $0x4;
	s13 =	ssub.s32 s13, s4;
	s4 =	rddreg [dreg:$0x1e]  }
0x31d: {  	s3 =	sadd.s32 s23, s3;
	[smem:$0x7E4] =	sst s6  }
0x31e: {  	s28 =	spop (v2sf);
	s1 =	sadd.s32 s11, s1;
	[smem:$0x7E6] =	sst s3  }
0x31f: {  	s24 =	sshra.s32 s28, $0x1F;
	[smem:$0x7E5] =	sst s1  }
0x320: {  	s6 =	smul.u32 $0xB40B40B5, s24;
	s1 =	sadd.s32 s7, s13;
	s7 =	rddreg [dreg:$0x1f]  }
0x321: {  	s23 =	smulhi.u32 $0xB40B40B5, s14;
	[smem:$0x7E8] =	sst s1  }
0x322: {  	s13 =	smulhi.u32 $0xB40B40B5, s10;
	[smem:$0x7E7] =	sst s6  }
0x323: {  	s3 =	ssub.s32 s23, s14;
	s14 =	sld [smem:$0x7BF]  }
0x324: {  	s1 =	ssub.s32 s13, s10;
	s13 =	sld [smem:$0x7C1]  }
0x325: {  	s3 =	sadd.s32 s25, s3;
	s25 =	rddreg [dreg:$0x1d]  }
0x326: {  	s1 =	sadd.s32 s7, s1;
	s7 =	sld [smem:$0x7C2];
	s23 =	smulhi.u32 $0xB40B40B5, s14  }
0x327: {  	[smem:$0x7F1] =	sst s3;
	s24 =	smulhi.u32 $0xB40B40B5, s13  }
0x328: {  	vm3 =	vlt.s32 v10, $0x1;
	[smem:$0x7ED] =	sst s1  }
0x329: {  	vm3 =	vmand vm3, vm4;
	s11 =	ssub.s32 s23, s14;
	s3 =	ssub.s32 s24, s13;
	s13 =	rddreg [dreg:$0x17]  }
0x32a: {  	v36 =	vsel vm3, $0xFFFFFFFF, v0;
	s23 =	smulhi.u32 $0xB40B40B5, s7;
	s1 =	sadd.s32 s25, s11;
	s25 =	sld [smem:$0x7C3]  }
0x32b: {  	(v2sf) =	vpush v7, $0x5;
	v12 =	vadd.s32 v36, v12;
	s14 =	spop (v2sf);
	s3 =	sadd.s32 s13, s3;
	[smem:$0x7EA] =	sst s1  }
0x32c: {  	vm3 =	vlt.s32 v12, $0x12F;
	s6 =	smulhi.u32 $0xB40B40B5, s4;
	s24 =	sshra.s32 s14, $0x1F;
	[smem:$0x7EF] =	sst s3  }
0x32d: {  	v12 =	vnsel vm3, $0x12F, v12;
	s1 =	ssub.s32 s23, s7;
	s23 =	smul.u32 $0xB40B40B5, s24;
	s24 =	sld [smem:$0x7C4]  }
0x32e: {  	v40 =	vshll.u32 v12, $0x2;
	v12 =	vmul.u32 $0xFFFFFFA5, v12;
	s3 =	ssub.s32 s6, s4;
	s6 =	rddreg [dreg:$0x1a]  }
0x32f: {  	v41 =	vcombine.low v14, v13;
	s4 =	sld [smem:$0x7CD]  }
0x330: {  	v12 =	vadd.s32 v10, v12;
	[smem:$0x7E9] =	sst s23  }
0x331: {  	[tilespmem:$0x3E80] =	vst v12;
	v13 =	vperm.xlane v42, v6;
	v12 =	vperm.xlane v41, v5;
	v47 =	vmov s25;
	s25 =	rddreg [dreg:$0x16]  }
0x332: {  	s23 =	sld [smem:$0x7C6]  }
0x333: {  	v12 =	vsel vm8, v13, v12;
	s11 =	smulhi.u32 $0xB40B40B5, s6;
	v13 =	vsel vm0, s24, v47;
	s24 =	sld [smem:$0x7C5]  }
0x334: {  	s1 =	sadd.s32 s25, s1;
	s25 =	rddreg [dreg:$0x15]  }
0x335: {  	s6 =	ssub.s32 s11, s6;
	s11 =	sld [smem:$0x7C7]  }
0x336: {  	[smem:$0x7F2] =	sst s1  }
0x337: {  	s1 =	sadd.s32 s25, s3;
	s25 =	rddreg [dreg:$0x13]  }
0x338: {  	s3 =	sld [smem:$0x7D5]  }
0x339: {  	[smem:$0x7EB] =	sst s1  }
0x33a: {  	s13 =	spop (v2sf);
	s1 =	rddreg [dreg:$0x1b];
	s25 =	sadd.s32 s25, s6  }
0x33b: {  	s6 =	rddreg [dreg:$0x14];
	v13 =	vsel vm1, s24, v13;
	s10 =	smulhi.u32 $0xB40B40B5, s1;
	s24 =	sshra.s32 s13, $0x1F  }
0x33c: {  	v13 =	vsel vm2, s23, v13;
	s23 =	smul.u32 $0xB40B40B5, s24;
	s24 =	rddreg [dreg:$0x18]  }
0x33d: {  	s7 =	smulhi.u32 $0xB40B40B5, s11;
	s1 =	ssub.s32 s10, s1;
	s10 =	sld [smem:$0x7C8]  }
0x33e: {  	s1 =	sadd.s32 s6, s1;
	s6 =	sld [smem:$0x7CB]  }
0x33f: {  	s7 =	ssub.s32 s7, s11;
	[smem:$0x7EC] =	sst s1  }
0x340: {  	(v2sf) =	vpush v7, $0x6;
	s1 =	sadd.s32 s24, s7;
	s24 =	sld [smem:$0x7CA]  }
0x341: {  	(v2sf) =	vpush v7, $0x7;
	s11 =	smulhi.u32 $0xB40B40B5, s10;
	[smem:$0x7EE] =	sst s1  }
0x342: {  	s1 =	sld [smem:$0x7C9]  }
0x343: {  	v51 =	vmov s2;
	s2 =	ssub.s32 s11, s10;
	s10 =	rddreg [dreg:$0x1c]  }
0x344: {  	s11 =	smulhi.u32 $0xB40B40B5, s6;
	s2 =	sadd.s32 s29, s2;
	s29 =	sld [smem:$0x7CE]  }
0x345: {  	v10 =	vld [tilespmem:$0x3E50];
	s7 =	smulhi.u32 $0xB40B40B5, s1;
	[smem:$0x7F0] =	sst s2  }
0x346: {  	s11 =	ssub.s32 s11, s6;
	s6 =	sld [smem:$0x7CF]  }
0x347: {  	s2 =	smulhi.u32 $0xB40B40B5, s4;
	s1 =	ssub.s32 s7, s1;
	s7 =	sld [smem:$0x7CC]  }
0x348: {  	s1 =	sadd.s32 s10, s1;
	s10 =	sld [smem:$0x7D0]  }
0x349: {  	v56 =	vnsel vm5, $0x0, v54;
	s2 =	ssub.s32 s2, s4;
	s4 =	sld [smem:$0x7D2]  }
0x34a: {  	(v2sf) =	vpush v10, $0xD;
	v16 =	vsel vm0, s29, v56;
	s29 =	sld [smem:$0x7D3]  }
0x34b: {  	[smem:$0x7F3] =	sst s1;
	s1 =	sadd.s32 s6, s11  }
0x34c: {  	v52 =	vsel vm0, s24, v51;
	[smem:$0x7F4] =	sst s1  }
0x34d: {  	v55 =	vsel vm1, s7, v52;
	s7 =	sld [smem:$0x7D1];
	s1 =	smulhi.u32 $0xB40B40B5, s10  }
0x34e: {  	v18 =	vor.u32 $0x1, v40;
	(v2sf) =	vpush v10, $0xC;
	s2 =	sadd.s32 s29, s2;
	s29 =	sld [smem:$0x7D4]  }
0x34f: {  	v17 =	vor.u32 $0x2, v40;
	s30 =	spop (v2sf);
	s1 =	ssub.s32 s1, s10  }
0x350: {  	v19 =	vor.u32 $0x3, v40;
	v12 =	vadd.s32 v11, v12;
	s11 =	spop (v2sf);
	v16 =	vsel vm1, s7, v16;
	s1 =	sadd.s32 s3, s1;
	s3 =	sld [smem:$0x7D6]  }
0x351: {  	v48 =	vshrl.u32 v12, $0x1F;
	v12 =	vshra.s32 v12, $0x6;
	s6 =	smulhi.u32 $0xB40B40B5, s4;
	s7 =	sshra.s32 s11, $0x1F;
	v16 =	vsel vm2, s29, v16;
	s29 =	sld [smem:$0x7D7]  }
0x352: {  	s31 =	simm.s32 $0xD80;
	v12 =	vadd.s32 v48, v12;
	[smem:$0x7F5] =	sst s2;
	s10 =	smul.u32 $0xB40B40B5, s7  }
0x353: {  	v45 =	vld.idx.msk [tilespmem:v18+s31+$0x0], $0xffff;
	v18 =	vmul.u32 $0xFFFFFFA5, v12;
	s7 =	ssub.s32 s6, s4;
	s4 =	sld [smem:$0x7D8];
	s6 =	smulhi.u32 $0xB40B40B5, s3  }
0x354: {  	v50 =	vsub.s32 $0x0, v11;
	v43 =	vld.idx.msk [tilespmem:v40+s31+$0x0], $0xffff;
	[smem:$0x7F6] =	sst s1;
	s1 =	smulhi.u32 $0xB40B40B5, s26;
	v16 =	vsel vm6, s29, v16  }
0x355: {  	vm3 =	vlt.s32 v11, $0x1;
	v46 =	vld.idx.msk [tilespmem:v19+s31+$0x0], $0xffff;
	vm4 =	vne.s32 v18, v50;
	v16 =	vsel vm9, s0, v16;
	s0 =	smulhi.u32 $0xB40B40B5, s17;
	s6 =	ssub.s32 s6, s3;
	s3 =	sld [smem:$0x7DA]  }
0x356: {  	v44 =	vld.idx.msk [tilespmem:v17+s31+$0x0], $0xffff;
	(v2sf) =	vpush v10, $0xE;
	vm3 =	vmand vm3, vm4;
	s1 =	ssub.s32 s1, s26;
	s26 =	sld [smem:$0x7DD]  }
0x357: {  	v53 =	vsel vm3, $0xFFFFFFFF, v0;
	s0 =	ssub.s32 s0, s17;
	s17 =	sld [smem:$0x7DE]  }
0x358: {  	v12 =	vadd.s32 v53, v12;
	v62 =	vsel vm10, s3, v16;
	s3 =	sld [smem:$0x7DB]  }
0x359: {  	vm3 =	vlt.s32 v12, $0x12F;
	s29 =	sadd.s32 s4, s7;
	s4 =	spop (v2sf);
	s7 =	sld [smem:$0x7D9]  }
0x35a: {  	v49 =	vadd.f32 v46, v45;
	v12 =	vnsel vm3, $0x12F, v12;
	s1 =	sadd.s32 s26, s1;
	s0 =	sadd.s32 s17, s0;
	s17 =	sld [smem:$0x7DF]  }
0x35b: {  	v14 =	vadd.f32 v44, v43;
	v57 =	vshll.u32 v12, $0x2;
	v12 =	vmul.u32 $0xFFFFFFA5, v12;
	s26 =	smulhi.u32 $0xB40B40B5, s12;
	s2 =	sadd.s32 s3, s6;
	s6 =	sld [smem:$0x7DC]  }
0x35c: {  	[smem:$0x7F7] =	sst s2;
	s2 =	smulhi.u32 $0xB40B40B5, s15  }
0x35d: {  	v15 =	vmul.f32 $5.000000000e-01, v49;
	v14 =	vmul.f32 $5.000000000e-01, v14;
	v11 =	vadd.s32 v11, v12;
	[smem:$0x7F9] =	sst s0;
	s3 =	spop (v2sf)  }
0x35e: {  	[tilespmem:$0x3E90] =	vst v11;
	v11 =	vsel vm7, s6, v62;
	s6 =	ssub.s32 s2, s15;
	s15 =	smulhi.u32 $0xB40B40B5, s5;
	s2 =	sshra.s32 s3, $0x1F  }
0x35f: {  	v14 =	vadd.f32 v15, v14;
	(v2sf) =	vpush v10, $0xF;
	s17 =	sadd.s32 s17, s6;
	s6 =	smul.u32 $0xB40B40B5, s2;
	s2 =	sld [smem:$0x7E0]  }
0x360: {  	s0 =	ssub.s32 s26, s12;
	s12 =	ssub.s32 s15, s5;
	s15 =	sld [smem:$0x7E1]  }
0x361: {  	v14 =	vmul.f32 $5.000000000e-01, v14  }
0x362: {  	(v2sf) =	vpush v10, $0x9;
	v15 =	vsel vm2, s7, v55;
	[smem:$0x7F8] =	sst s1  }
0x363: {  	vm3 =	vgt.f32 v14, $5.000000000e-01;
	v58 =	vor.u32 $0x2, v57;
	v13 =	vcombine.low v15, v13;
	s26 =	sadd.s32 s2, s0;
	s0 =	sadd.s32 s15, s12;
	s12 =	smulhi.u32 $0xB40B40B5, s9  }
0x364: {  	v59 =	vsel vm3, $0x1, v0;
	v60 =	vor.u32 $0x1, v57;
	s1 =	sld [smem:$0x7E2];
	s5 =	smulhi.u32 $0xB40B40B5, s8  }
0x365: {  	v61 =	vor.u32 $0x3, v57;
	v13 =	vperm.xlane v13, v5;
	v11 =	vperm.xlane v11, v6;
	s2 =	spop (v2sf);
	s9 =	ssub.s32 s12, s9;
	s12 =	sld [smem:$0x7E3]  }
0x366: {  	[tilespmem:$0x3F00] =	vst v59;
	s5 =	ssub.s32 s5, s8;
	s15 =	smulhi.u32 $0xB40B40B5, s18;
	s8 =	sshra.s32 s2, $0x1F  }
0x367: {  	(v2sf) =	vpush v10, $0x8;
	v63 =	vld.idx.msk [tilespmem:v57+s31+$0x0], $0xffff;
	v11 =	vsel vm8, v11, v13;
	[smem:$0x7FB] =	sst s0;
	s0 =	sadd.s32 s1, s5;
	s5 =	smul.u32 $0xB40B40B5, s8  }
0x368: {  	v14 =	vld.idx.msk [tilespmem:v58+s31+$0x0], $0xffff;
	v11 =	vadd.s32 v9, v11;
	s1 =	sld [smem:$0x7E5];
	s8 =	sadd.s32 s12, s9;
	s12 =	smulhi.u32 $0xB40B40B5, s28  }
0x369: {  	v19 =	vld.idx.msk [tilespmem:v60+s31+$0x0], $0xffff;
	v20 =	vshrl.u32 v11, $0x1F;
	v11 =	vshra.s32 v11, $0x6;
	s15 =	ssub.s32 s15, s18;
	s18 =	sld [smem:$0x7E4];
	s9 =	smulhi.u32 $0xB40B40B5, s14  }
0x36a: {  	v12 =	vld.idx.msk [tilespmem:v61+s31+$0x0], $0xffff;
	v11 =	vadd.s32 v20, v11;
	s12 =	ssub.s32 s12, s28;
	s28 =	sld [smem:$0x7E6]  }
0x36b: {  	s24 =	sshra.s32 s30, $0x1F;
	v13 =	vmul.u32 $0xFFFFFFA5, v11;
	s9 =	ssub.s32 s9, s14;
	s14 =	sld [smem:$0x7E8]  }
0x36c: {  	v21 =	vsub.s32 $0x0, v9;
	v24 =	vmov s25;
	s25 =	sld [smem:$0x7EA];
	s24 =	smul.u32 $0xB40B40B5, s24;
	s7 =	sshra.s32 s4, $0x1F;
	v22 =	vmov s1  }
0x36d: {  	s7 =	smul.u32 $0xB40B40B5, s7;
	vm4 =	vne.s32 v13, v21;
	v13 =	vsel vm0, s28, v22;
	s28 =	sld [smem:$0x7E7]  }
0x36e: {  	v14 =	vadd.f32 v14, v63;
	s15 =	sadd.s32 s18, s15;
	s18 =	spop (v2sf);
	v13 =	vsel vm1, s14, v13;
	s14 =	sld [smem:$0x7E9]  }
0x36f: {  	v12 =	vadd.f32 v12, v19;
	(v2sf) =	vpush v10, $0xA;
	[smem:$0x7FA] =	sst s0;
	s1 =	smulhi.u32 $0xB40B40B5, s13;
	s0 =	sshra.s32 s18, $0x1F  }
0x370: {  	v25 =	vmov s25;
	s25 =	sld [smem:$0x7EB];
	(v2sf) =	vpush v10, $0xB;
	s28 =	sadd.s32 s28, s12;
	s12 =	smul.u32 $0xB40B40B5, s0  }
0x371: {  	v14 =	vmul.f32 $5.000000000e-01, v14;
	v12 =	vmul.f32 $5.000000000e-01, v12;
	s9 =	sadd.s32 s14, s9;
	s14 =	ssub.s32 s1, s13;
	s1 =	smulhi.u32 $0xB40B40B5, s30  }
0x372: {  	(v2sf) =	vpush v10, $0x1;
	s13 =	smulhi.u32 $0xB40B40B5, s11;
	s0 =	sadd.s32 s23, s14;
	s14 =	spop (v2sf)  }
0x373: {  	v12 =	vadd.f32 v12, v14;
	v14 =	vnsel vm5, $0x0, v24;
	s23 =	smulhi.u32 $0xB40B40B5, s4;
	s1 =	ssub.s32 s1, s30;
	s30 =	sshra.s32 s14, $0x1F  }
0x374: {  	v14 =	vsel vm0, s25, v14;
	s25 =	ssub.s32 s13, s11;
	s11 =	smulhi.u32 $0xB40B40B5, s3;
	s24 =	sadd.s32 s24, s1  }
0x375: {  	s13 =	smul.u32 $0xB40B40B5, s30;
	s4 =	ssub.s32 s23, s4;
	s23 =	sld [smem:$0x7EC]  }
0x376: {  	s1 =	sadd.s32 s10, s25;
	s10 =	spop (v2sf);
	s25 =	sld [smem:$0x7ED]  }
0x377: {  	vm3 =	vlt.s32 v9, $0x1;
	(v2sf) =	vpush v10, $0x0;
	[smem:$0x7FC] =	sst s1;
	s7 =	sadd.s32 s7, s4;
	s3 =	ssub.s32 s11, s3  }
0x378: {  	vm3 =	vmand vm3, vm4;
	s1 =	smulhi.u32 $0xB40B40B5, s2;
	s30 =	sadd.s32 s6, s3;
	s6 =	sld [smem:$0x7F0]  }
0x379: {  	(v2sf) =	vpush v10, $0x2;
	v23 =	vsel vm3, $0xFFFFFFFF, v0;
	s11 =	smulhi.u32 $0xB40B40B5, s18;
	s4 =	sshra.s32 s10, $0x1F;
	v31 =	vsel vm0, s25, v25;
	s25 =	sld [smem:$0x7EE]  }
0x37a: {  	v12 =	vmul.f32 $5.000000000e-01, v12;
	v11 =	vadd.s32 v23, v11;
	s1 =	ssub.s32 s1, s2;
	s2 =	smul.u32 $0xB40B40B5, s4;
	s4 =	sld [smem:$0x7EF]  }
0x37b: {  	(v2sf) =	vpush v10, $0x3;
	vm3 =	vlt.s32 v11, $0x12F;
	v27 =	vsel vm1, s23, v14;
	s18 =	ssub.s32 s11, s18;
	s11 =	sld [smem:$0x7F3]  }
0x37c: {  	v11 =	vnsel vm3, $0x12F, v11;
	vm3 =	vgt.f32 v12, $5.000000000e-01;
	s23 =	smulhi.u32 $0xB40B40B5, s14;
	v12 =	vsel vm2, s25, v27;
	s25 =	sld [smem:$0x7F1]  }
0x37d: {  	(v2sf) =	vpush v10, $0x4;
	v33 =	vsel vm1, s4, v31;
	s4 =	sadd.s32 s5, s1;
	s1 =	smulhi.u32 $0xB40B40B5, s10;
	v12 =	vsel vm6, s6, v12;
	s6 =	sld [smem:$0x7F2]  }
0x37e: {  	v26 =	vshll.u32 v11, $0x2;
	v11 =	vmul.u32 $0xFFFFFFA5, v11;
	s3 =	ssub.s32 s23, s14;
	s5 =	spop (v2sf);
	v12 =	vsel vm9, s11, v12;
	s11 =	sadd.s32 s12, s18  }
0x37f: {  	v36 =	vmov s29;
	(v2sf) =	vpush v10, $0x5;
	s18 =	sld [smem:$0x7F4];
	s12 =	spop (v2sf);
	s1 =	ssub.s32 s1, s10  }
0x380: {  	v9 =	vadd.s32 v9, v11;
	v13 =	vsel vm2, s25, v13;
	s25 =	sld [smem:$0x7F5];
	s29 =	sshra.s32 s12, $0x1F;
	v35 =	vsel vm2, s6, v33;
	s6 =	smulhi.u32 $0xB40B40B5, s5  }
0x381: {  	v28 =	vsel vm3, $0x1, v0;
	v30 =	vor.u32 $0x1, v26;
	[tilespmem:$0x3EA0] =	vst v9;
	v9 =	vld [tilespmem:$0x3E60];
	s10 =	sadd.s32 s2, s1;
	s2 =	spop (v2sf);
	s1 =	smul.u32 $0xB40B40B5, s29  }
0x382: {  	v32 =	vor.u32 $0x3, v26;
	(v2sf) =	vpush v10, $0x6;
	s23 =	sshra.s32 s5, $0x1F;
	s14 =	smulhi.u32 $0xB40B40B5, s2;
	v12 =	vsel vm10, s18, v12;
	s18 =	sld [smem:$0x7F6]  }
0x383: {  	v29 =	vor.u32 $0x2, v26;
	(v2sf) =	vpush v10, $0x7;
	v12 =	vsel vm7, s25, v12;
	s25 =	sadd.s32 s13, s3;
	s3 =	smul.u32 $0xB40B40B5, s23;
	s23 =	sld [smem:$0x7F7]  }
0x384: {  	[tilespmem:$0x3F10] =	vst v28;
	s29 =	sld [smem:$0x7F8];
	s13 =	smulhi.u32 $0xB40B40B5, s12  }
0x385: {  	v34 =	vld.idx.msk [tilespmem:v26+s31+$0x0], $0xffff;
	v13 =	vcombine.low v35, v13;
	s5 =	ssub.s32 s6, s5;
	s6 =	sshra.s32 s2, $0x1F;
	s2 =	ssub.s32 s14, s2;
	v16 =	vsel vm0, s18, v36  }
0x386: {  	v11 =	vld.idx.msk [tilespmem:v30+s31+$0x0], $0xffff;
	(v2sf) =	vpush v9, $0xD;
	v16 =	vsel vm1, s23, v16;
	s23 =	sadd.s32 s3, s5;
	s3 =	smul.u32 $0xB40B40B5, s6;
	s5 =	spop (v2sf)  }
0x387: {  	v15 =	vld.idx.msk [tilespmem:v32+s31+$0x0], $0xffff;
	v13 =	vperm.xlane v13, v5;
	v12 =	vperm.xlane v12, v6;
	s18 =	ssub.s32 s13, s12;
	v37 =	vsel vm2, s29, v16;
	s12 =	smulhi.u32 $0xB40B40B5, s5;
	s29 =	sshra.s32 s5, $0x1F  }
0x388: {  	v17 =	vld.idx.msk [tilespmem:v29+s31+$0x0], $0xffff;
	s6 =	sadd.s32 s1, s18;
	s13 =	spop (v2sf);
	s1 =	smul.u32 $0xB40B40B5, s29  }
0x389: {  	v39 =	vmov s17;
	s14 =	sld [smem:$0x7F9];
	v12 =	vsel vm8, v12, v13;
	s17 =	smulhi.u32 $0xB40B40B5, s13;
	s18 =	sshra.s32 s13, $0x1F  }
0x38a: {  	v40 =	vsub.s32 $0x0, v8;
	(v2sf) =	vpush v9, $0xC;
	v12 =	vadd.s32 v8, v12;
	s2 =	sadd.s32 s3, s2;
	s3 =	smul.u32 $0xB40B40B5, s18;
	s18 =	spop (v2sf)  }
0x38b: {  	(v2sf) =	vpush v9, $0xE;
	v38 =	vshrl.u32 v12, $0x1F;
	v12 =	vshra.s32 v12, $0x6;
	s5 =	ssub.s32 s12, s5;
	s12 =	smulhi.u32 $0xB40B40B5, s18;
	s29 =	sshra.s32 s18, $0x1F  }
0x38c: {  	v11 =	vadd.f32 v15, v11;
	v15 =	vsel vm0, s14, v39;
	v12 =	vadd.s32 v38, v12;
	s14 =	sadd.s32 s1, s5;
	s5 =	spop (v2sf);
	s1 =	smul.u32 $0xB40B40B5, s29  }
0x38d: {  	v14 =	vadd.f32 v17, v34;
	(v2sf) =	vpush v9, $0xF;
	v16 =	vmul.u32 $0xFFFFFFA5, v12;
	s13 =	ssub.s32 s17, s13;
	s17 =	smulhi.u32 $0xB40B40B5, s5  }
0x38e: {  	v43 =	vmov s8;
	vm3 =	vlt.s32 v8, $0x1;
	(v2sf) =	vpush v9, $0x9;
	s29 =	sshra.s32 s5, $0x1F;
	s8 =	sadd.s32 s3, s13;
	s13 =	spop (v2sf)  }
0x38f: {  	v14 =	vmul.f32 $5.000000000e-01, v14;
	v11 =	vmul.f32 $5.000000000e-01, v11;
	vm4 =	vne.s32 v16, v40;
	s3 =	smul.u32 $0xB40B40B5, s29;
	s12 =	ssub.s32 s12, s18;
	s29 =	sld [smem:$0x7FA]  }
0x390: {  	v44 =	vnsel vm5, $0x0, v43;
	v41 =	vsel vm1, s26, v15;
	s18 =	smulhi.u32 $0xB40B40B5, s13;
	s26 =	sshra.s32 s13, $0x1F;
	vm3 =	vmand vm3, vm4;
	s12 =	sadd.s32 s1, s12  }
0x391: {  	v11 =	vadd.f32 v11, v14;
	(v2sf) =	vpush v9, $0x8;
	s1 =	smul.u32 $0xB40B40B5, s26;
	s26 =	spop (v2sf);
	s5 =	ssub.s32 s17, s5;
	v42 =	vsel vm3, $0xFFFFFFFF, v0  }
0x392: {  	s5 =	sadd.s32 s3, s5;
	s17 =	spop (v2sf);
	v12 =	vadd.s32 v42, v12;
	v15 =	vsel vm0, s29, v44;
	s29 =	sshra.s32 s26, $0x1F  }
0x393: {  	v11 =	vmul.f32 $5.000000000e-01, v11;
	s13 =	ssub.s32 s18, s13;
	vm3 =	vlt.s32 v12, $0x12F;
	s3 =	smul.u32 $0xB40B40B5, s29;
	s29 =	sshra.s32 s17, $0x1F  }
0x394: {  	(v2sf) =	vpush v9, $0xA;
	s13 =	sadd.s32 s1, s13;
	v15 =	vsel vm1, s15, v15;
	v45 =	vnsel vm3, $0x12F, v12;
	s1 =	smul.u32 $0xB40B40B5, s29;
	s29 =	sld [smem:$0x7FB]  }
0x395: {  	vm4 =	vgt.f32 v11, $5.000000000e-01;
	s15 =	smulhi.u32 $0xB40B40B5, s26;
	v15 =	vsel vm2, s28, v15;
	v11 =	vmul.u32 $0xFFFFFFA5, v45  }
0x396: {  	s18 =	smulhi.u32 $0xB40B40B5, s17;
	v15 =	vsel vm6, s9, v15;
	s9 =	spop (v2sf)  }
0x397: {  	(v2sf) =	vpush v9, $0xB;
	s15 =	ssub.s32 s15, s26;
	s26 =	smulhi.u32 $0xB40B40B5, s9;
	v8 =	vadd.s32 v8, v11;
	v14 =	vsel vm2, s29, v41;
	s29 =	sshra.s32 s9, $0x1F  }
0x398: {  	s17 =	ssub.s32 s18, s17;
	v12 =	vshll.u32 v45, $0x2;
	[tilespmem:$0x3EB0] =	vst v8;
	v8 =	vsel vm9, s0, v15;
	s0 =	smul.u32 $0xB40B40B5, s29;
	s29 =	sld [smem:$0x7FC]  }
0x399: {  	(v2sf) =	vpush v9, $0x1;
	v47 =	vor.u32 $0x2, v12;
	s15 =	sadd.s32 s3, s15;
	s17 =	sadd.s32 s1, s17;
	v8 =	vsel vm10, s24, v8;
	s24 =	spop (v2sf)  }
0x39a: {  	v46 =	vsel vm4, $0x1, v0;
	v48 =	vor.u32 $0x1, v12;
	v49 =	vor.u32 $0x3, v12;
	s26 =	ssub.s32 s26, s9;
	s18 =	smulhi.u32 $0xB40B40B5, s24;
	s28 =	spop (v2sf)  }
0x39b: {  	v13 =	vcombine.low v14, v37;
	(v2sf) =	vpush v9, $0x0;
	s3 =	sadd.s32 s0, s26;
	v8 =	vsel vm7, s29, v8;
	s29 =	sshra.s32 s24, $0x1F;
	s9 =	smulhi.u32 $0xB40B40B5, s28  }
0x39c: {  	v52 =	vmov s30;
	[tilespmem:$0x3F20] =	vst v46;
	s26 =	spop (v2sf);
	s1 =	smul.u32 $0xB40B40B5, s29;
	s29 =	sshra.s32 s28, $0x1F  }
0x39d: {  	v12 =	vld.idx.msk [tilespmem:v12+s31+$0x0], $0xffff;
	v13 =	vperm.xlane v13, v5;
	(v2sf) =	vpush v9, $0x2;
	v8 =	vperm.xlane v8, v6;
	s18 =	ssub.s32 s18, s24;
	s24 =	smulhi.u32 $0xB40B40B5, s26;
	s30 =	spop (v2sf)  }
0x39e: {  	v50 =	vld.idx.msk [tilespmem:v47+s31+$0x0], $0xffff;
	(v2sf) =	vpush v9, $0x3;
	s0 =	smul.u32 $0xB40B40B5, s29;
	s29 =	sshra.s32 s26, $0x1F;
	s9 =	ssub.s32 s9, s28  }
0x39f: {  	v51 =	vld.idx.msk [tilespmem:v48+s31+$0x0], $0xffff;
	s28 =	sshra.s32 s30, $0x1F;
	v8 =	vsel vm8, v8, v13;
	s18 =	sadd.s32 s1, s18;
	s29 =	smul.u32 $0xB40B40B5, s29  }
0x3a0: {  	v55 =	vsub.s32 $0x0, v7;
	v11 =	vld.idx.msk [tilespmem:v49+s31+$0x0], $0xffff;
	v8 =	vadd.s32 v7, v8;
	s1 =	sadd.s32 s0, s9;
	s0 =	smul.u32 $0xB40B40B5, s28;
	s28 =	spop (v2sf)  }
0x3a1: {  	(v2sf) =	vpush v9, $0x4;
	s9 =	ssub.s32 s24, s26;
	v53 =	vshrl.u32 v8, $0x1F;
	v8 =	vshra.s32 v8, $0x6;
	s24 =	smulhi.u32 $0xB40B40B5, s28  }
0x3a2: {  	v58 =	vmov s10;
	s26 =	sshra.s32 s28, $0x1F;
	v14 =	vadd.s32 v53, v8;
	v8 =	vsel vm0, s7, v52;
	s7 =	smulhi.u32 $0xB40B40B5, s30  }
0x3a3: {  	v60 =	vsel vm0, s25, v58;
	v61 =	vmov s14;
	(v2sf) =	vpush v9, $0x5;
	s26 =	smul.u32 $0xB40B40B5, s26  }
0x3a4: {  	(v2sf) =	vpush v9, $0x6;
	v12 =	vadd.f32 v50, v12;
	v56 =	vsel vm1, s4, v8;
	s4 =	sadd.s32 s29, s9;
	s29 =	spop (v2sf);
	v8 =	vld [tilespmem:$0x3E70];
	s25 =	ssub.s32 s24, s28  }
0x3a5: {  	v11 =	vadd.f32 v11, v51;
	v54 =	vmul.u32 $0xFFFFFFA5, v14;
	v57 =	vsel vm2, s11, v56;
	s7 =	ssub.s32 s7, s30;
	s11 =	smulhi.u32 $0xB40B40B5, s29;
	s30 =	sshra.s32 s29, $0x1F  }
0x3a6: {  	vm3 =	vlt.s32 v7, $0x1;
	v15 =	vnsel vm5, $0x0, v61;
	v12 =	vmul.f32 $5.000000000e-01, v12;
	s9 =	sadd.s32 s0, s7;
	s0 =	smul.u32 $0xB40B40B5, s30;
	s7 =	spop (v2sf)  }
0x3a7: {  	v11 =	vmul.f32 $5.000000000e-01, v11;
	s10 =	sadd.s32 s26, s25;
	vm4 =	vne.s32 v54, v55;
	(v2sf) =	vpush v9, $0x7;
	s24 =	smulhi.u32 $0xB40B40B5, s7;
	s28 =	sshra.s32 s7, $0x1F  }
0x3a8: {  	v15 =	vsel vm0, s2, v15;
	vm3 =	vmand vm3, vm4;
	s25 =	spop (v2sf);
	s11 =	ssub.s32 s11, s29;
	s14 =	smul.u32 $0xB40B40B5, s28  }
0x3a9: {  	v11 =	vadd.f32 v11, v12;
	v59 =	vsel vm3, $0xFFFFFFFF, v0;
	s28 =	smulhi.u32 $0xB40B40B5, s25;
	s29 =	sshra.s32 s25, $0x1F;
	s2 =	sadd.s32 s0, s11;
	(v2sf) =	vpush v8, $0xD  }
0x3aa: {  	v15 =	vsel vm1, s8, v15;
	v12 =	vadd.s32 v59, v14;
	s11 =	smul.u32 $0xB40B40B5, s29;
	s8 =	ssub.s32 s24, s7;
	s26 =	spop (v2sf)  }
0x3ab: {  	v11 =	vmul.f32 $5.000000000e-01, v11;
	vm3 =	vlt.s32 v12, $0x12F;
	(v2sf) =	vpush v8, $0xC;
	s0 =	sadd.s32 s14, s8;
	s7 =	smulhi.u32 $0xB40B40B5, s26;
	s24 =	sshra.s32 s26, $0x1F  }
0x3ac: {  	v15 =	vsel vm2, s12, v15;
	v14 =	vsel vm1, s23, v60;
	s25 =	ssub.s32 s28, s25;
	v62 =	vnsel vm3, $0x12F, v12;
	s14 =	spop (v2sf);
	s8 =	smul.u32 $0xB40B40B5, s24  }
0x3ad: {  	vm4 =	vgt.f32 v11, $5.000000000e-01;
	(v2sf) =	vpush v8, $0xE;
	v11 =	vmul.u32 $0xFFFFFFA5, v62;
	s28 =	smulhi.u32 $0xB40B40B5, s14;
	s29 =	sshra.s32 s14, $0x1F;
	s24 =	spop (v2sf)  }
0x3ae: {  	v15 =	vsel vm6, s5, v15;
	v14 =	vsel vm2, s6, v14;
	s5 =	sadd.s32 s11, s25;
	v12 =	vshll.u32 v62, $0x2;
	s12 =	smul.u32 $0xB40B40B5, s29;
	s25 =	sshra.s32 s24, $0x1F  }
0x3af: {  	(v2sf) =	vpush v8, $0xF;
	v21 =	vor.u32 $0x2, v12;
	s11 =	ssub.s32 s7, s26;
	v7 =	vadd.s32 v7, v11;
	s6 =	smul.u32 $0xB40B40B5, s25  }
0x3b0: {  	v63 =	vsel vm4, $0x1, v0;
	v22 =	vor.u32 $0x1, v12;
	s11 =	sadd.s32 s8, s11;
	s8 =	spop (v2sf);
	[tilespmem:$0x3EC0] =	vst v7;
	v7 =	vsel vm9, s13, v15;
	s13 =	smulhi.u32 $0xB40B40B5, s24  }
0x3b1: {  	v23 =	vor.u32 $0x3, v12;
	(v2sf) =	vpush v8, $0x9;
	s26 =	ssub.s32 s28, s14;
	s28 =	smulhi.u32 $0xB40B40B5, s8;
	s29 =	sshra.s32 s8, $0x1F;
	v7 =	vsel vm10, s15, v7  }
0x3b2: {  	v13 =	vcombine.low v14, v57;
	[tilespmem:$0x3F30] =	vst v63;
	s7 =	sadd.s32 s12, s26;
	s15 =	smul.u32 $0xB40B40B5, s29;
	v7 =	vsel vm7, s17, v7;
	s17 =	spop (v2sf)  }
0x3b3: {  	(v2sf) =	vpush v8, $0x8;
	v12 =	vld.idx.msk [tilespmem:v12+s31+$0x0], $0xffff;
	s13 =	ssub.s32 s13, s24;
	s25 =	smulhi.u32 $0xB40B40B5, s17;
	s29 =	sshra.s32 s17, $0x1F  }
0x3b4: {  	v29 =	vsub.s32 $0x0, v10;
	v13 =	vperm.xlane v13, v5;
	s8 =	ssub.s32 s28, s8;
	v24 =	vld.idx.msk [tilespmem:v21+s31+$0x0], $0xffff;
	v7 =	vperm.xlane v7, v6;
	s26 =	spop (v2sf);
	s23 =	smul.u32 $0xB40B40B5, s29  }
0x3b5: {  	v26 =	vmov s18;
	v30 =	vmov s10;
	v25 =	vld.idx.msk [tilespmem:v22+s31+$0x0], $0xffff;
	s6 =	sadd.s32 s6, s13;
	(v2sf) =	vpush v8, $0xA;
	s28 =	smulhi.u32 $0xB40B40B5, s26;
	s29 =	sshra.s32 s26, $0x1F  }
0x3b6: {  	vm3 =	vlt.s32 v10, $0x1;
	v33 =	vmov s11;
	v11 =	vld.idx.msk [tilespmem:v23+s31+$0x0], $0xffff;
	s8 =	sadd.s32 s15, s8;
	v7 =	vsel vm8, v7, v13;
	s12 =	smul.u32 $0xB40B40B5, s29;
	s18 =	spop (v2sf)  }
0x3b7: {  	v14 =	vnsel vm5, $0x0, v33;
	(v2sf) =	vpush v8, $0xB;
	s17 =	ssub.s32 s25, s17;
	v7 =	vadd.s32 v10, v7;
	s24 =	smulhi.u32 $0xB40B40B5, s18;
	s25 =	sshra.s32 s18, $0x1F  }
0x3b8: {  	v13 =	vsel vm0, s3, v26;
	s3 =	sadd.s32 s23, s17;
	v27 =	vshrl.u32 v7, $0x1F;
	v7 =	vshra.s32 v7, $0x6;
	s13 =	smul.u32 $0xB40B40B5, s25;
	s17 =	spop (v2sf)  }
0x3b9: {  	v14 =	vsel vm0, s5, v14;
	(v2sf) =	vpush v8, $0x1;
	s26 =	ssub.s32 s28, s26;
	v7 =	vadd.s32 v27, v7;
	s28 =	smulhi.u32 $0xB40B40B5, s17;
	s29 =	sshra.s32 s17, $0x1F  }
0x3ba: {  	v13 =	vsel vm1, s1, v13;
	s12 =	sadd.s32 s12, s26;
	v12 =	vadd.f32 v24, v12;
	v28 =	vmul.u32 $0xFFFFFFA5, v7;
	s23 =	spop (v2sf);
	s1 =	smul.u32 $0xB40B40B5, s29  }
0x3bb: {  	v14 =	vsel vm1, s7, v14;
	v11 =	vadd.f32 v11, v25;
	s24 =	ssub.s32 s24, s18;
	(v2sf) =	vpush v8, $0x0;
	s25 =	smulhi.u32 $0xB40B40B5, s23;
	s26 =	sshra.s32 s23, $0x1F  }
0x3bc: {  	v13 =	vsel vm2, s4, v13;
	v12 =	vmul.f32 $5.000000000e-01, v12;
	s10 =	sadd.s32 s13, s24;
	vm4 =	vne.s32 v28, v29;
	s13 =	spop (v2sf);
	s4 =	smul.u32 $0xB40B40B5, s26  }
0x3bd: {  	v11 =	vmul.f32 $5.000000000e-01, v11;
	(v2sf) =	vpush v8, $0x2;
	vm3 =	vmand vm3, vm4;
	s28 =	ssub.s32 s28, s17;
	s14 =	smulhi.u32 $0xB40B40B5, s13;
	s29 =	sshra.s32 s13, $0x1F  }
0x3be: {  	v32 =	vsel vm0, s9, v30;
	v14 =	vsel vm2, s6, v14;
	s24 =	spop (v2sf);
	v31 =	vsel vm3, $0xFFFFFFFF, v0;
	s1 =	sadd.s32 s1, s28;
	s18 =	smul.u32 $0xB40B40B5, s29  }
0x3bf: {  	v11 =	vadd.f32 v11, v12;
	(v2sf) =	vpush v8, $0x3;
	s25 =	ssub.s32 s25, s23;
	s26 =	smulhi.u32 $0xB40B40B5, s24;
	s28 =	sshra.s32 s24, $0x1F;
	v7 =	vadd.s32 v31, v7  }
0x3c0: {  	v14 =	vsel vm6, s8, v14;
	v12 =	vsel vm1, s2, v32;
	s17 =	spop (v2sf);
	s2 =	sadd.s32 s4, s25;
	s29 =	smul.u32 $0xB40B40B5, s28;
	vm3 =	vlt.s32 v7, $0x12F  }
0x3c1: {  	(v2sf) =	vpush v8, $0x4;
	v11 =	vmul.f32 $5.000000000e-01, v11;
	s13 =	ssub.s32 s14, s13;
	s7 =	smulhi.u32 $0xB40B40B5, s17;
	s14 =	sshra.s32 s17, $0x1F;
	v7 =	vnsel vm3, $0x12F, v7  }
0x3c2: {  	v39 =	vsel vm9, s3, v14;
	s4 =	sadd.s32 s18, s13;
	s9 =	smul.u32 $0xB40B40B5, s14;
	s13 =	spop (v2sf);
	v34 =	vshll.u32 v7, $0x2;
	v7 =	vmul.u32 $0xFFFFFFA5, v7  }
0x3c3: {  	s15 =	ssub.s32 s26, s24;
	(v2sf) =	vpush v8, $0x5;
	vm4 =	vgt.f32 v11, $5.000000000e-01;
	s18 =	smulhi.u32 $0xB40B40B5, s13;
	s23 =	sshra.s32 s13, $0x1F;
	v36 =	vor.u32 $0x2, v34  }
0x3c4: {  	s5 =	sadd.s32 s29, s15;
	v35 =	vsel vm4, $0x1, v0;
	s25 =	smul.u32 $0xB40B40B5, s23;
	v37 =	vor.u32 $0x1, v34;
	s24 =	spop (v2sf);
	v7 =	vadd.s32 v10, v7  }
0x3c5: {  	s7 =	ssub.s32 s7, s17;
	v38 =	vor.u32 $0x3, v34;
	(v2sf) =	vpush v8, $0x6;
	s26 =	smulhi.u32 $0xB40B40B5, s24;
	s28 =	sshra.s32 s24, $0x1F;
	[tilespmem:$0x3ED0] =	vst v7;
	v7 =	vsel vm2, s0, v12  }
0x3c6: {  	s7 =	sadd.s32 s9, s7;
	[tilespmem:$0x3F40] =	vst v35;
	s29 =	spop (v2sf);
	v12 =	vsel vm10, s12, v39;
	s3 =	smul.u32 $0xB40B40B5, s28;
	v7 =	vcombine.low v7, v13  }
0x3c7: {  	s11 =	ssub.s32 s18, s13;
	(v2sf) =	vpush v8, $0x7;
	s13 =	smulhi.u32 $0xB40B40B5, s29;
	s15 =	sshra.s32 s29, $0x1F;
	v12 =	vsel vm7, s10, v12;
	v11 =	vld.idx.msk [tilespmem:v34+s31+$0x0], $0xffff  }
0x3c8: {  	s6 =	sadd.s32 s25, s11;
	s17 =	spop (v2sf);
	s18 =	smul.u32 $0xB40B40B5, s15;
	v12 =	vperm.xlane v12, v6;
	v40 =	vld.idx.msk [tilespmem:v36+s31+$0x0], $0xffff;
	v7 =	vperm.xlane v7, v5  }
0x3c9: {  	s0 =	ssub.s32 s26, s24;
	s23 =	smulhi.u32 $0xB40B40B5, s17;
	s24 =	sshra.s32 s17, $0x1F;
	v41 =	vld.idx.msk [tilespmem:v37+s31+$0x0], $0xffff  }
0x3ca: {  	s0 =	sadd.s32 s3, s0;
	s26 =	smul.u32 $0xB40B40B5, s24;
	v10 =	vld.idx.msk [tilespmem:v38+s31+$0x0], $0xffff;
	s25 =	spop (v2sf);
	v7 =	vsel vm8, v12, v7  }
0x3cb: {  	s10 =	ssub.s32 s13, s29;
	v7 =	vadd.s32 v9, v7;
	s28 =	smulhi.u32 $0xB40B40B5, s25;
	s29 =	sshra.s32 s25, $0x1F  }
0x3cc: {  	s9 =	sadd.s32 s18, s10;
	s10 =	spop (v2sf);
	v42 =	vshrl.u32 v7, $0x1F;
	v7 =	vshra.s32 v7, $0x6;
	s14 =	smul.u32 $0xB40B40B5, s29  }
0x3cd: {  	v45 =	vsub.s32 $0x0, v9;
	v43 =	vmov s2;
	s15 =	ssub.s32 s23, s17;
	s17 =	smulhi.u32 $0xB40B40B5, s10;
	s18 =	sshra.s32 s10, $0x1F;
	v7 =	vadd.s32 v42, v7  }
0x3ce: {  	vm3 =	vlt.s32 v9, $0x1;
	v12 =	vsel vm0, s1, v43;
	s1 =	sadd.s32 s26, s15;
	s23 =	spop (v2sf);
	s24 =	smul.u32 $0xB40B40B5, s18;
	v44 =	vmul.u32 $0xFFFFFFA5, v7  }
0x3cf: {  	v46 =	vmov s6;
	v11 =	vadd.f32 v40, v11;
	v10 =	vadd.f32 v10, v41;
	s25 =	ssub.s32 s28, s25;
	s26 =	smulhi.u32 $0xB40B40B5, s23;
	s28 =	sshra.s32 s23, $0x1F  }
0x3d0: {  	v13 =	vsel vm0, s7, v46;
	v12 =	vsel vm1, s4, v12;
	s29 =	spop (v2sf);
	s4 =	sadd.s32 s14, s25;
	s12 =	smul.u32 $0xB40B40B5, s28;
	vm4 =	vne.s32 v44, v45  }
0x3d1: {  	s8 =	ssub.s32 s17, s10;
	s10 =	smulhi.u32 $0xB40B40B5, s29;
	s14 =	sshra.s32 s29, $0x1F;
	v11 =	vmul.f32 $5.000000000e-01, v11;
	v10 =	vmul.f32 $5.000000000e-01, v10;
	vm3 =	vmand vm3, vm4  }
0x3d2: {  	v13 =	vsel vm1, s0, v13;
	s3 =	sadd.s32 s24, s8;
	s15 =	spop (v2sf);
	s17 =	smul.u32 $0xB40B40B5, s14;
	v48 =	vmov s4;
	v47 =	vsel vm3, $0xFFFFFFFF, v0  }
0x3d3: {  	s18 =	ssub.s32 s26, s23;
	s23 =	smulhi.u32 $0xB40B40B5, s15;
	s24 =	sshra.s32 s15, $0x1F;
	v10 =	vadd.f32 v10, v11;
	v11 =	vnsel vm5, $0x0, v48;
	v7 =	vadd.s32 v47, v7  }
0x3d4: {  	v13 =	vsel vm2, s9, v13;
	s0 =	sadd.s32 s12, s18;
	s4 =	smul.u32 $0xB40B40B5, s24;
	s25 =	spop (v2sf);
	v11 =	vsel vm0, s1, v11;
	vm3 =	vlt.s32 v7, $0x12F  }
0x3d5: {  	s26 =	ssub.s32 s10, s29;
	v10 =	vmul.f32 $5.000000000e-01, v10;
	s28 =	smulhi.u32 $0xB40B40B5, s25;
	s29 =	sshra.s32 s25, $0x1F;
	v11 =	vsel vm1, s3, v11;
	v7 =	vnsel vm3, $0x12F, v7  }
0x3d6: {  	v12 =	vsel vm2, s5, v12;
	s1 =	sadd.s32 s17, s26;
	s10 =	spop (v2sf);
	s9 =	smul.u32 $0xB40B40B5, s29;
	v11 =	vsel vm2, s0, v11;
	v49 =	vshll.u32 v7, $0x2  }
0x3d7: {  	s11 =	ssub.s32 s23, s15;
	s12 =	smulhi.u32 $0xB40B40B5, s10;
	s13 =	sshra.s32 s10, $0x1F;
	vm3 =	vgt.f32 v10, $5.000000000e-01;
	v7 =	vmul.u32 $0xFFFFFFA5, v7;
	v50 =	vor.u32 $0x2, v49  }
0x3d8: {  	s0 =	sadd.s32 s4, s11;
	v11 =	vsel vm6, s1, v11;
	s14 =	ssub.s32 s28, s25;
	s15 =	smul.u32 $0xB40B40B5, s13;
	v51 =	vsel vm3, $0x1, v0;
	v52 =	vor.u32 $0x1, v49  }
0x3d9: {  	v11 =	vsel vm9, s0, v11;
	s17 =	sadd.s32 s9, s14;
	s18 =	ssub.s32 s12, s10;
	[tilespmem:$0x3F50] =	vst v51;
	v53 =	vor.u32 $0x3, v49;
	v7 =	vadd.s32 v9, v7  }
0x3da: {  	v11 =	vsel vm10, s17, v11;
	s23 =	sadd.s32 s15, s18;
	[tilespmem:$0x3EE0] =	vst v7;
	v7 =	vcombine.low v13, v12  }
0x3db: {  	v11 =	vsel vm7, s23, v11;
	v10 =	vld.idx.msk [tilespmem:v49+s31+$0x0], $0xffff  }
0x3dc: {  	v11 =	vperm.xlane v11, v6;
	v7 =	vperm.xlane v7, v5;
	v54 =	vld.idx.msk [tilespmem:v50+s31+$0x0], $0xffff  }
0x3dd: {  	v55 =	vld.idx.msk [tilespmem:v52+s31+$0x0], $0xffff  }
0x3de: {  	v9 =	vld.idx.msk [tilespmem:v53+s31+$0x0], $0xffff;
	v7 =	vsel vm8, v11, v7  }
0x3df: {  	v7 =	vadd.s32 v8, v7  }
0x3e0: {  	v56 =	vshrl.u32 v7, $0x1F;
	v7 =	vshra.s32 v7, $0x6  }
0x3e1: {  	v7 =	vadd.s32 v56, v7  }
0x3e2: {  	v11 =	vmul.u32 $0xFFFFFFA5, v7  }
0x3e3: {  	v57 =	vsub.s32 $0x0, v8;
	v10 =	vadd.f32 v54, v10;
	v9 =	vadd.f32 v9, v55  }
0x3e4: {  	vm4 =	vlt.s32 v8, $0x1;
	vm3 =	vne.s32 v11, v57  }
0x3e5: {  	v10 =	vmul.f32 $5.000000000e-01, v10;
	v9 =	vmul.f32 $5.000000000e-01, v9;
	vm3 =	vmand vm4, vm3  }
0x3e6: {  	v58 =	vsel vm3, $0xFFFFFFFF, v0  }
0x3e7: {  	v9 =	vadd.f32 v9, v10;
	v7 =	vadd.s32 v58, v7  }
0x3e8: {  	vm3 =	vlt.s32 v7, $0x12F  }
0x3e9: {  	v9 =	vmul.f32 $5.000000000e-01, v9;
	v7 =	vnsel vm3, $0x12F, v7  }
0x3ea: {  	v59 =	vshll.u32 v7, $0x2  }
0x3eb: {  	vm3 =	vgt.f32 v9, $5.000000000e-01;
	v7 =	vmul.u32 $0xFFFFFFA5, v7;
	v60 =	vor.u32 $0x2, v59  }
0x3ec: {  	v61 =	vsel vm3, $0x1, v0;
	v62 =	vor.u32 $0x1, v59  }
0x3ed: {  	[tilespmem:$0x3F60] =	vst v61;
	v7 =	vadd.s32 v8, v7;
	v8 =	vor.u32 $0x3, v59  }
0x3ee: {  	[tilespmem:$0x3EF0] =	vst v7  }
0x3ef: {  	v7 =	vld.idx.msk [tilespmem:v59+s31+$0x0], $0xffff  }
0x3f0: {  	v9 =	vld.idx.msk [tilespmem:v60+s31+$0x0], $0xffff  }
0x3f1: {  	v63 =	vld.idx.msk [tilespmem:v62+s31+$0x0], $0xffff  }
0x3f2: {  	v8 =	vld.idx.msk [tilespmem:v8+s31+$0x0], $0xffff;
	_ =	sdelay $0x4  }
0x3f3: {  	v7 =	vadd.f32 v9, v7;
	v8 =	vadd.f32 v8, v63;
	_ =	sdelay $0x1  }
0x3f4: {  	v7 =	vmul.f32 $5.000000000e-01, v7;
	v8 =	vmul.f32 $5.000000000e-01, v8;
	_ =	sdelay $0x1  }
0x3f5: {  	v7 =	vadd.f32 v8, v7;
	_ =	sdelay $0x1  }
0x3f6: {  	v7 =	vmul.f32 $5.000000000e-01, v7;
	_ =	sdelay $0x1  }
0x3f7: {  	vm3 =	vgt.f32 v7, $5.000000000e-01  }
0x3f8: {  	v7 =	vsel vm3, $0x1, v0  }
0x3f9: {  	s24 =	rddreg [dreg:$0xc];
	s15 =	simm.s32 $0x0;
	s31 =	simm.s32 $0x1;
	[tilespmem:$0x3F70] =	vst v7  }
0x3fa: {  	[hbm4b:s24+s15] =	stream.linear.scatter [tilespmem:s19], [sflag:$0x1], $0x80, $0x38;
	[tilespmem:$0x5080] =	vst v63  }
0x3fb: {  	_ =	swait.ge [sflag:s31], $0x80  }
0x3fc: {  	[sflag:s31] =	ssyncset.done $0x0  }
0x3fd: {  	s26 =	simm.s32 $0x3E80;
	s25 =	rddreg [dreg:$0xd];
	[sflag:s31] =	ssyncadd.s32 $0xFFFFFF80  }
0x3fe: {  	[hbm4b:s25+s15] =	stream.linear.scatter [tilespmem:s26], [sflag:$0x1], $0x80, $0x38;
	[tilespmem:$0x5080] =	vst v63  }
0x3ff: {  	_ =	swait.ge [sflag:s31], $0x80  }
0x400: {  	[sflag:s31] =	ssyncset.done $0x0  }
0x401: {  	s29 =	simm.s32 $0x3F00;
	s28 =	rddreg [dreg:$0xe];
	[sflag:s31] =	ssyncadd.s32 $0xFFFFFF80  }
0x402: {  	[hbm4b:s28+s15] =	stream.linear.scatter [tilespmem:s29], [sflag:$0x1], $0x80, $0x38;
	[tilespmem:$0x5080] =	vst v63  }
0x403: {  	_ =	swait.ge [sflag:s31], $0x80  }
0x404: {  	s17 =	rddreg [dreg:$0x6]  }
0x405: {  	s18 =	rddreg [dreg:$0x7]  }
0x406: {  	s23 =	rddreg [dreg:$0x8]  }
.Ltmp36:
0x407: {  	s24 =	rddreg [dreg:$0x9];
	(pc) =	sbr.rel .LBB2_84-.Ltmp36, $4  }
0x408: {  	s25 =	rddreg [dreg:$0xf]  }
0x409: {  	s26 =	rddreg [dreg:$0x10]  }
0x40a: {  	[sflag:s31] =	ssyncset.done $0x0;
	s30 =	rddreg [dreg:$0x11]  }
0x40b: {  	s0 =	rddreg [dreg:$0x12];
	[sflag:s31] =	ssyncadd.s32 $0xFFFFFF80  }
.LBB2_50:
0x40c: {  	v9 =	vmctz.xlane vm3;
	_ =	sdelay $0x1  }
0x40d: {  	(v2sf) =	vpush v9, $0x0;
	_ =	sdelay $0xe  }
0x40e: {  	s0 =	spop (v2sf)  }
0x40f: {  	s1 =	sshll.u32 s0, $0x4  }
0x410: {  	v10 =	vld [tilespmem:s1+$0x1280]  }
0x411: {  	v11 =	vld [tilespmem:s1+$0x2000];
	_ =	sdelay $0x4  }
0x412: {  	vm3 =	veq.s32 v10, v7;
	v12 =	vxor.u32 $0x80000000, v11  }
0x413: {  	v12 =	vnsel vm3, $0x90000000, v12  }
0x414: {  	(xrf0) =	vmin.scan.msk.u32 $0xffff, v12;
	_ =	sdelay $0x5  }
0x415: {  	v12, _, _ =	vpop (xrf0)  }
0x416: {  	(v2sf) =	vpush v12, $0xF;
	_ =	sdelay $0xe  }
0x417: {  	s14 =	spop (v2sf)  }
0x418: {  	s0 =	sxor.u32 $0x80000000, s14  }
0x419: {  	vm4 =	veq.s32 v11, s0  }
0x41a: {  	vm3 =	vmand vm3, vm4  }
0x41b: {  	v10 =	vsel vm3, $0xFFFFFFFF, v10  }
0x41c: {  	v11 =	vxor.u32 $0x80000000, v10  }
0x41d: {  	(xrf0) =	vmax.scan.msk.u32 $0xffff, v11;
	_ =	sdelay $0x5  }
0x41e: {  	v11, _, _ =	vpop (xrf0)  }
0x41f: {  	(v2sf) =	vpush v11, $0xF;
	_ =	sdelay $0xd  }
0x420: {  	v9 =	vbroadcast v9, $0x0  }
0x421: {  	s2 =	spop (v2sf)  }
0x422: {  	vm3 =	veq.s32 v9, v1;
	s2 =	sxor.u32 $0x80000000, s2  }
0x423: {  	[tilespmem:s1+$0x1280] =	vst v10;
	v8 =	vsel vm3, s2, v8  }
.LBB2_70:
0x424: {  	v9 =	vmov s29;
	s29 =	sadd.s32 $0x1, s29  }
0x425: {  	p0 =	seq.s32 s29, $0x64  }
.Ltmp37:
0x426: {  	_ = 	snop;
	(pc) =	sbr.rel @p0 .LBB2_78-.Ltmp37, $3  }
0x427: {  	_ =	sdelay $0x1  }
0x428: {  	[tilespmem:v9+s19+$0x0] =	vst.idx.msk $0x1, v7;
	v7 =	vmov s0  }
0x429: {  	[tilespmem:v9+s20+$0x0] =	vst.idx.msk $0x1, v7  }
.LBB2_47:
0x42a: {  	v7 =	vxor.u32 $0x80000000, v8  }
0x42b: {  	(xrf0) =	vmax.scan.msk.u32 $0xffff, v7;
	_ =	sdelay $0x5  }
0x42c: {  	v7, _, _ =	vpop (xrf0)  }
0x42d: {  	(v2sf) =	vpush v7, $0xF;
	_ =	sdelay $0xe  }
0x42e: {  	s0 =	spop (v2sf)  }
0x42f: {  	s0 =	sxor.u32 $0x80000000, s0  }
0x430: {  	vm3 =	veq.s32 v8, s0  }
0x431: {  	v7 =	vmpcnt.ones.xlane vm3;
	_ =	sdelay $0x1  }
0x432: {  	(v2sf) =	vpush v7, $0x0;
	_ =	sdelay $0xe  }
0x433: {  	s1 =	spop (v2sf)  }
0x434: {  	p0 =	seq.s32 s1, $0x1  }
.Ltmp38:
0x435: {  	_ = 	snop;
	(pc) =	sbr.rel @p0 .LBB2_50-.Ltmp38, $2  }
0x436: {  	_ =	sdelay $0x2  }
0x437: {  	v7 =	vmov s0  }
.Ltmp39:
0x438: {  	(pc) =	sbr.rel @!p1 .LBB2_49-.Ltmp39, $1  }
0x439: {  	_ =	sdelay $0x3  }
0x43a: {  	s1 =	simm.s32 $0x1280  }
0x43b: {  	s0 =	simm.s32 $0x2000;
	p2 =	sne.s32 s28, $0x1;
	v10 =	vld [tilespmem:s1+$0x0]  }
.Ltmp40:
0x43c: {  	v9 =	vld [tilespmem:s0+$0x0];
	(pc) =	sbr.rel @!p2 .LBB2_53-.Ltmp40, $2  }
0x43d: {  	_ =	sdelay $0x2  }
0x43e: {  	v8 =	vimm.s32 $0x10000000;
	s2 =	simm.s32 $0x1290;
	s1 =	sadd.s32 $0xFFFFFFFF, s28;
	vm3 =	veq.s32 v10, v7  }
.LBB2_52:
0x43f: {  	v10 =	vld [tilespmem:s2+$0x0];
	p0 =	sne.s32 s1, $0x1;
	s1 =	sadd.s32 $0xFFFFFFFF, s1;
	v11 =	vnsel vm3, $0x10000000, v9;
	s0 =	sadd.s32 $0x10, s0  }
.Ltmp41:
0x440: {  	v9 =	vld [tilespmem:s0+$0x0];
	vm3 =	vlt.s32 v8, v11;
	(pc) =	sbr.rel @p0 .LBB2_52-.Ltmp41, $2  }
0x441: {  	v8 =	vsel vm3, v8, v11;
	_ =	sdelay $0x2  }
0x442: {  	s2 =	sadd.s32 $0x10, s2;
	vm3 =	veq.s32 v10, v7  }
.LBB2_53:
0x443: {  	v9 =	vnsel vm3, $0x10000000, v9  }
0x444: {  	vm3 =	vlt.s32 v8, v9  }
0x445: {  	v8 =	vsel vm3, v8, v9  }
0x446: {  	v8 =	vxor.u32 $0x80000000, v8  }
0x447: {  	(xrf0) =	vmin.scan.msk.u32 $0xffff, v8;
	_ =	sdelay $0x5  }
0x448: {  	v8, _, _ =	vpop (xrf0)  }
0x449: {  	(v2sf) =	vpush v8, $0xF;
	_ =	sdelay $0xc  }
.Ltmp42:
0x44a: {  	_ = 	snop;
	(pc) =	sbr.rel @!p2 .LBB2_55-.Ltmp42, $4  }
0x44b: {  	_ = 	snop  }
0x44c: {  	s2 =	simm.s32 $0x2000;
	s0 =	spop (v2sf)  }
0x44d: {  	s1 =	simm.s32 $0x1280;
	v10 =	vld [tilespmem:s2+$0x0];
	s0 =	sxor.u32 $0x80000000, s0  }
0x44e: {  	s4 =	sadd.s32 $0xFFFFFFFF, s28;
	s3 =	simm.s32 $0x1280;
	v9 =	vld [tilespmem:s1+$0x0];
	v8 =	vmov s0  }
.LBB2_54:
0x44f: {  	p0 =	sne.s32 s4, $0x1;
	_ =	sdelay $0x3  }
0x450: {  	vm3 =	veq.s32 v9, v7;
	vm4 =	veq.s32 v10, v8  }
.Ltmp43:
0x451: {  	vm3 =	vmand vm3, vm4;
	(pc) =	sbr.rel @p0 .LBB2_54-.Ltmp43, $4  }
0x452: {  	v9 =	vsel vm3, $0xFFFFFFFF, v9  }
0x453: {  	[tilespmem:s3+$0x0] =	vst v9;
	s3 =	sadd.s32 $0x10, s3  }
0x454: {  	s2 =	sadd.s32 $0x10, s2;
	v9 =	vld [tilespmem:s3+$0x0]  }
0x455: {  	s4 =	sadd.s32 $0xFFFFFFFF, s4;
	v10 =	vld [tilespmem:s2+$0x0]  }
.LBB2_55:
0x456: {  	_ =	sdelay $0x1  }
0x457: {  	p0 =	sne.s32 s28, $0x1  }
.Ltmp44:
0x458: {  	_ = 	snop;
	(pc) =	sbr.rel @!p0 .LBB2_56-.Ltmp44, $4  }
0x459: {  	vm3 =	veq.s32 v9, v7;
	vm4 =	veq.s32 v10, v8  }
0x45a: {  	s2 =	simm.s32 $0x0;
	vm3 =	vmand vm3, vm4  }
0x45b: {  	s4 =	simm.s32 $0x1;
	p2 =	por $0x0, $0x0;
	p3 =	por $0x0, $0x0;
	v8 =	vsel vm3, $0xFFFFFFFF, v9  }
0x45c: {  	p4 =	por $0x0, $0x0;
	p5 =	por $0x0, $0x0;
	p6 =	por $0x0, $0x0;
	[tilespmem:s3+$0x0] =	vst v8;
	v8 =	vimm.s32 $0xFFFFFFFF  }
0x45d: {  	v9 =	vld [tilespmem:s1+$0x0];
	p0 =	sne.s32 s28, $0x2  }
.Ltmp45:
0x45e: {  	_ = 	snop;
	(pc) =	sbr.rel @!p0 .LBB2_58-.Ltmp45, $2  }
0x45f: {  	_ =	sdelay $0x2  }
0x460: {  	s5 =	simm.s32 $0x2;
	s1 =	simm.s32 $0x1290;
	p2 =	por $0x1, $0x1;
	v9 =	vxor.u32 $0x80000000, v9  }
0x461: {  	v10 =	vld [tilespmem:s1+$0x0];
	p0 =	sne.s32 s28, $0x3  }
.Ltmp46:
0x462: {  	_ = 	snop;
	(pc) =	sbr.rel @!p0 .LBB2_60-.Ltmp46, $2  }
0x463: {  	_ =	sdelay $0x2  }
0x464: {  	(xrf0) =	vmax.scan.msk.u32 $0xffff, v9;
	s6 =	simm.s32 $0x3;
	s1 =	simm.s32 $0x12A0;
	p3 =	por $0x1, $0x1;
	v9 =	vxor.u32 $0x80000000, v10  }
0x465: {  	_ = 	snop  }
0x466: {  	v10 =	vld [tilespmem:s1+$0x0];
	p0 =	sne.s32 s28, $0x4  }
.Ltmp47:
0x467: {  	_ = 	snop;
	(pc) =	sbr.rel @!p0 .LBB2_62-.Ltmp47, $3  }
0x468: {  	_ =	sdelay $0x1  }
0x469: {  	(xrf0) =	vmax.scan.msk.u32 $0xffff, v9;
	v9, _, _ =	vpop (xrf0)  }
0x46a: {  	s3 =	simm.s32 $0x4;
	s1 =	simm.s32 $0x12B0;
	p4 =	por $0x1, $0x1;
	(v2sf) =	vpush v9, $0xF;
	v9 =	vxor.u32 $0x80000000, v10  }
0x46b: {  	_ =	sdelay $0x3  }
0x46c: {  	(xrf0) =	vmax.scan.msk.u32 $0xffff, v9;
	v9, _, _ =	vpop (xrf0)  }
0x46d: {  	(v2sf) =	vpush v9, $0xF;
	_ =	sdelay $0x2  }
0x46e: {  	v10 =	vld [tilespmem:s1+$0x0];
	p0 =	sne.s32 s28, $0x5  }
.Ltmp48:
0x46f: {  	_ = 	snop;
	(pc) =	sbr.rel @!p0 .LBB2_64-.Ltmp48, $2  }
0x470: {  	_ =	sdelay $0x2  }
0x471: {  	s11 =	simm.s32 $0x5;
	s1 =	simm.s32 $0x12C0;
	p5 =	por $0x1, $0x1;
	v9 =	vxor.u32 $0x80000000, v10  }
0x472: {  	v11, _, _ =	vpop (xrf0)  }
0x473: {  	(v2sf) =	vpush v11, $0xF;
	_ =	sdelay $0x1  }
0x474: {  	v10 =	vld [tilespmem:s1+$0x0];
	p0 =	sne.s32 s28, $0x6  }
.Ltmp49:
0x475: {  	_ = 	snop;
	(pc) =	sbr.rel @!p0 .LBB2_66-.Ltmp49, $4  }
0x476: {  	(xrf0) =	vmax.scan.msk.u32 $0xffff, v9  }
0x477: {  	s9 =	simm.s32 $0x6  }
0x478: {  	s7 =	spop (v2sf);
	s1 =	simm.s32 $0x12D0;
	p6 =	por $0x1, $0x1;
	v11 =	vmov s2  }
0x479: {  	s8 =	simm.s32 $0x1;
	s10 =	simm.s32 $0x2;
	s7 =	sxor.u32 $0x80000000, s7;
	vm9 =	veq.s32 v11, v1;
	v9 =	vxor.u32 $0x80000000, v10;
	v10 =	vimm.s32 $0xFFFFFFFF  }
.LBB2_67:
0x47a: {  	s12 =	smov.u32 s3  }
0x47b: {  	s3 =	smov.u32 s11;
	s11 =	smov.u32 s9;
	s9 =	sadd.s32 $0x1, s9  }
0x47c: {  	v11 =	vld [tilespmem:s1+$0x0];
	(xrf0) =	vmax.scan.msk.u32 $0xffff, v9;
	v9, _, _ =	vpop (xrf0);
	v10 =	vsel vm9, s7, v10;
	p0 =	sne.s32 s28, s9  }
.Ltmp50:
0x47d: {  	(v2sf) =	vpush v9, $0xF;
	(pc) =	sbr.rel @p0 .LBB2_67-.Ltmp50, $3  }
0x47e: {  	_ =	sdelay $0x1  }
0x47f: {  	v12 =	vmov s8;
	s8 =	smov.u32 s10;
	s10 =	smov.u32 s6;
	s7 =	spop (v2sf)  }
0x480: {  	s1 =	sadd.s32 $0x10, s1;
	vm9 =	veq.s32 v12, v1;
	s6 =	smov.u32 s12;
	v9 =	vxor.u32 $0x80000000, v11;
	s7 =	sxor.u32 $0x80000000, s7  }
0x481: {  	s9 =	smov.u32 s3;
	s3 =	smov.u32 s11  }
.LBB2_69:
0x482: {  	v11 =	vld [tilespmem:s1+$0x0];
	_ =	sdelay $0x3  }
0x483: {  	(xrf0) =	vmax.scan.msk.u32 @p2 $0xffff, v9  }
0x484: {  	v9 =	vxor.u32 $0x80000000, v11;
	_ =	sdelay $0x1  }
0x485: {  	(xrf0) =	vmax.scan.msk.u32 $0xffff, v9  }
0x486: {  	v9, _, _ =	vpop @p3 (xrf0)  }
0x487: {  	(v2sf) =	vpush @p3 v9, $0xF  }
0x488: {  	v9, _, _ =	vpop @p2 (xrf0)  }
0x489: {  	(v2sf) =	vpush @p2 v9, $0xF;
	_ =	sdelay $0x1  }
0x48a: {  	v9, _, _ =	vpop (xrf0)  }
0x48b: {  	(v2sf) =	vpush v9, $0xF;
	_ =	sdelay $0x4  }
0x48c: {  	s1 =	smov.u32 @p4 s10;
	s10 =	smov.u32 s2  }
0x48d: {  	s10 =	smov.u32 @p4 s1;
	s1 =	spop @p5 (v2sf);
	v9 =	vmov @p5 s8  }
0x48e: {  	v10 =	vsel @p6 vm9, s7, v10;
	s1 =	sxor.u32 @p5 $0x80000000, s1;
	vm3 =	veq.s32 @p5 v9, v1  }
0x48f: {  	s4 =	smov.u32 @p3 s6;
	s1 =	smov.u32 @p5 s1;
	s8 =	spop @p4 (v2sf);
	v9 =	vpsel p6, v10, v8;
	v10 =	vmov @p4 s10;
	vm3 =	vmmov @p5 vm3  }
0x490: {  	s5 =	smov.u32 @p2 s9;
	s4 =	smov.u32 @p3 s4;
	v9 =	vsel @p5 vm3, s1, v9;
	s1 =	sxor.u32 @p4 $0x80000000, s8;
	vm3 =	veq.s32 @p4 v10, v1  }
0x491: {  	s2 =	smov.u32 @p2 s5;
	v10 =	vmov @p3 s4;
	vm3 =	vmmov @p4 vm3;
	s1 =	smov.u32 @p4 s1;
	v9 =	vpsel p5, v9, v8;
	s4 =	spop @p3 (v2sf)  }
0x492: {  	s2 =	smov.u32 @p2 s2;
	v9 =	vsel @p4 vm3, s1, v9;
	vm3 =	veq.s32 @p3 v10, v1;
	s1 =	sxor.u32 @p3 $0x80000000, s4  }
0x493: {  	v10 =	vmov @p2 s2;
	vm3 =	vmmov @p3 vm3;
	v9 =	vpsel p4, v9, v8;
	s2 =	spop @p2 (v2sf);
	s1 =	smov.u32 @p3 s1  }
.Ltmp51:
0x494: {  	v9 =	vsel @p3 vm3, s1, v9;
	s1 =	sxor.u32 @p2 $0x80000000, s2;
	vm3 =	veq.s32 @p2 v10, v1;
	(pc) =	sbr.rel .LBB2_70-.Ltmp51, $4  }
0x495: {  	vm3 =	vmmov @p2 vm3;
	s1 =	smov.u32 @p2 s1;
	v9 =	vpsel p3, v9, v8  }
0x496: {  	v10 =	vmov s3;
	s14 =	spop (v2sf);
	v9 =	vsel @p2 vm3, s1, v9  }
0x497: {  	s1 =	sxor.u32 $0x80000000, s14;
	vm3 =	veq.s32 v10, v1;
	v8 =	vpsel p2, v9, v8  }
0x498: {  	v8 =	vsel vm3, s1, v8  }
.LBB2_49:
.Ltmp52:
0x499: {  	(pc) =	sbr.rel .LBB2_70-.Ltmp52, $2  }
0x49a: {  	_ =	sdelay $0x2  }
0x49b: {  	v8 =	vimm.s32 $0xFFFFFFFF;
	s0 =	smov.u32 s26  }
.LBB2_56:
.Ltmp53:
0x49c: {  	(pc) =	sbr.rel .LBB2_69-.Ltmp53, $2  }
0x49d: {  	_ =	sdelay $0x2  }
0x49e: {  	v10 =	vimm.s32 $0xFFFFFFFF;
	s3 =	simm.s32 $0x0  }
.LBB2_58:
.Ltmp54:
0x49f: {  	(pc) =	sbr.rel .LBB2_69-.Ltmp54, $2  }
0x4a0: {  	_ =	sdelay $0x2  }
0x4a1: {  	v10 =	vimm.s32 $0xFFFFFFFF;
	s9 =	simm.s32 $0x0;
	s3 =	simm.s32 $0x1  }
.LBB2_60:
.Ltmp55:
0x4a2: {  	(pc) =	sbr.rel .LBB2_69-.Ltmp55, $2  }
0x4a3: {  	_ =	sdelay $0x2  }
0x4a4: {  	v10 =	vimm.s32 $0xFFFFFFFF;
	s9 =	simm.s32 $0x1;
	s3 =	simm.s32 $0x2;
	s6 =	simm.s32 $0x0  }
.LBB2_62:
.Ltmp56:
0x4a5: {  	(pc) =	sbr.rel .LBB2_69-.Ltmp56, $3  }
0x4a6: {  	_ =	sdelay $0x1  }
0x4a7: {  	s9 =	simm.s32 $0x2  }
0x4a8: {  	v10 =	vimm.s32 $0xFFFFFFFF;
	s3 =	simm.s32 $0x3;
	s10 =	simm.s32 $0x0;
	s6 =	simm.s32 $0x1  }
.LBB2_64:
.Ltmp57:
0x4a9: {  	(pc) =	sbr.rel .LBB2_69-.Ltmp57, $3  }
0x4aa: {  	_ =	sdelay $0x1  }
0x4ab: {  	s9 =	simm.s32 $0x3  }
0x4ac: {  	v10 =	vimm.s32 $0xFFFFFFFF;
	s8 =	simm.s32 $0x0;
	s10 =	simm.s32 $0x1;
	s6 =	simm.s32 $0x2  }
.LBB2_66:
.Ltmp58:
0x4ad: {  	(pc) =	sbr.rel .LBB2_69-.Ltmp58, $3  }
0x4ae: {  	_ =	sdelay $0x1  }
0x4af: {  	s9 =	simm.s32 $0x4  }
0x4b0: {  	v10 =	vimm.s32 $0xFFFFFFFF;
	s3 =	simm.s32 $0x5;
	s8 =	simm.s32 $0x1;
	s10 =	simm.s32 $0x2  }
.LBB2_8:
.Ltmp59:
0x4b1: {  	(pc) =	sbr.rel .LBB2_19-.Ltmp59, $3  }
0x4b2: {  	_ =	sdelay $0x1  }
0x4b3: {  	s3 =	simm.s32 $0x0  }
0x4b4: {  	s6 =	simm.s32 $0x0;
	s8 =	simm.s32 $0x0;
	s1 =	simm.s32 $0x3F  }
.LBB2_10:
.Ltmp60:
0x4b5: {  	(pc) =	sbr.rel .LBB2_19-.Ltmp60, $3  }
0x4b6: {  	_ =	sdelay $0x1  }
0x4b7: {  	s3 =	simm.s32 $0x0;
	s6 =	simm.s32 $0x0  }
0x4b8: {  	s8 =	simm.s32 $0x0;
	s5 =	simm.s32 $0x3F;
	s1 =	simm.s32 $0x3E  }
.LBB2_12:
.Ltmp61:
0x4b9: {  	(pc) =	sbr.rel .LBB2_19-.Ltmp61, $3  }
0x4ba: {  	_ =	sdelay $0x1  }
0x4bb: {  	s3 =	simm.s32 $0x0;
	s6 =	simm.s32 $0x0  }
0x4bc: {  	s8 =	simm.s32 $0x0;
	s11 =	simm.s32 $0x3F;
	s5 =	simm.s32 $0x3E  }
.LBB2_14:
.Ltmp62:
0x4bd: {  	(pc) =	sbr.rel .LBB2_19-.Ltmp62, $4  }
0x4be: {  	_ = 	snop  }
0x4bf: {  	s3 =	simm.s32 $0x0  }
0x4c0: {  	s6 =	simm.s32 $0x0;
	s8 =	simm.s32 $0x0;
	s9 =	simm.s32 $0x3F  }
0x4c1: {  	s11 =	simm.s32 $0x3E;
	s5 =	simm.s32 $0x3D;
	s1 =	simm.s32 $0x3C  }
.LBB2_16:
.Ltmp63:
0x4c2: {  	(pc) =	sbr.rel .LBB2_19-.Ltmp63, $4  }
0x4c3: {  	_ = 	snop  }
0x4c4: {  	s7 =	simm.s32 $0x0  }
0x4c5: {  	s4 =	simm.s32 $0x3F;
	s6 =	simm.s32 $0x0;
	s8 =	simm.s32 $0x0  }
0x4c6: {  	s9 =	simm.s32 $0x3E;
	s11 =	simm.s32 $0x3D;
	s1 =	simm.s32 $0x3B  }
.LBB2_32:
.Ltmp64:
0x4c7: {  	(pc) =	sbr.rel .LBB2_45-.Ltmp64, $2  }
0x4c8: {  	_ =	sdelay $0x2  }
0x4c9: {  	v9 =	vimm.s32 $0xFFFFFFFF;
	s1 =	simm.s32 $0x0  }
.LBB2_34:
.Ltmp65:
0x4ca: {  	(pc) =	sbr.rel .LBB2_45-.Ltmp65, $2  }
0x4cb: {  	_ =	sdelay $0x2  }
0x4cc: {  	v9 =	vimm.s32 $0xFFFFFFFF;
	s8 =	simm.s32 $0x0;
	s1 =	simm.s32 $0x1  }
.LBB2_36:
.Ltmp66:
0x4cd: {  	(pc) =	sbr.rel .LBB2_45-.Ltmp66, $2  }
0x4ce: {  	_ =	sdelay $0x2  }
0x4cf: {  	v9 =	vimm.s32 $0xFFFFFFFF;
	s8 =	simm.s32 $0x1;
	s1 =	simm.s32 $0x2;
	s5 =	simm.s32 $0x0  }
.LBB2_38:
.Ltmp67:
0x4d0: {  	(pc) =	sbr.rel .LBB2_45-.Ltmp67, $3  }
0x4d1: {  	_ =	sdelay $0x1  }
0x4d2: {  	s8 =	simm.s32 $0x2  }
0x4d3: {  	v9 =	vimm.s32 $0xFFFFFFFF;
	s1 =	simm.s32 $0x3;
	s9 =	simm.s32 $0x0;
	s5 =	simm.s32 $0x1  }
.LBB2_40:
.Ltmp68:
0x4d4: {  	(pc) =	sbr.rel .LBB2_45-.Ltmp68, $3  }
0x4d5: {  	_ =	sdelay $0x1  }
0x4d6: {  	s8 =	simm.s32 $0x3  }
0x4d7: {  	v9 =	vimm.s32 $0xFFFFFFFF;
	s7 =	simm.s32 $0x0;
	s9 =	simm.s32 $0x1;
	s5 =	simm.s32 $0x2  }
.LBB2_42:
.Ltmp69:
0x4d8: {  	(pc) =	sbr.rel .LBB2_45-.Ltmp69, $3  }
0x4d9: {  	_ =	sdelay $0x1  }
0x4da: {  	s8 =	simm.s32 $0x4  }
0x4db: {  	v9 =	vimm.s32 $0xFFFFFFFF;
	s1 =	simm.s32 $0x5;
	s7 =	simm.s32 $0x1;
	s9 =	simm.s32 $0x2  }
.LBB2_85:
0x4dc: {  	_ =	sfence.sel $0x180000  }
0x4dd: {  	[bflag:$0x0] =	sbarrier.arrive $0xFFFF  }
0x4de: {  	_ =	strace $0x90000047  }
0x4df: {  	s0 =	stileid.u32;
	[bflag:$0x2] =	sbarrier.arrive $0xFFFF  }
0x4e0: {  	p0 =	sne.s32 s0, $0x0;
	s0 =	rddreg [dreg:$0x5]  }
0x4e1: {  	s0 =	sadd.s32 @!p0 $0x100000, s0  }
0x4e2: {  	[sflag:s0] =	ssyncadd.tile.s32 @!p0 $0x1;
	_ =	shalt  }
.Lfunc_end2:
_tile_overlayer_lowered:
.L_overlay_start_2:
0x4e3: {  	(tag) =	ssettag $0x2  }
0x4e4: {  	s0 =	rddreg [dreg:$0x0];
	s2 =	stileid.u32  }
0x4e5: {  	s1 =	rddreg [dreg:$0x1];
	p0 =	sne.s32 s2, $0x0  }
0x4e6: {  	s3 =	rddreg [dreg:$0x2];
	[bflag:$0x3] =	sbarrier.arrive $0xFFFF;
	s2 =	simm.s32 @!p0 $0x1C01  }
0x4e7: {  	[timem:s3], [sflag:s2] =	dma.local @!p0 [hbm:s0], s1  }
0x4e8: {  	s0 =	simm.s32 @!p0 $0x1  }
0x4e9: {  	_ =	swait.ge @!p0 [sflag:s0], s1  }
0x4ea: {  	s1 =	ssub.s32 @!p0 $0x0, s1;
	[sflag:s0] =	ssyncset.done @!p0 $0x0  }
0x4eb: {  	[sflag:s0] =	ssyncadd.s32 @!p0 s1  }
0x4ec: {  	[bflag:$0x3] =	sbarrier.arrive $0xFFFF  }
0x4ed: {  	_ =	shalt  }

</sc_bundles>
